<compile_context>
chip_gen: v7x
topology: tpu7x:2x2x1
jax: 0.10.2.dev20260603
libtpu: 0.0.44.dev20260713+nightly
codegen_flags: <defaults>
</compile_context>

<pallas_src>
import functools

import jax
import jax.numpy as jnp
from jax import lax
from jax.experimental import pallas as pl
from jax.experimental.pallas import tpu as pltpu
from jax.experimental.pallas import tpu_sc as plsc

_LANES = 16
_CHUNK = 40
_NBUF = 3
_NSC = 2
_NIX = 6


@functools.lru_cache(maxsize=None)
def _make_sc_aggregate(N, D, E):
    nw = 32
    epw = E // nw
    C = _CHUNK
    cpw = epw // C
    assert E % nw == 0 and epw % C == 0 and cpw > 2 * _NIX
    assert D % _LANES == 0 and C % 8 == 0 and epw % 8 == 0
    n_writers = 10
    rpw = N // n_writers
    assert N % n_writers == 0 and rpw % 8 == 0
    mesh = plsc.VectorSubcoreMesh(core_axis_name="c", subcore_axis_name="s")

    @functools.partial(
        pl.kernel,
        mesh=mesh,
        out_type=jax.ShapeDtypeStruct((2, N, D), jnp.float32),
        scratch_types=[
            pltpu.VMEM((_NBUF, C, D), jnp.float32),
            pltpu.VMEM((_NBUF, C, D), jnp.float32),
            pltpu.VMEM((_NSC, C, D), jnp.float32),
            pltpu.VMEM((_NIX, C), jnp.int32),
            pltpu.VMEM((_NIX, C), jnp.int32),
            pltpu.VMEM_SHARED((N, D), jnp.float32),
            pltpu.SemaphoreType.DMA,
            pltpu.SemaphoreType.DMA,
            pltpu.SemaphoreType.DMA,
            pltpu.SemaphoreType.DMA,
            pltpu.SemaphoreType.DMA,
            pltpu.SemaphoreType.DMA,
            pltpu.SemaphoreType.DMA,
            pltpu.SemaphoreType.DMA,
            pltpu.SemaphoreType.DMA,
            pltpu.SemaphoreType.DMA,
            pltpu.SemaphoreType.DMA,
        ],
    )
    def sck(x_hbm, src_hbm, dst_hbm, ea_hbm, out_hbm,
            ea_v, xg_v, sc_v, src_r, dst_r, aggr_sh,
            sem_in0, sem_in1, sem_in2, sem_sc0, sem_sc1,
            sem_ix0, sem_ix1, sem_ix2, sem_ix3, sem_ix4, sem_ix5):
        sem_in = (sem_in0, sem_in1, sem_in2)
        sem_sc = (sem_sc0, sem_sc1)
        sem_ix = (sem_ix0, sem_ix1, sem_ix2, sem_ix3, sem_ix4, sem_ix5)
        cid = lax.axis_index("c")
        sid = lax.axis_index("s")
        wid = sid * 2 + cid
        ebase = wid * epw

        def issue_ix(t, m):
            pltpu.async_copy(src_hbm.at[pl.ds(ebase + t * C, C)],
                             src_r.at[m], sem_ix[m])
            pltpu.async_copy(dst_hbm.at[pl.ds(ebase + t * C, C)],
                             dst_r.at[m], sem_ix[m])

        def wait_ix(m):
            pltpu.make_async_copy(src_hbm.at[pl.ds(0, C)],
                                  src_r.at[m], sem_ix[m]).wait()
            pltpu.make_async_copy(dst_hbm.at[pl.ds(0, C)],
                                  dst_r.at[m], sem_ix[m]).wait()

        def issue_in(t, b, m):
            pltpu.async_copy(x_hbm.at[src_r.at[m]], xg_v.at[b], sem_in[b])
            pltpu.async_copy(ea_hbm.at[pl.ds(ebase + t * C, C)],
                             ea_v.at[b], sem_in[b])

        def wait_in(b):
            pltpu.make_async_copy(ea_hbm.at[pl.ds(0, C)],
                                  ea_v.at[b], sem_in[b]).wait()
            pltpu.make_async_copy(x_hbm.at[src_r.at[0]],
                                  xg_v.at[b], sem_in[b]).wait()

        def wait_sc(b):
            pltpu.make_async_copy(sc_v.at[b],
                                  aggr_sh.at[dst_r.at[0]], sem_sc[b]).wait()

        for m in range(4):
            issue_ix(m, m)
        for b in range(_NBUF):
            wait_ix(b)
            issue_in(b, b, b)

        @pl.when(sid < n_writers)
        def _init():
            pltpu.sync_copy(x_hbm.at[pl.ds(sid * rpw, rpw)],
                            aggr_sh.at[pl.ds(sid * rpw, rpw)])
        plsc.subcore_barrier()

        def outer(i, carry):
            for u in range(_NIX):
                b = u % _NBUF
                v = u % _NSC
                t = i * _NIX + u

                @pl.when(t < cpw)
                def _process():
                    wait_in(b)

                    @pl.when(t >= _NSC)
                    def _():
                        wait_sc(v)

                    @pl.when(t + 4 < cpw)
                    def _():
                        issue_ix(t + 4, (u + 4) % _NIX)

                    def relu_row(r, c2):
                        for g in range(D // _LANES):
                            s = pl.ds(g * _LANES, _LANES)
                            sc_v[v, r, s] = jnp.maximum(
                                ea_v[b, r, s] + xg_v[b, r, s], 0.0)
                        return c2
                    lax.fori_loop(0, C, relu_row, 0)

                    pltpu.async_copy(sc_v.at[v], aggr_sh.at[dst_r.at[u]],
                                     sem_sc[v], add=True)

                    @pl.when(t + _NBUF < cpw)
                    def _():
                        m2 = (u + _NBUF) % _NIX
                        wait_ix(m2)
                        issue_in(t + _NBUF, b, m2)
            return carry
        lax.fori_loop(0, (cpw + _NIX - 1) // _NIX, outer, 0)
        for v in range(_NSC):
            wait_sc(v)

        plsc.subcore_barrier()

        @pl.when(sid < n_writers)
        def _writeback():
            pltpu.sync_copy(aggr_sh.at[pl.ds(sid * rpw, rpw)],
                            out_hbm.at[cid, pl.ds(sid * rpw, rpw)])

    return sck


def _dense_body(x_ref, a_ref, w1_ref, b1_ref, w2_ref, b2_ref, g_ref, be_ref, o_ref):
    xx = x_ref[...]
    h = a_ref[0] + a_ref[1] - xx
    t = jnp.maximum(
        jnp.dot(h, w1_ref[...], preferred_element_type=jnp.float32) + b1_ref[...], 0.0)
    r = xx + jnp.dot(t, w2_ref[...], preferred_element_type=jnp.float32) + b2_ref[...]
    mean = jnp.mean(r, axis=0, keepdims=True)
    c = r - mean
    var = jnp.mean(c * c, axis=0, keepdims=True)
    o_ref[...] = g_ref[...] * c * lax.rsqrt(var + 1e-5) + be_ref[...]


def kernel(x, edge_index, edge_attr, W1, b1, W2, b2, gamma, beta):
    N, D = x.shape
    E = edge_attr.shape[0]
    src = edge_index[0].astype(jnp.int32)
    dst = edge_index[1].astype(jnp.int32)

    aggr = _make_sc_aggregate(N, D, E)(x, src, dst, edge_attr)

    out = pl.pallas_call(
        _dense_body,
        out_shape=jax.ShapeDtypeStruct((N, D), jnp.float32),
    )(x, aggr, W1, b1.reshape(1, D), W2, b2.reshape(1, D),
      gamma.reshape(1, D), beta.reshape(1, D))
    return out

# --- scband reference (transcript-rebuilt; emitter-appended) ---
"""Pipeline reference for scband-local-model-74947179316231 (READ-ONLY COPY).

The authoritative reference and input builder live on the scoring server;
editing this copy changes nothing except your own understanding.
"""

import jax, jax.numpy as jnp
import numpy as np

N = 10000
E = 320000
D = 128

def setup_inputs(seed: int = 0) -> dict:
    key = jax.random.key(seed)
    ks = jax.random.split(key, 10)
    x = jax.random.normal(ks[0], (N, D), dtype=jnp.float32)
    edge_index = jax.random.randint(ks[1], (2, E), 0, N, dtype=jnp.int64)
    edge_attr = jax.random.normal(ks[2], (E, D), dtype=jnp.float32)
    # GINEConv gin_nn = Linear(D, D) -> ReLU -> Linear(D, D)
    s = 1.0 / np.sqrt(D)
    W1 = jax.random.uniform(ks[3], (D, D), dtype=jnp.float32, minval=-s, maxval=s)
    b1 = jax.random.uniform(ks[4], (D,), dtype=jnp.float32, minval=-s, maxval=s)
    W2 = jax.random.uniform(ks[5], (D, D), dtype=jnp.float32, minval=-s, maxval=s)
    b2 = jax.random.uniform(ks[6], (D,), dtype=jnp.float32, minval=-s, maxval=s)
    # BatchNorm1d affine params
    gamma = jnp.ones((D,), dtype=jnp.float32)
    beta = jnp.zeros((D,), dtype=jnp.float32)
    return {"x": x, "edge_index": edge_index, "edge_attr": edge_attr,
            "W1": W1, "b1": b1, "W2": W2, "b2": b2, "gamma": gamma, "beta": beta}

def reference(x, edge_index, edge_attr, W1, b1, W2, b2, gamma, beta):
    # PyG GINEConv (eps=0, train_eps=False):
    #   out = nn((1+eps)*x_i + sum_{j->i} ReLU(x_j + e_ji))
    src = edge_index[0]
    dst = edge_index[1]
    msg = jax.nn.relu(jnp.take(x, src, axis=0) + edge_attr)          # gather + add
    aggr = jnp.zeros_like(x).at[dst].add(msg)                        # scatter-add
    h = x + aggr                                                     # (1+0)*x + aggr
    h = jax.nn.relu(h @ W1 + b1) @ W2 + b2                           # gin_nn MLP
    # dropout p=0.0 -> identity; residual connection
    h = x + h
    # BatchNorm1d (training-mode batch statistics over node dim)
    mean = jnp.mean(h, axis=0)
    var = jnp.var(h, axis=0)
    out = gamma * (h - mean) / jnp.sqrt(var + 1e-5) + beta
    return out

if __name__ == "__main__":
    import jax
    _d = setup_inputs()
    print(jax.jit(kernel)(*tuple(_d.values())))

</pallas_src>

<mosaic_0001>
#map = affine_map<(d0, d1) -> (0, 0)>
#map1 = affine_map<(d0, d1) -> (0)>
#map2 = affine_map<(d0, d1) -> (0, 0, 0)>
module attributes {stable_mosaic.version = 14 : i64} {
  func.func @sck(%arg0: i32, %arg1: i32, %arg2: memref<10000x128xf32, #tpu.memory_space<hbm>>, %arg3: memref<320000xi32, #tpu.memory_space<hbm>>, %arg4: memref<320000xi32, #tpu.memory_space<hbm>>, %arg5: memref<320000x128xf32, #tpu.memory_space<hbm>>, %arg6: memref<2x10000x128xf32, #tpu.memory_space<hbm>>, %arg7: memref<3x40x128xf32, #tpu.memory_space<vmem>>, %arg8: memref<3x40x128xf32, #tpu.memory_space<vmem>>, %arg9: memref<2x40x128xf32, #tpu.memory_space<vmem>>, %arg10: memref<6x40xi32, #tpu.memory_space<vmem>>, %arg11: memref<6x40xi32, #tpu.memory_space<vmem>>, %arg12: memref<10000x128xf32, #tpu.memory_space<vmem_shared>>, %arg13: memref<!tpu.dma_semaphore, #tpu.memory_space<semaphore_mem>>, %arg14: memref<!tpu.dma_semaphore, #tpu.memory_space<semaphore_mem>>, %arg15: memref<!tpu.dma_semaphore, #tpu.memory_space<semaphore_mem>>, %arg16: memref<!tpu.dma_semaphore, #tpu.memory_space<semaphore_mem>>, %arg17: memref<!tpu.dma_semaphore, #tpu.memory_space<semaphore_mem>>, %arg18: memref<!tpu.dma_semaphore, #tpu.memory_space<semaphore_mem>>, %arg19: memref<!tpu.dma_semaphore, #tpu.memory_space<semaphore_mem>>, %arg20: memref<!tpu.dma_semaphore, #tpu.memory_space<semaphore_mem>>, %arg21: memref<!tpu.dma_semaphore, #tpu.memory_space<semaphore_mem>>, %arg22: memref<!tpu.dma_semaphore, #tpu.memory_space<semaphore_mem>>, %arg23: memref<!tpu.dma_semaphore, #tpu.memory_space<semaphore_mem>>) attributes {dimension_semantics = [#tpu.dimension_semantics<core_parallel>, #tpu.dimension_semantics<subcore_parallel>], iteration_bounds = array<i64: 2, 16>, scalar_prefetch = 0 : i64, scratch_operands = 17 : i64, tpu.core_type = #tpu.core_type<sc_vector_subcore>, window_params = [{transform_indices = #map}, {transform_indices = #map1}, {transform_indices = #map1}, {transform_indices = #map}, {transform_indices = #map2}]} {
    %mul3A = arith.constant 2 : i32
    %mul3A_0 = arith.muli %arg1, %mul3A : i32
    %add3A = arith.addi %mul3A_0, %arg0 : i32
    %mul3A_1 = arith.constant 10000 : i32
    %mul3A_2 = arith.muli %add3A, %mul3A_1 : i32
    %add3A_3 = arith.constant 0 : i32
    %add3A_4 = arith.addi %mul3A_2, %add3A_3 : i32
    %dma_start3A = arith.constant 0 : i32
    %dma_start3A_5 = arith.constant 0 : i32
    %dma_start3A_6 = tpu.memref_slice %arg10[%dma_start3A, %dma_start3A_5] : memref<6x40xi32, #tpu.memory_space<vmem>> -> memref<1x40xi32, #tpu.memory_space<vmem>>
    %dma_start3A_7 = tpu.memref_squeeze %dma_start3A_6 : memref<1x40xi32, #tpu.memory_space<vmem>> -> memref<40xi32, #tpu.memory_space<vmem>>
    %dma_start3A_8 = tpu.memref_slice %arg3[%add3A_4] : memref<320000xi32, #tpu.memory_space<hbm>> -> memref<40xi32, #tpu.memory_space<hbm>>
    %dma_start3A_9 = arith.constant 0 : i32
    %dma_start3A_10 = tpu.memref_slice %arg10[%dma_start3A, %dma_start3A_9] : memref<6x40xi32, #tpu.memory_space<vmem>> -> memref<1x40xi32, #tpu.memory_space<vmem>>
    %dma_start3A_11 = tpu.memref_squeeze %dma_start3A_10 : memref<1x40xi32, #tpu.memory_space<vmem>> -> memref<40xi32, #tpu.memory_space<vmem>>
    %dma_start3A_12 = tpu.memref_slice %arg3[%add3A_4] : memref<320000xi32, #tpu.memory_space<hbm>> -> memref<40xi32, #tpu.memory_space<hbm>>
    tpu.enqueue_dma source(%dma_start3A_12 : memref<40xi32, #tpu.memory_space<hbm>>) target(%dma_start3A_11 : memref<40xi32, #tpu.memory_space<vmem>>) target_semaphore(%arg18 : memref<!tpu.dma_semaphore, #tpu.memory_space<semaphore_mem>>)
    %add3A_13 = arith.constant 0 : i32
    %add3A_14 = arith.addi %mul3A_2, %add3A_13 : i32
    %dma_start3A_15 = arith.constant 0 : i32
    %dma_start3A_16 = arith.constant 0 : i32
    %dma_start3A_17 = tpu.memref_slice %arg11[%dma_start3A_15, %dma_start3A_16] : memref<6x40xi32, #tpu.memory_space<vmem>> -> memref<1x40xi32, #tpu.memory_space<vmem>>
    %dma_start3A_18 = tpu.memref_squeeze %dma_start3A_17 : memref<1x40xi32, #tpu.memory_space<vmem>> -> memref<40xi32, #tpu.memory_space<vmem>>
    %dma_start3A_19 = tpu.memref_slice %arg4[%add3A_14] : memref<320000xi32, #tpu.memory_space<hbm>> -> memref<40xi32, #tpu.memory_space<hbm>>
    %dma_start3A_20 = arith.constant 0 : i32
    %dma_start3A_21 = tpu.memref_slice %arg11[%dma_start3A_15, %dma_start3A_20] : memref<6x40xi32, #tpu.memory_space<vmem>> -> memref<1x40xi32, #tpu.memory_space<vmem>>
    %dma_start3A_22 = tpu.memref_squeeze %dma_start3A_21 : memref<1x40xi32, #tpu.memory_space<vmem>> -> memref<40xi32, #tpu.memory_space<vmem>>
    %dma_start3A_23 = tpu.memref_slice %arg4[%add3A_14] : memref<320000xi32, #tpu.memory_space<hbm>> -> memref<40xi32, #tpu.memory_space<hbm>>
    tpu.enqueue_dma source(%dma_start3A_23 : memref<40xi32, #tpu.memory_space<hbm>>) target(%dma_start3A_22 : memref<40xi32, #tpu.memory_space<vmem>>) target_semaphore(%arg18 : memref<!tpu.dma_semaphore, #tpu.memory_space<semaphore_mem>>)
    %add3A_24 = arith.constant 40 : i32
    %add3A_25 = arith.addi %mul3A_2, %add3A_24 : i32
    %dma_start3A_26 = arith.constant 1 : i32
    %dma_start3A_27 = arith.constant 0 : i32
    %dma_start3A_28 = tpu.memref_slice %arg10[%dma_start3A_26, %dma_start3A_27] : memref<6x40xi32, #tpu.memory_space<vmem>> -> memref<1x40xi32, #tpu.memory_space<vmem>>
    %dma_start3A_29 = tpu.memref_squeeze %dma_start3A_28 : memref<1x40xi32, #tpu.memory_space<vmem>> -> memref<40xi32, #tpu.memory_space<vmem>>
    %dma_start3A_30 = tpu.memref_slice %arg3[%add3A_25] : memref<320000xi32, #tpu.memory_space<hbm>> -> memref<40xi32, #tpu.memory_space<hbm>>
    %dma_start3A_31 = arith.constant 0 : i32
    %dma_start3A_32 = tpu.memref_slice %arg10[%dma_start3A_26, %dma_start3A_31] : memref<6x40xi32, #tpu.memory_space<vmem>> -> memref<1x40xi32, #tpu.memory_space<vmem>>
    %dma_start3A_33 = tpu.memref_squeeze %dma_start3A_32 : memref<1x40xi32, #tpu.memory_space<vmem>> -> memref<40xi32, #tpu.memory_space<vmem>>
    %dma_start3A_34 = tpu.memref_slice %arg3[%add3A_25] : memref<320000xi32, #tpu.memory_space<hbm>> -> memref<40xi32, #tpu.memory_space<hbm>>
    tpu.enqueue_dma source(%dma_start3A_34 : memref<40xi32, #tpu.memory_space<hbm>>) target(%dma_start3A_33 : memref<40xi32, #tpu.memory_space<vmem>>) target_semaphore(%arg19 : memref<!tpu.dma_semaphore, #tpu.memory_space<semaphore_mem>>)
    %add3A_35 = arith.constant 40 : i32
    %add3A_36 = arith.addi %mul3A_2, %add3A_35 : i32
    %dma_start3A_37 = arith.constant 1 : i32
    %dma_start3A_38 = arith.constant 0 : i32
    %dma_start3A_39 = tpu.memref_slice %arg11[%dma_start3A_37, %dma_start3A_38] : memref<6x40xi32, #tpu.memory_space<vmem>> -> memref<1x40xi32, #tpu.memory_space<vmem>>
    %dma_start3A_40 = tpu.memref_squeeze %dma_start3A_39 : memref<1x40xi32, #tpu.memory_space<vmem>> -> memref<40xi32, #tpu.memory_space<vmem>>
    %dma_start3A_41 = tpu.memref_slice %arg4[%add3A_36] : memref<320000xi32, #tpu.memory_space<hbm>> -> memref<40xi32, #tpu.memory_space<hbm>>
    %dma_start3A_42 = arith.constant 0 : i32
    %dma_start3A_43 = tpu.memref_slice %arg11[%dma_start3A_37, %dma_start3A_42] : memref<6x40xi32, #tpu.memory_space<vmem>> -> memref<1x40xi32, #tpu.memory_space<vmem>>
    %dma_start3A_44 = tpu.memref_squeeze %dma_start3A_43 : memref<1x40xi32, #tpu.memory_space<vmem>> -> memref<40xi32, #tpu.memory_space<vmem>>
    %dma_start3A_45 = tpu.memref_slice %arg4[%add3A_36] : memref<320000xi32, #tpu.memory_space<hbm>> -> memref<40xi32, #tpu.memory_space<hbm>>
    tpu.enqueue_dma source(%dma_start3A_45 : memref<40xi32, #tpu.memory_space<hbm>>) target(%dma_start3A_44 : memref<40xi32, #tpu.memory_space<vmem>>) target_semaphore(%arg19 : memref<!tpu.dma_semaphore, #tpu.memory_space<semaphore_mem>>)
    %add3A_46 = arith.constant 80 : i32
    %add3A_47 = arith.addi %mul3A_2, %add3A_46 : i32
    %dma_start3A_48 = arith.constant 2 : i32
    %dma_start3A_49 = arith.constant 0 : i32
    %dma_start3A_50 = tpu.memref_slice %arg10[%dma_start3A_48, %dma_start3A_49] : memref<6x40xi32, #tpu.memory_space<vmem>> -> memref<1x40xi32, #tpu.memory_space<vmem>>
    %dma_start3A_51 = tpu.memref_squeeze %dma_start3A_50 : memref<1x40xi32, #tpu.memory_space<vmem>> -> memref<40xi32, #tpu.memory_space<vmem>>
    %dma_start3A_52 = tpu.memref_slice %arg3[%add3A_47] : memref<320000xi32, #tpu.memory_space<hbm>> -> memref<40xi32, #tpu.memory_space<hbm>>
    %dma_start3A_53 = arith.constant 0 : i32
    %dma_start3A_54 = tpu.memref_slice %arg10[%dma_start3A_48, %dma_start3A_53] : memref<6x40xi32, #tpu.memory_space<vmem>> -> memref<1x40xi32, #tpu.memory_space<vmem>>
    %dma_start3A_55 = tpu.memref_squeeze %dma_start3A_54 : memref<1x40xi32, #tpu.memory_space<vmem>> -> memref<40xi32, #tpu.memory_space<vmem>>
    %dma_start3A_56 = tpu.memref_slice %arg3[%add3A_47] : memref<320000xi32, #tpu.memory_space<hbm>> -> memref<40xi32, #tpu.memory_space<hbm>>
    tpu.enqueue_dma source(%dma_start3A_56 : memref<40xi32, #tpu.memory_space<hbm>>) target(%dma_start3A_55 : memref<40xi32, #tpu.memory_space<vmem>>) target_semaphore(%arg20 : memref<!tpu.dma_semaphore, #tpu.memory_space<semaphore_mem>>)
    %add3A_57 = arith.constant 80 : i32
    %add3A_58 = arith.addi %mul3A_2, %add3A_57 : i32
    %dma_start3A_59 = arith.constant 2 : i32
    %dma_start3A_60 = arith.constant 0 : i32
    %dma_start3A_61 = tpu.memref_slice %arg11[%dma_start3A_59, %dma_start3A_60] : memref<6x40xi32, #tpu.memory_space<vmem>> -> memref<1x40xi32, #tpu.memory_space<vmem>>
    %dma_start3A_62 = tpu.memref_squeeze %dma_start3A_61 : memref<1x40xi32, #tpu.memory_space<vmem>> -> memref<40xi32, #tpu.memory_space<vmem>>
    %dma_start3A_63 = tpu.memref_slice %arg4[%add3A_58] : memref<320000xi32, #tpu.memory_space<hbm>> -> memref<40xi32, #tpu.memory_space<hbm>>
    %dma_start3A_64 = arith.constant 0 : i32
    %dma_start3A_65 = tpu.memref_slice %arg11[%dma_start3A_59, %dma_start3A_64] : memref<6x40xi32, #tpu.memory_space<vmem>> -> memref<1x40xi32, #tpu.memory_space<vmem>>
    %dma_start3A_66 = tpu.memref_squeeze %dma_start3A_65 : memref<1x40xi32, #tpu.memory_space<vmem>> -> memref<40xi32, #tpu.memory_space<vmem>>
    %dma_start3A_67 = tpu.memref_slice %arg4[%add3A_58] : memref<320000xi32, #tpu.memory_space<hbm>> -> memref<40xi32, #tpu.memory_space<hbm>>
    tpu.enqueue_dma source(%dma_start3A_67 : memref<40xi32, #tpu.memory_space<hbm>>) target(%dma_start3A_66 : memref<40xi32, #tpu.memory_space<vmem>>) target_semaphore(%arg20 : memref<!tpu.dma_semaphore, #tpu.memory_space<semaphore_mem>>)
    %add3A_68 = arith.constant 120 : i32
    %add3A_69 = arith.addi %mul3A_2, %add3A_68 : i32
    %dma_start3A_70 = arith.constant 3 : i32
    %dma_start3A_71 = arith.constant 0 : i32
    %dma_start3A_72 = tpu.memref_slice %arg10[%dma_start3A_70, %dma_start3A_71] : memref<6x40xi32, #tpu.memory_space<vmem>> -> memref<1x40xi32, #tpu.memory_space<vmem>>
    %dma_start3A_73 = tpu.memref_squeeze %dma_start3A_72 : memref<1x40xi32, #tpu.memory_space<vmem>> -> memref<40xi32, #tpu.memory_space<vmem>>
    %dma_start3A_74 = tpu.memref_slice %arg3[%add3A_69] : memref<320000xi32, #tpu.memory_space<hbm>> -> memref<40xi32, #tpu.memory_space<hbm>>
    %dma_start3A_75 = arith.constant 0 : i32
    %dma_start3A_76 = tpu.memref_slice %arg10[%dma_start3A_70, %dma_start3A_75] : memref<6x40xi32, #tpu.memory_space<vmem>> -> memref<1x40xi32, #tpu.memory_space<vmem>>
    %dma_start3A_77 = tpu.memref_squeeze %dma_start3A_76 : memref<1x40xi32, #tpu.memory_space<vmem>> -> memref<40xi32, #tpu.memory_space<vmem>>
    %dma_start3A_78 = tpu.memref_slice %arg3[%add3A_69] : memref<320000xi32, #tpu.memory_space<hbm>> -> memref<40xi32, #tpu.memory_space<hbm>>
    tpu.enqueue_dma source(%dma_start3A_78 : memref<40xi32, #tpu.memory_space<hbm>>) target(%dma_start3A_77 : memref<40xi32, #tpu.memory_space<vmem>>) target_semaphore(%arg21 : memref<!tpu.dma_semaphore, #tpu.memory_space<semaphore_mem>>)
    %add3A_79 = arith.constant 120 : i32
    %add3A_80 = arith.addi %mul3A_2, %add3A_79 : i32
    %dma_start3A_81 = arith.constant 3 : i32
    %dma_start3A_82 = arith.constant 0 : i32
    %dma_start3A_83 = tpu.memref_slice %arg11[%dma_start3A_81, %dma_start3A_82] : memref<6x40xi32, #tpu.memory_space<vmem>> -> memref<1x40xi32, #tpu.memory_space<vmem>>
    %dma_start3A_84 = tpu.memref_squeeze %dma_start3A_83 : memref<1x40xi32, #tpu.memory_space<vmem>> -> memref<40xi32, #tpu.memory_space<vmem>>
    %dma_start3A_85 = tpu.memref_slice %arg4[%add3A_80] : memref<320000xi32, #tpu.memory_space<hbm>> -> memref<40xi32, #tpu.memory_space<hbm>>
    %dma_start3A_86 = arith.constant 0 : i32
    %dma_start3A_87 = tpu.memref_slice %arg11[%dma_start3A_81, %dma_start3A_86] : memref<6x40xi32, #tpu.memory_space<vmem>> -> memref<1x40xi32, #tpu.memory_space<vmem>>
    %dma_start3A_88 = tpu.memref_squeeze %dma_start3A_87 : memref<1x40xi32, #tpu.memory_space<vmem>> -> memref<40xi32, #tpu.memory_space<vmem>>
    %dma_start3A_89 = tpu.memref_slice %arg4[%add3A_80] : memref<320000xi32, #tpu.memory_space<hbm>> -> memref<40xi32, #tpu.memory_space<hbm>>
    tpu.enqueue_dma source(%dma_start3A_89 : memref<40xi32, #tpu.memory_space<hbm>>) target(%dma_start3A_88 : memref<40xi32, #tpu.memory_space<vmem>>) target_semaphore(%arg21 : memref<!tpu.dma_semaphore, #tpu.memory_space<semaphore_mem>>)
    %dma_wait3A = arith.constant 0 : i32
    %dma_wait3A_90 = arith.constant 0 : i32
    %dma_wait3A_91 = tpu.memref_slice %arg10[%dma_wait3A, %dma_wait3A_90] : memref<6x40xi32, #tpu.memory_space<vmem>> -> memref<1x40xi32, #tpu.memory_space<vmem>>
    %dma_wait3A_92 = tpu.memref_squeeze %dma_wait3A_91 : memref<1x40xi32, #tpu.memory_space<vmem>> -> memref<40xi32, #tpu.memory_space<vmem>>
    %dma_wait3A_93 = arith.constant 0 : i32
    %dma_wait3A_94 = tpu.memref_slice %arg3[%dma_wait3A_93] : memref<320000xi32, #tpu.memory_space<hbm>> -> memref<40xi32, #tpu.memory_space<hbm>>
    %dma_wait3A_95 = arith.constant 0 : i32
    %dma_wait3A_96 = tpu.memref_slice %arg10[%dma_wait3A, %dma_wait3A_95] : memref<6x40xi32, #tpu.memory_space<vmem>> -> memref<1x40xi32, #tpu.memory_space<vmem>>
    %dma_wait3A_97 = tpu.memref_squeeze %dma_wait3A_96 : memref<1x40xi32, #tpu.memory_space<vmem>> -> memref<40xi32, #tpu.memory_space<vmem>>
    %dma_wait3A_98 = arith.constant 0 : i32
    %dma_wait3A_99 = tpu.memref_slice %arg3[%dma_wait3A_98] : memref<320000xi32, #tpu.memory_space<hbm>> -> memref<40xi32, #tpu.memory_space<hbm>>
    tpu.wait_dma2 semaphore(%arg18 : memref<!tpu.dma_semaphore, #tpu.memory_space<semaphore_mem>>) src(%dma_wait3A_99 : memref<40xi32, #tpu.memory_space<hbm>>) dst(%dma_wait3A_97 : memref<40xi32, #tpu.memory_space<vmem>>)
    %dma_wait3A_100 = arith.constant 0 : i32
    %dma_wait3A_101 = arith.constant 0 : i32
    %dma_wait3A_102 = tpu.memref_slice %arg11[%dma_wait3A_100, %dma_wait3A_101] : memref<6x40xi32, #tpu.memory_space<vmem>> -> memref<1x40xi32, #tpu.memory_space<vmem>>
    %dma_wait3A_103 = tpu.memref_squeeze %dma_wait3A_102 : memref<1x40xi32, #tpu.memory_space<vmem>> -> memref<40xi32, #tpu.memory_space<vmem>>
    %dma_wait3A_104 = arith.constant 0 : i32
    %dma_wait3A_105 = tpu.memref_slice %arg4[%dma_wait3A_104] : memref<320000xi32, #tpu.memory_space<hbm>> -> memref<40xi32, #tpu.memory_space<hbm>>
    %dma_wait3A_106 = arith.constant 0 : i32
    %dma_wait3A_107 = tpu.memref_slice %arg11[%dma_wait3A_100, %dma_wait3A_106] : memref<6x40xi32, #tpu.memory_space<vmem>> -> memref<1x40xi32, #tpu.memory_space<vmem>>
    %dma_wait3A_108 = tpu.memref_squeeze %dma_wait3A_107 : memref<1x40xi32, #tpu.memory_space<vmem>> -> memref<40xi32, #tpu.memory_space<vmem>>
    %dma_wait3A_109 = arith.constant 0 : i32
    %dma_wait3A_110 = tpu.memref_slice %arg4[%dma_wait3A_109] : memref<320000xi32, #tpu.memory_space<hbm>> -> memref<40xi32, #tpu.memory_space<hbm>>
    tpu.wait_dma2 semaphore(%arg18 : memref<!tpu.dma_semaphore, #tpu.memory_space<semaphore_mem>>) src(%dma_wait3A_110 : memref<40xi32, #tpu.memory_space<hbm>>) dst(%dma_wait3A_108 : memref<40xi32, #tpu.memory_space<vmem>>)
    %dma_start3A_111 = arith.constant 0 : i32
    %dma_start3A_112 = arith.constant 0 : i32
    %dma_start3A_113 = arith.constant 0 : i32
    %dma_start3A_114 = arith.constant 0 : i32
    %dma_start3A_115 = tpu.memref_slice %arg8[%dma_start3A_112, %dma_start3A_113, %dma_start3A_114] : memref<3x40x128xf32, #tpu.memory_space<vmem>> -> memref<1x40x128xf32, #tpu.memory_space<vmem>>
    %dma_start3A_116 = tpu.memref_squeeze %dma_start3A_115 : memref<1x40x128xf32, #tpu.memory_space<vmem>> -> memref<40x128xf32, #tpu.memory_space<vmem>>
    %dma_start3A_117 = arith.constant 0 : i32
    %dma_start3A_118 = tpu.memref_slice %arg10[%dma_start3A_111, %dma_start3A_117] : memref<6x40xi32, #tpu.memory_space<vmem>> -> memref<1x40xi32, #tpu.memory_space<vmem>>
    %dma_start3A_119 = tpu.memref_squeeze %dma_start3A_118 : memref<1x40xi32, #tpu.memory_space<vmem>> -> memref<40xi32, #tpu.memory_space<vmem>>
    %dma_start3A_120 = arith.constant 0 : i32
    %dma_start3A_121 = arith.constant 0 : i32
    %dma_start3A_122 = tpu.memref_slice %arg2[%dma_start3A_120, %dma_start3A_121] : memref<10000x128xf32, #tpu.memory_space<hbm>> -> memref<10000x128xf32, #tpu.memory_space<hbm>>
    tpu.enqueue_indirect_dma source(%dma_start3A_122 : memref<10000x128xf32, #tpu.memory_space<hbm>>) target(%dma_start3A_116 : memref<40x128xf32, #tpu.memory_space<vmem>>) offsets(%dma_start3A_119 : memref<40xi32, #tpu.memory_space<vmem>>) semaphore(%arg13 : memref<!tpu.dma_semaphore, #tpu.memory_space<semaphore_mem>>)
    %add3A_123 = arith.constant 0 : i32
    %add3A_124 = arith.addi %mul3A_2, %add3A_123 : i32
    %dma_start3A_125 = arith.constant 0 : i32
    %dma_start3A_126 = arith.constant 0 : i32
    %dma_start3A_127 = arith.constant 0 : i32
    %dma_start3A_128 = tpu.memref_slice %arg7[%dma_start3A_125, %dma_start3A_126, %dma_start3A_127] : memref<3x40x128xf32, #tpu.memory_space<vmem>> -> memref<1x40x128xf32, #tpu.memory_space<vmem>>
    %dma_start3A_129 = tpu.memref_squeeze %dma_start3A_128 : memref<1x40x128xf32, #tpu.memory_space<vmem>> -> memref<40x128xf32, #tpu.memory_space<vmem>>
    %dma_start3A_130 = arith.constant 0 : i32
    %dma_start3A_131 = tpu.memref_slice %arg5[%add3A_124, %dma_start3A_130] : memref<320000x128xf32, #tpu.memory_space<hbm>> -> memref<40x128xf32, #tpu.memory_space<hbm>>
    %dma_start3A_132 = arith.constant 0 : i32
    %dma_start3A_133 = arith.constant 0 : i32
    %dma_start3A_134 = tpu.memref_slice %arg7[%dma_start3A_125, %dma_start3A_132, %dma_start3A_133] : memref<3x40x128xf32, #tpu.memory_space<vmem>> -> memref<1x40x128xf32, #tpu.memory_space<vmem>>
    %dma_start3A_135 = tpu.memref_squeeze %dma_start3A_134 : memref<1x40x128xf32, #tpu.memory_space<vmem>> -> memref<40x128xf32, #tpu.memory_space<vmem>>
    %dma_start3A_136 = arith.constant 0 : i32
    %dma_start3A_137 = tpu.memref_slice %arg5[%add3A_124, %dma_start3A_136] : memref<320000x128xf32, #tpu.memory_space<hbm>> -> memref<40x128xf32, #tpu.memory_space<hbm>>
    tpu.enqueue_dma source(%dma_start3A_137 : memref<40x128xf32, #tpu.memory_space<hbm>>) target(%dma_start3A_135 : memref<40x128xf32, #tpu.memory_space<vmem>>) target_semaphore(%arg13 : memref<!tpu.dma_semaphore, #tpu.memory_space<semaphore_mem>>)
    %dma_wait3A_138 = arith.constant 1 : i32
    %dma_wait3A_139 = arith.constant 0 : i32
    %dma_wait3A_140 = tpu.memref_slice %arg10[%dma_wait3A_138, %dma_wait3A_139] : memref<6x40xi32, #tpu.memory_space<vmem>> -> memref<1x40xi32, #tpu.memory_space<vmem>>
    %dma_wait3A_141 = tpu.memref_squeeze %dma_wait3A_140 : memref<1x40xi32, #tpu.memory_space<vmem>> -> memref<40xi32, #tpu.memory_space<vmem>>
    %dma_wait3A_142 = arith.constant 0 : i32
    %dma_wait3A_143 = tpu.memref_slice %arg3[%dma_wait3A_142] : memref<320000xi32, #tpu.memory_space<hbm>> -> memref<40xi32, #tpu.memory_space<hbm>>
    %dma_wait3A_144 = arith.constant 0 : i32
    %dma_wait3A_145 = tpu.memref_slice %arg10[%dma_wait3A_138, %dma_wait3A_144] : memref<6x40xi32, #tpu.memory_space<vmem>> -> memref<1x40xi32, #tpu.memory_space<vmem>>
    %dma_wait3A_146 = tpu.memref_squeeze %dma_wait3A_145 : memref<1x40xi32, #tpu.memory_space<vmem>> -> memref<40xi32, #tpu.memory_space<vmem>>
    %dma_wait3A_147 = arith.constant 0 : i32
    %dma_wait3A_148 = tpu.memref_slice %arg3[%dma_wait3A_147] : memref<320000xi32, #tpu.memory_space<hbm>> -> memref<40xi32, #tpu.memory_space<hbm>>
    tpu.wait_dma2 semaphore(%arg19 : memref<!tpu.dma_semaphore, #tpu.memory_space<semaphore_mem>>) src(%dma_wait3A_148 : memref<40xi32, #tpu.memory_space<hbm>>) dst(%dma_wait3A_146 : memref<40xi32, #tpu.memory_space<vmem>>)
    %dma_wait3A_149 = arith.constant 1 : i32
    %dma_wait3A_150 = arith.constant 0 : i32
    %dma_wait3A_151 = tpu.memref_slice %arg11[%dma_wait3A_149, %dma_wait3A_150] : memref<6x40xi32, #tpu.memory_space<vmem>> -> memref<1x40xi32, #tpu.memory_space<vmem>>
    %dma_wait3A_152 = tpu.memref_squeeze %dma_wait3A_151 : memref<1x40xi32, #tpu.memory_space<vmem>> -> memref<40xi32, #tpu.memory_space<vmem>>
    %dma_wait3A_153 = arith.constant 0 : i32
    %dma_wait3A_154 = tpu.memref_slice %arg4[%dma_wait3A_153] : memref<320000xi32, #tpu.memory_space<hbm>> -> memref<40xi32, #tpu.memory_space<hbm>>
    %dma_wait3A_155 = arith.constant 0 : i32
    %dma_wait3A_156 = tpu.memref_slice %arg11[%dma_wait3A_149, %dma_wait3A_155] : memref<6x40xi32, #tpu.memory_space<vmem>> -> memref<1x40xi32, #tpu.memory_space<vmem>>
    %dma_wait3A_157 = tpu.memref_squeeze %dma_wait3A_156 : memref<1x40xi32, #tpu.memory_space<vmem>> -> memref<40xi32, #tpu.memory_space<vmem>>
    %dma_wait3A_158 = arith.constant 0 : i32
    %dma_wait3A_159 = tpu.memref_slice %arg4[%dma_wait3A_158] : memref<320000xi32, #tpu.memory_space<hbm>> -> memref<40xi32, #tpu.memory_space<hbm>>
    tpu.wait_dma2 semaphore(%arg19 : memref<!tpu.dma_semaphore, #tpu.memory_space<semaphore_mem>>) src(%dma_wait3A_159 : memref<40xi32, #tpu.memory_space<hbm>>) dst(%dma_wait3A_157 : memref<40xi32, #tpu.memory_space<vmem>>)
    %dma_start3A_160 = arith.constant 1 : i32
    %dma_start3A_161 = arith.constant 1 : i32
    %dma_start3A_162 = arith.constant 0 : i32
    %dma_start3A_163 = arith.constant 0 : i32
    %dma_start3A_164 = tpu.memref_slice %arg8[%dma_start3A_161, %dma_start3A_162, %dma_start3A_163] : memref<3x40x128xf32, #tpu.memory_space<vmem>> -> memref<1x40x128xf32, #tpu.memory_space<vmem>>
    %dma_start3A_165 = tpu.memref_squeeze %dma_start3A_164 : memref<1x40x128xf32, #tpu.memory_space<vmem>> -> memref<40x128xf32, #tpu.memory_space<vmem>>
    %dma_start3A_166 = arith.constant 0 : i32
    %dma_start3A_167 = tpu.memref_slice %arg10[%dma_start3A_160, %dma_start3A_166] : memref<6x40xi32, #tpu.memory_space<vmem>> -> memref<1x40xi32, #tpu.memory_space<vmem>>
    %dma_start3A_168 = tpu.memref_squeeze %dma_start3A_167 : memref<1x40xi32, #tpu.memory_space<vmem>> -> memref<40xi32, #tpu.memory_space<vmem>>
    %dma_start3A_169 = arith.constant 0 : i32
    %dma_start3A_170 = arith.constant 0 : i32
    %dma_start3A_171 = tpu.memref_slice %arg2[%dma_start3A_169, %dma_start3A_170] : memref<10000x128xf32, #tpu.memory_space<hbm>> -> memref<10000x128xf32, #tpu.memory_space<hbm>>
    tpu.enqueue_indirect_dma source(%dma_start3A_171 : memref<10000x128xf32, #tpu.memory_space<hbm>>) target(%dma_start3A_165 : memref<40x128xf32, #tpu.memory_space<vmem>>) offsets(%dma_start3A_168 : memref<40xi32, #tpu.memory_space<vmem>>) semaphore(%arg14 : memref<!tpu.dma_semaphore, #tpu.memory_space<semaphore_mem>>)
    %add3A_172 = arith.constant 40 : i32
    %add3A_173 = arith.addi %mul3A_2, %add3A_172 : i32
    %dma_start3A_174 = arith.constant 1 : i32
    %dma_start3A_175 = arith.constant 0 : i32
    %dma_start3A_176 = arith.constant 0 : i32
    %dma_start3A_177 = tpu.memref_slice %arg7[%dma_start3A_174, %dma_start3A_175, %dma_start3A_176] : memref<3x40x128xf32, #tpu.memory_space<vmem>> -> memref<1x40x128xf32, #tpu.memory_space<vmem>>
    %dma_start3A_178 = tpu.memref_squeeze %dma_start3A_177 : memref<1x40x128xf32, #tpu.memory_space<vmem>> -> memref<40x128xf32, #tpu.memory_space<vmem>>
    %dma_start3A_179 = arith.constant 0 : i32
    %dma_start3A_180 = tpu.memref_slice %arg5[%add3A_173, %dma_start3A_179] : memref<320000x128xf32, #tpu.memory_space<hbm>> -> memref<40x128xf32, #tpu.memory_space<hbm>>
    %dma_start3A_181 = arith.constant 0 : i32
    %dma_start3A_182 = arith.constant 0 : i32
    %dma_start3A_183 = tpu.memref_slice %arg7[%dma_start3A_174, %dma_start3A_181, %dma_start3A_182] : memref<3x40x128xf32, #tpu.memory_space<vmem>> -> memref<1x40x128xf32, #tpu.memory_space<vmem>>
    %dma_start3A_184 = tpu.memref_squeeze %dma_start3A_183 : memref<1x40x128xf32, #tpu.memory_space<vmem>> -> memref<40x128xf32, #tpu.memory_space<vmem>>
    %dma_start3A_185 = arith.constant 0 : i32
    %dma_start3A_186 = tpu.memref_slice %arg5[%add3A_173, %dma_start3A_185] : memref<320000x128xf32, #tpu.memory_space<hbm>> -> memref<40x128xf32, #tpu.memory_space<hbm>>
    tpu.enqueue_dma source(%dma_start3A_186 : memref<40x128xf32, #tpu.memory_space<hbm>>) target(%dma_start3A_184 : memref<40x128xf32, #tpu.memory_space<vmem>>) target_semaphore(%arg14 : memref<!tpu.dma_semaphore, #tpu.memory_space<semaphore_mem>>)
    %dma_wait3A_187 = arith.constant 2 : i32
    %dma_wait3A_188 = arith.constant 0 : i32
    %dma_wait3A_189 = tpu.memref_slice %arg10[%dma_wait3A_187, %dma_wait3A_188] : memref<6x40xi32, #tpu.memory_space<vmem>> -> memref<1x40xi32, #tpu.memory_space<vmem>>
    %dma_wait3A_190 = tpu.memref_squeeze %dma_wait3A_189 : memref<1x40xi32, #tpu.memory_space<vmem>> -> memref<40xi32, #tpu.memory_space<vmem>>
    %dma_wait3A_191 = arith.constant 0 : i32
    %dma_wait3A_192 = tpu.memref_slice %arg3[%dma_wait3A_191] : memref<320000xi32, #tpu.memory_space<hbm>> -> memref<40xi32, #tpu.memory_space<hbm>>
    %dma_wait3A_193 = arith.constant 0 : i32
    %dma_wait3A_194 = tpu.memref_slice %arg10[%dma_wait3A_187, %dma_wait3A_193] : memref<6x40xi32, #tpu.memory_space<vmem>> -> memref<1x40xi32, #tpu.memory_space<vmem>>
    %dma_wait3A_195 = tpu.memref_squeeze %dma_wait3A_194 : memref<1x40xi32, #tpu.memory_space<vmem>> -> memref<40xi32, #tpu.memory_space<vmem>>
    %dma_wait3A_196 = arith.constant 0 : i32
    %dma_wait3A_197 = tpu.memref_slice %arg3[%dma_wait3A_196] : memref<320000xi32, #tpu.memory_space<hbm>> -> memref<40xi32, #tpu.memory_space<hbm>>
    tpu.wait_dma2 semaphore(%arg20 : memref<!tpu.dma_semaphore, #tpu.memory_space<semaphore_mem>>) src(%dma_wait3A_197 : memref<40xi32, #tpu.memory_space<hbm>>) dst(%dma_wait3A_195 : memref<40xi32, #tpu.memory_space<vmem>>)
    %dma_wait3A_198 = arith.constant 2 : i32
    %dma_wait3A_199 = arith.constant 0 : i32
    %dma_wait3A_200 = tpu.memref_slice %arg11[%dma_wait3A_198, %dma_wait3A_199] : memref<6x40xi32, #tpu.memory_space<vmem>> -> memref<1x40xi32, #tpu.memory_space<vmem>>
    %dma_wait3A_201 = tpu.memref_squeeze %dma_wait3A_200 : memref<1x40xi32, #tpu.memory_space<vmem>> -> memref<40xi32, #tpu.memory_space<vmem>>
    %dma_wait3A_202 = arith.constant 0 : i32
    %dma_wait3A_203 = tpu.memref_slice %arg4[%dma_wait3A_202] : memref<320000xi32, #tpu.memory_space<hbm>> -> memref<40xi32, #tpu.memory_space<hbm>>
    %dma_wait3A_204 = arith.constant 0 : i32
    %dma_wait3A_205 = tpu.memref_slice %arg11[%dma_wait3A_198, %dma_wait3A_204] : memref<6x40xi32, #tpu.memory_space<vmem>> -> memref<1x40xi32, #tpu.memory_space<vmem>>
    %dma_wait3A_206 = tpu.memref_squeeze %dma_wait3A_205 : memref<1x40xi32, #tpu.memory_space<vmem>> -> memref<40xi32, #tpu.memory_space<vmem>>
    %dma_wait3A_207 = arith.constant 0 : i32
    %dma_wait3A_208 = tpu.memref_slice %arg4[%dma_wait3A_207] : memref<320000xi32, #tpu.memory_space<hbm>> -> memref<40xi32, #tpu.memory_space<hbm>>
    tpu.wait_dma2 semaphore(%arg20 : memref<!tpu.dma_semaphore, #tpu.memory_space<semaphore_mem>>) src(%dma_wait3A_208 : memref<40xi32, #tpu.memory_space<hbm>>) dst(%dma_wait3A_206 : memref<40xi32, #tpu.memory_space<vmem>>)
    %dma_start3A_209 = arith.constant 2 : i32
    %dma_start3A_210 = arith.constant 2 : i32
    %dma_start3A_211 = arith.constant 0 : i32
    %dma_start3A_212 = arith.constant 0 : i32
    %dma_start3A_213 = tpu.memref_slice %arg8[%dma_start3A_210, %dma_start3A_211, %dma_start3A_212] : memref<3x40x128xf32, #tpu.memory_space<vmem>> -> memref<1x40x128xf32, #tpu.memory_space<vmem>>
    %dma_start3A_214 = tpu.memref_squeeze %dma_start3A_213 : memref<1x40x128xf32, #tpu.memory_space<vmem>> -> memref<40x128xf32, #tpu.memory_space<vmem>>
    %dma_start3A_215 = arith.constant 0 : i32
    %dma_start3A_216 = tpu.memref_slice %arg10[%dma_start3A_209, %dma_start3A_215] : memref<6x40xi32, #tpu.memory_space<vmem>> -> memref<1x40xi32, #tpu.memory_space<vmem>>
    %dma_start3A_217 = tpu.memref_squeeze %dma_start3A_216 : memref<1x40xi32, #tpu.memory_space<vmem>> -> memref<40xi32, #tpu.memory_space<vmem>>
    %dma_start3A_218 = arith.constant 0 : i32
    %dma_start3A_219 = arith.constant 0 : i32
    %dma_start3A_220 = tpu.memref_slice %arg2[%dma_start3A_218, %dma_start3A_219] : memref<10000x128xf32, #tpu.memory_space<hbm>> -> memref<10000x128xf32, #tpu.memory_space<hbm>>
    tpu.enqueue_indirect_dma source(%dma_start3A_220 : memref<10000x128xf32, #tpu.memory_space<hbm>>) target(%dma_start3A_214 : memref<40x128xf32, #tpu.memory_space<vmem>>) offsets(%dma_start3A_217 : memref<40xi32, #tpu.memory_space<vmem>>) semaphore(%arg15 : memref<!tpu.dma_semaphore, #tpu.memory_space<semaphore_mem>>)
    %add3A_221 = arith.constant 80 : i32
    %add3A_222 = arith.addi %mul3A_2, %add3A_221 : i32
    %dma_start3A_223 = arith.constant 2 : i32
    %dma_start3A_224 = arith.constant 0 : i32
    %dma_start3A_225 = arith.constant 0 : i32
    %dma_start3A_226 = tpu.memref_slice %arg7[%dma_start3A_223, %dma_start3A_224, %dma_start3A_225] : memref<3x40x128xf32, #tpu.memory_space<vmem>> -> memref<1x40x128xf32, #tpu.memory_space<vmem>>
    %dma_start3A_227 = tpu.memref_squeeze %dma_start3A_226 : memref<1x40x128xf32, #tpu.memory_space<vmem>> -> memref<40x128xf32, #tpu.memory_space<vmem>>
    %dma_start3A_228 = arith.constant 0 : i32
    %dma_start3A_229 = tpu.memref_slice %arg5[%add3A_222, %dma_start3A_228] : memref<320000x128xf32, #tpu.memory_space<hbm>> -> memref<40x128xf32, #tpu.memory_space<hbm>>
    %dma_start3A_230 = arith.constant 0 : i32
    %dma_start3A_231 = arith.constant 0 : i32
    %dma_start3A_232 = tpu.memref_slice %arg7[%dma_start3A_223, %dma_start3A_230, %dma_start3A_231] : memref<3x40x128xf32, #tpu.memory_space<vmem>> -> memref<1x40x128xf32, #tpu.memory_space<vmem>>
    %dma_start3A_233 = tpu.memref_squeeze %dma_start3A_232 : memref<1x40x128xf32, #tpu.memory_space<vmem>> -> memref<40x128xf32, #tpu.memory_space<vmem>>
    %dma_start3A_234 = arith.constant 0 : i32
    %dma_start3A_235 = tpu.memref_slice %arg5[%add3A_222, %dma_start3A_234] : memref<320000x128xf32, #tpu.memory_space<hbm>> -> memref<40x128xf32, #tpu.memory_space<hbm>>
    tpu.enqueue_dma source(%dma_start3A_235 : memref<40x128xf32, #tpu.memory_space<hbm>>) target(%dma_start3A_233 : memref<40x128xf32, #tpu.memory_space<vmem>>) target_semaphore(%arg15 : memref<!tpu.dma_semaphore, #tpu.memory_space<semaphore_mem>>)
    %lt3A = arith.constant 10 : i32
    %lt3A_236 = arith.cmpi slt, %arg1, %lt3A : i32
    %convert_element_type3A = arith.extui %lt3A_236 : i1 to i32
    %cond3A = arith.constant 0 : i32
    %cond3A_237 = arith.cmpi ne, %convert_element_type3A, %cond3A : i32
    scf.if %cond3A_237 {
      %mul3A_273 = arith.constant 1000 : i32
      %mul3A_274 = arith.muli %arg1, %mul3A_273 : i32
      %mul3A_275 = arith.constant 1000 : i32
      %mul3A_276 = arith.muli %arg1, %mul3A_275 : i32
      "tpu.region"() ({
        %run_scoped3A = tpu.sem_alloc : memref<!tpu.dma_semaphore, #tpu.memory_space<semaphore_mem>>
        %dma_start3A_277 = arith.constant 0 : i32
        %dma_start3A_278 = tpu.memref_slice %arg12[%mul3A_276, %dma_start3A_277] : memref<10000x128xf32, #tpu.memory_space<vmem_shared>> -> memref<1000x128xf32, #tpu.memory_space<vmem_shared>>
        %dma_start3A_279 = arith.constant 0 : i32
        %dma_start3A_280 = tpu.memref_slice %arg2[%mul3A_274, %dma_start3A_279] : memref<10000x128xf32, #tpu.memory_space<hbm>> -> memref<1000x128xf32, #tpu.memory_space<hbm>>
        tpu.enqueue_dma source(%dma_start3A_280 : memref<1000x128xf32, #tpu.memory_space<hbm>>) target(%dma_start3A_278 : memref<1000x128xf32, #tpu.memory_space<vmem_shared>>) target_semaphore(%run_scoped3A : memref<!tpu.dma_semaphore, #tpu.memory_space<semaphore_mem>>)
        %dma_wait3A_281 = arith.constant 0 : i32
        %dma_wait3A_282 = tpu.memref_slice %arg12[%mul3A_276, %dma_wait3A_281] : memref<10000x128xf32, #tpu.memory_space<vmem_shared>> -> memref<1000x128xf32, #tpu.memory_space<vmem_shared>>
        %dma_wait3A_283 = arith.constant 0 : i32
        %dma_wait3A_284 = tpu.memref_slice %arg2[%mul3A_274, %dma_wait3A_283] : memref<10000x128xf32, #tpu.memory_space<hbm>> -> memref<1000x128xf32, #tpu.memory_space<hbm>>
        tpu.wait_dma2 semaphore(%run_scoped3A : memref<!tpu.dma_semaphore, #tpu.memory_space<semaphore_mem>>) src(%dma_wait3A_284 : memref<1000x128xf32, #tpu.memory_space<hbm>>) dst(%dma_wait3A_282 : memref<1000x128xf32, #tpu.memory_space<vmem_shared>>)
        tpu.yield
      }) : () -> ()
    } else {
    }
    %barrier3A = arith.constant 0 : index
    tpu.barrier barrier_id(%barrier3A)
    %scan3A = arith.constant 0 : i32
    %scan3A_238 = arith.constant 0 : i32
    %scan3A_239 = arith.constant 42 : i32
    %scan3A_240 = arith.addi %scan3A_238, %scan3A_239 : i32
    %scan3A_241 = arith.constant 1 : i32
    scf.for %scan3A_273 = %scan3A_238 to %scan3A_240 step %scan3A_241  : i32 {
      %mul3A_274 = arith.constant 6 : i32
      %mul3A_275 = arith.muli %scan3A_273, %mul3A_274 : i32
      %add3A_276 = arith.constant 0 : i32
      %add3A_277 = arith.addi %mul3A_275, %add3A_276 : i32
      %lt3A_278 = arith.constant 250 : i32
      %lt3A_279 = arith.cmpi slt, %add3A_277, %lt3A_278 : i32
      %convert_element_type3A_280 = arith.extui %lt3A_279 : i1 to i32
      %cond3A_281 = arith.constant 0 : i32
      %cond3A_282 = arith.cmpi ne, %convert_element_type3A_280, %cond3A_281 : i32
      scf.if %cond3A_282 {
        %dma_wait3A_328 = arith.constant 0 : i32
        %dma_wait3A_329 = arith.constant 0 : i32
        %dma_wait3A_330 = arith.constant 0 : i32
        %dma_wait3A_331 = tpu.memref_slice %arg7[%dma_wait3A_328, %dma_wait3A_329, %dma_wait3A_330] : memref<3x40x128xf32, #tpu.memory_space<vmem>> -> memref<1x40x128xf32, #tpu.memory_space<vmem>>
        %dma_wait3A_332 = tpu.memref_squeeze %dma_wait3A_331 : memref<1x40x128xf32, #tpu.memory_space<vmem>> -> memref<40x128xf32, #tpu.memory_space<vmem>>
        %dma_wait3A_333 = arith.constant 0 : i32
        %dma_wait3A_334 = arith.constant 0 : i32
        %dma_wait3A_335 = tpu.memref_slice %arg5[%dma_wait3A_333, %dma_wait3A_334] : memref<320000x128xf32, #tpu.memory_space<hbm>> -> memref<40x128xf32, #tpu.memory_space<hbm>>
        %dma_wait3A_336 = arith.constant 0 : i32
        %dma_wait3A_337 = arith.constant 0 : i32
        %dma_wait3A_338 = tpu.memref_slice %arg7[%dma_wait3A_328, %dma_wait3A_336, %dma_wait3A_337] : memref<3x40x128xf32, #tpu.memory_space<vmem>> -> memref<1x40x128xf32, #tpu.memory_space<vmem>>
        %dma_wait3A_339 = tpu.memref_squeeze %dma_wait3A_338 : memref<1x40x128xf32, #tpu.memory_space<vmem>> -> memref<40x128xf32, #tpu.memory_space<vmem>>
        %dma_wait3A_340 = arith.constant 0 : i32
        %dma_wait3A_341 = arith.constant 0 : i32
        %dma_wait3A_342 = tpu.memref_slice %arg5[%dma_wait3A_340, %dma_wait3A_341] : memref<320000x128xf32, #tpu.memory_space<hbm>> -> memref<40x128xf32, #tpu.memory_space<hbm>>
        tpu.wait_dma2 semaphore(%arg13 : memref<!tpu.dma_semaphore, #tpu.memory_space<semaphore_mem>>) src(%dma_wait3A_342 : memref<40x128xf32, #tpu.memory_space<hbm>>) dst(%dma_wait3A_339 : memref<40x128xf32, #tpu.memory_space<vmem>>)
        %dma_wait3A_343 = arith.constant 0 : i32
        %dma_wait3A_344 = arith.constant 0 : i32
        %dma_wait3A_345 = arith.constant 0 : i32
        %dma_wait3A_346 = arith.constant 0 : i32
        %dma_wait3A_347 = tpu.memref_slice %arg8[%dma_wait3A_344, %dma_wait3A_345, %dma_wait3A_346] : memref<3x40x128xf32, #tpu.memory_space<vmem>> -> memref<1x40x128xf32, #tpu.memory_space<vmem>>
        %dma_wait3A_348 = tpu.memref_squeeze %dma_wait3A_347 : memref<1x40x128xf32, #tpu.memory_space<vmem>> -> memref<40x128xf32, #tpu.memory_space<vmem>>
        %dma_wait3A_349 = arith.constant 0 : i32
        %dma_wait3A_350 = tpu.memref_slice %arg10[%dma_wait3A_343, %dma_wait3A_349] : memref<6x40xi32, #tpu.memory_space<vmem>> -> memref<1x40xi32, #tpu.memory_space<vmem>>
        %dma_wait3A_351 = tpu.memref_squeeze %dma_wait3A_350 : memref<1x40xi32, #tpu.memory_space<vmem>> -> memref<40xi32, #tpu.memory_space<vmem>>
        %dma_wait3A_352 = arith.constant 0 : i32
        %dma_wait3A_353 = arith.constant 0 : i32
        %dma_wait3A_354 = tpu.memref_slice %arg2[%dma_wait3A_352, %dma_wait3A_353] : memref<10000x128xf32, #tpu.memory_space<hbm>> -> memref<10000x128xf32, #tpu.memory_space<hbm>>
        tpu.wait_indirect_dma semaphore(%arg13 : memref<!tpu.dma_semaphore, #tpu.memory_space<semaphore_mem>>) src(%dma_wait3A_354 : memref<10000x128xf32, #tpu.memory_space<hbm>>) dst(%dma_wait3A_348 : memref<40x128xf32, #tpu.memory_space<vmem>>)
        %ge3A = arith.constant 2 : i32
        %ge3A_355 = arith.cmpi sge, %add3A_277, %ge3A : i32
        %convert_element_type3A_356 = arith.extui %ge3A_355 : i1 to i32
        %cond3A_357 = arith.constant 0 : i32
        %cond3A_358 = arith.cmpi ne, %convert_element_type3A_356, %cond3A_357 : i32
        scf.if %cond3A_358 {
          %dma_wait3A_391 = arith.constant 0 : i32
          %dma_wait3A_392 = arith.constant 0 : i32
          %dma_wait3A_393 = arith.constant 0 : i32
          %dma_wait3A_394 = arith.constant 0 : i32
          %dma_wait3A_395 = tpu.memref_slice %arg9[%dma_wait3A_391, %dma_wait3A_393, %dma_wait3A_394] : memref<2x40x128xf32, #tpu.memory_space<vmem>> -> memref<1x40x128xf32, #tpu.memory_space<vmem>>
          %dma_wait3A_396 = tpu.memref_squeeze %dma_wait3A_395 : memref<1x40x128xf32, #tpu.memory_space<vmem>> -> memref<40x128xf32, #tpu.memory_space<vmem>>
          %dma_wait3A_397 = arith.constant 0 : i32
          %dma_wait3A_398 = tpu.memref_slice %arg11[%dma_wait3A_392, %dma_wait3A_397] : memref<6x40xi32, #tpu.memory_space<vmem>> -> memref<1x40xi32, #tpu.memory_space<vmem>>
          %dma_wait3A_399 = tpu.memref_squeeze %dma_wait3A_398 : memref<1x40xi32, #tpu.memory_space<vmem>> -> memref<40xi32, #tpu.memory_space<vmem>>
          %dma_wait3A_400 = arith.constant 0 : i32
          %dma_wait3A_401 = arith.constant 0 : i32
          %dma_wait3A_402 = tpu.memref_slice %arg12[%dma_wait3A_400, %dma_wait3A_401] : memref<10000x128xf32, #tpu.memory_space<vmem_shared>> -> memref<10000x128xf32, #tpu.memory_space<vmem_shared>>
          tpu.wait_indirect_dma semaphore(%arg16 : memref<!tpu.dma_semaphore, #tpu.memory_space<semaphore_mem>>) src(%dma_wait3A_396 : memref<40x128xf32, #tpu.memory_space<vmem>>) dst(%dma_wait3A_402 : memref<10000x128xf32, #tpu.memory_space<vmem_shared>>)
        } else {
        }
        %add3A_359 = arith.constant 4 : i32
        %add3A_360 = arith.addi %add3A_277, %add3A_359 : i32
        %lt3A_361 = arith.constant 250 : i32
        %lt3A_362 = arith.cmpi slt, %add3A_360, %lt3A_361 : i32
        %convert_element_type3A_363 = arith.extui %lt3A_362 : i1 to i32
        %cond3A_364 = arith.constant 0 : i32
        %cond3A_365 = arith.cmpi ne, %convert_element_type3A_363, %cond3A_364 : i32
        scf.if %cond3A_365 {
          %add3A_391 = arith.constant 4 : i32
          %add3A_392 = arith.addi %add3A_277, %add3A_391 : i32
          %mul3A_393 = arith.constant 40 : i32
          %mul3A_394 = arith.muli %add3A_392, %mul3A_393 : i32
          %add3A_395 = arith.addi %mul3A_2, %mul3A_394 : i32
          %dma_start3A_396 = arith.constant 4 : i32
          %dma_start3A_397 = arith.constant 0 : i32
          %dma_start3A_398 = tpu.memref_slice %arg10[%dma_start3A_396, %dma_start3A_397] : memref<6x40xi32, #tpu.memory_space<vmem>> -> memref<1x40xi32, #tpu.memory_space<vmem>>
          %dma_start3A_399 = tpu.memref_squeeze %dma_start3A_398 : memref<1x40xi32, #tpu.memory_space<vmem>> -> memref<40xi32, #tpu.memory_space<vmem>>
          %dma_start3A_400 = tpu.memref_slice %arg3[%add3A_395] : memref<320000xi32, #tpu.memory_space<hbm>> -> memref<40xi32, #tpu.memory_space<hbm>>
          %dma_start3A_401 = arith.constant 0 : i32
          %dma_start3A_402 = tpu.memref_slice %arg10[%dma_start3A_396, %dma_start3A_401] : memref<6x40xi32, #tpu.memory_space<vmem>> -> memref<1x40xi32, #tpu.memory_space<vmem>>
          %dma_start3A_403 = tpu.memref_squeeze %dma_start3A_402 : memref<1x40xi32, #tpu.memory_space<vmem>> -> memref<40xi32, #tpu.memory_space<vmem>>
          %dma_start3A_404 = tpu.memref_slice %arg3[%add3A_395] : memref<320000xi32, #tpu.memory_space<hbm>> -> memref<40xi32, #tpu.memory_space<hbm>>
          tpu.enqueue_dma source(%dma_start3A_404 : memref<40xi32, #tpu.memory_space<hbm>>) target(%dma_start3A_403 : memref<40xi32, #tpu.memory_space<vmem>>) target_semaphore(%arg22 : memref<!tpu.dma_semaphore, #tpu.memory_space<semaphore_mem>>)
          %mul3A_405 = arith.constant 40 : i32
          %mul3A_406 = arith.muli %add3A_392, %mul3A_405 : i32
          %add3A_407 = arith.addi %mul3A_2, %mul3A_406 : i32
          %dma_start3A_408 = arith.constant 4 : i32
          %dma_start3A_409 = arith.constant 0 : i32
          %dma_start3A_410 = tpu.memref_slice %arg11[%dma_start3A_408, %dma_start3A_409] : memref<6x40xi32, #tpu.memory_space<vmem>> -> memref<1x40xi32, #tpu.memory_space<vmem>>
          %dma_start3A_411 = tpu.memref_squeeze %dma_start3A_410 : memref<1x40xi32, #tpu.memory_space<vmem>> -> memref<40xi32, #tpu.memory_space<vmem>>
          %dma_start3A_412 = tpu.memref_slice %arg4[%add3A_407] : memref<320000xi32, #tpu.memory_space<hbm>> -> memref<40xi32, #tpu.memory_space<hbm>>
          %dma_start3A_413 = arith.constant 0 : i32
          %dma_start3A_414 = tpu.memref_slice %arg11[%dma_start3A_408, %dma_start3A_413] : memref<6x40xi32, #tpu.memory_space<vmem>> -> memref<1x40xi32, #tpu.memory_space<vmem>>
          %dma_start3A_415 = tpu.memref_squeeze %dma_start3A_414 : memref<1x40xi32, #tpu.memory_space<vmem>> -> memref<40xi32, #tpu.memory_space<vmem>>
          %dma_start3A_416 = tpu.memref_slice %arg4[%add3A_407] : memref<320000xi32, #tpu.memory_space<hbm>> -> memref<40xi32, #tpu.memory_space<hbm>>
          tpu.enqueue_dma source(%dma_start3A_416 : memref<40xi32, #tpu.memory_space<hbm>>) target(%dma_start3A_415 : memref<40xi32, #tpu.memory_space<vmem>>) target_semaphore(%arg22 : memref<!tpu.dma_semaphore, #tpu.memory_space<semaphore_mem>>)
        } else {
        }
        %scan3A_366 = arith.constant 0 : i32
        %scan3A_367 = arith.constant 0 : i32
        %scan3A_368 = arith.constant 40 : i32
        %scan3A_369 = arith.addi %scan3A_367, %scan3A_368 : i32
        %scan3A_370 = arith.constant 1 : i32
        scf.for %scan3A_391 = %scan3A_367 to %scan3A_369 step %scan3A_370  : i32 {
          %get3A = arith.constant 0 : i32
          %get3A_392 = arith.index_cast %get3A : i32 to index
          %get3A_393 = arith.index_cast %scan3A_391 : i32 to index
          %get3A_394 = arith.constant 0 : index
          %get3A_395 = tpu.vector_load %arg7[%get3A_392, %get3A_393, %get3A_394] {strides = array<i32>} : memref<3x40x128xf32, #tpu.memory_space<vmem>>, vector<1x1x16xf32>,
          %get3A_396 = vector.shape_cast %get3A_395 : vector<1x1x16xf32> to vector<16xf32>
          %get3A_397 = arith.constant 0 : i32
          %get3A_398 = arith.index_cast %get3A_397 : i32 to index
          %get3A_399 = arith.index_cast %scan3A_391 : i32 to index
          %get3A_400 = arith.constant 0 : index
          %get3A_401 = tpu.vector_load %arg8[%get3A_398, %get3A_399, %get3A_400] {strides = array<i32>} : memref<3x40x128xf32, #tpu.memory_space<vmem>>, vector<1x1x16xf32>,
          %get3A_402 = vector.shape_cast %get3A_401 : vector<1x1x16xf32> to vector<16xf32>
          %add3A_403 = arith.addf %get3A_396, %get3A_402 : vector<16xf32>
          %max3A = arith.constant 0.000000e+00 : f32
          %max3A_404 = vector.broadcast %max3A : f32 to vector<16xf32>
          %max3A_405 = arith.maximumf %add3A_403, %max3A_404 : vector<16xf32>
          %swap3A = arith.constant 0 : i32
          %swap3A_406 = arith.index_cast %swap3A : i32 to index
          %swap3A_407 = arith.index_cast %scan3A_391 : i32 to index
          %swap3A_408 = arith.constant 0 : index
          %swap3A_409 = tpu.vector_load %arg9[%swap3A_406, %swap3A_407, %swap3A_408] {strides = array<i32>} : memref<2x40x128xf32, #tpu.memory_space<vmem>>, vector<1x1x16xf32>,
          %swap3A_410 = vector.shape_cast %swap3A_409 : vector<1x1x16xf32> to vector<16xf32>
          %swap3A_411 = vector.shape_cast %max3A_405 : vector<16xf32> to vector<1x1x16xf32>
          tpu.vector_store %arg9[%swap3A_406, %swap3A_407, %swap3A_408], %swap3A_411 {strides = array<i32>} : memref<2x40x128xf32, #tpu.memory_space<vmem>>, vector<1x1x16xf32>,
          %get3A_412 = arith.constant 0 : i32
          %get3A_413 = arith.index_cast %get3A_412 : i32 to index
          %get3A_414 = arith.index_cast %scan3A_391 : i32 to index
          %get3A_415 = arith.constant 16 : index
          %get3A_416 = tpu.vector_load %arg7[%get3A_413, %get3A_414, %get3A_415] {strides = array<i32>} : memref<3x40x128xf32, #tpu.memory_space<vmem>>, vector<1x1x16xf32>,
          %get3A_417 = vector.shape_cast %get3A_416 : vector<1x1x16xf32> to vector<16xf32>
          %get3A_418 = arith.constant 0 : i32
          %get3A_419 = arith.index_cast %get3A_418 : i32 to index
          %get3A_420 = arith.index_cast %scan3A_391 : i32 to index
          %get3A_421 = arith.constant 16 : index
          %get3A_422 = tpu.vector_load %arg8[%get3A_419, %get3A_420, %get3A_421] {strides = array<i32>} : memref<3x40x128xf32, #tpu.memory_space<vmem>>, vector<1x1x16xf32>,
          %get3A_423 = vector.shape_cast %get3A_422 : vector<1x1x16xf32> to vector<16xf32>
          %add3A_424 = arith.addf %get3A_417, %get3A_423 : vector<16xf32>
          %max3A_425 = arith.constant 0.000000e+00 : f32
          %max3A_426 = vector.broadcast %max3A_425 : f32 to vector<16xf32>
          %max3A_427 = arith.maximumf %add3A_424, %max3A_426 : vector<16xf32>
          %swap3A_428 = arith.constant 0 : i32
          %swap3A_429 = arith.index_cast %swap3A_428 : i32 to index
          %swap3A_430 = arith.index_cast %scan3A_391 : i32 to index
          %swap3A_431 = arith.constant 16 : index
          %swap3A_432 = tpu.vector_load %arg9[%swap3A_429, %swap3A_430, %swap3A_431] {strides = array<i32>} : memref<2x40x128xf32, #tpu.memory_space<vmem>>, vector<1x1x16xf32>,
          %swap3A_433 = vector.shape_cast %swap3A_432 : vector<1x1x16xf32> to vector<16xf32>
          %swap3A_434 = vector.shape_cast %max3A_427 : vector<16xf32> to vector<1x1x16xf32>
          tpu.vector_store %arg9[%swap3A_429, %swap3A_430, %swap3A_431], %swap3A_434 {strides = array<i32>} : memref<2x40x128xf32, #tpu.memory_space<vmem>>, vector<1x1x16xf32>,
          %get3A_435 = arith.constant 0 : i32
          %get3A_436 = arith.index_cast %get3A_435 : i32 to index
          %get3A_437 = arith.index_cast %scan3A_391 : i32 to index
          %get3A_438 = arith.constant 32 : index
          %get3A_439 = tpu.vector_load %arg7[%get3A_436, %get3A_437, %get3A_438] {strides = array<i32>} : memref<3x40x128xf32, #tpu.memory_space<vmem>>, vector<1x1x16xf32>,
          %get3A_440 = vector.shape_cast %get3A_439 : vector<1x1x16xf32> to vector<16xf32>
          %get3A_441 = arith.constant 0 : i32
          %get3A_442 = arith.index_cast %get3A_441 : i32 to index
          %get3A_443 = arith.index_cast %scan3A_391 : i32 to index
          %get3A_444 = arith.constant 32 : index
          %get3A_445 = tpu.vector_load %arg8[%get3A_442, %get3A_443, %get3A_444] {strides = array<i32>} : memref<3x40x128xf32, #tpu.memory_space<vmem>>, vector<1x1x16xf32>,
          %get3A_446 = vector.shape_cast %get3A_445 : vector<1x1x16xf32> to vector<16xf32>
          %add3A_447 = arith.addf %get3A_440, %get3A_446 : vector<16xf32>
          %max3A_448 = arith.constant 0.000000e+00 : f32
          %max3A_449 = vector.broadcast %max3A_448 : f32 to vector<16xf32>
          %max3A_450 = arith.maximumf %add3A_447, %max3A_449 : vector<16xf32>
          %swap3A_451 = arith.constant 0 : i32
          %swap3A_452 = arith.index_cast %swap3A_451 : i32 to index
          %swap3A_453 = arith.index_cast %scan3A_391 : i32 to index
          %swap3A_454 = arith.constant 32 : index
          %swap3A_455 = tpu.vector_load %arg9[%swap3A_452, %swap3A_453, %swap3A_454] {strides = array<i32>} : memref<2x40x128xf32, #tpu.memory_space<vmem>>, vector<1x1x16xf32>,
          %swap3A_456 = vector.shape_cast %swap3A_455 : vector<1x1x16xf32> to vector<16xf32>
          %swap3A_457 = vector.shape_cast %max3A_450 : vector<16xf32> to vector<1x1x16xf32>
          tpu.vector_store %arg9[%swap3A_452, %swap3A_453, %swap3A_454], %swap3A_457 {strides = array<i32>} : memref<2x40x128xf32, #tpu.memory_space<vmem>>, vector<1x1x16xf32>,
          %get3A_458 = arith.constant 0 : i32
          %get3A_459 = arith.index_cast %get3A_458 : i32 to index
          %get3A_460 = arith.index_cast %scan3A_391 : i32 to index
          %get3A_461 = arith.constant 48 : index
          %get3A_462 = tpu.vector_load %arg7[%get3A_459, %get3A_460, %get3A_461] {strides = array<i32>} : memref<3x40x128xf32, #tpu.memory_space<vmem>>, vector<1x1x16xf32>,
          %get3A_463 = vector.shape_cast %get3A_462 : vector<1x1x16xf32> to vector<16xf32>
          %get3A_464 = arith.constant 0 : i32
          %get3A_465 = arith.index_cast %get3A_464 : i32 to index
          %get3A_466 = arith.index_cast %scan3A_391 : i32 to index
          %get3A_467 = arith.constant 48 : index
          %get3A_468 = tpu.vector_load %arg8[%get3A_465, %get3A_466, %get3A_467] {strides = array<i32>} : memref<3x40x128xf32, #tpu.memory_space<vmem>>, vector<1x1x16xf32>,
          %get3A_469 = vector.shape_cast %get3A_468 : vector<1x1x16xf32> to vector<16xf32>
          %add3A_470 = arith.addf %get3A_463, %get3A_469 : vector<16xf32>
          %max3A_471 = arith.constant 0.000000e+00 : f32
          %max3A_472 = vector.broadcast %max3A_471 : f32 to vector<16xf32>
          %max3A_473 = arith.maximumf %add3A_470, %max3A_472 : vector<16xf32>
          %swap3A_474 = arith.constant 0 : i32
          %swap3A_475 = arith.index_cast %swap3A_474 : i32 to index
          %swap3A_476 = arith.index_cast %scan3A_391 : i32 to index
          %swap3A_477 = arith.constant 48 : index
          %swap3A_478 = tpu.vector_load %arg9[%swap3A_475, %swap3A_476, %swap3A_477] {strides = array<i32>} : memref<2x40x128xf32, #tpu.memory_space<vmem>>, vector<1x1x16xf32>,
          %swap3A_479 = vector.shape_cast %swap3A_478 : vector<1x1x16xf32> to vector<16xf32>
          %swap3A_480 = vector.shape_cast %max3A_473 : vector<16xf32> to vector<1x1x16xf32>
          tpu.vector_store %arg9[%swap3A_475, %swap3A_476, %swap3A_477], %swap3A_480 {strides = array<i32>} : memref<2x40x128xf32, #tpu.memory_space<vmem>>, vector<1x1x16xf32>,
          %get3A_481 = arith.constant 0 : i32
          %get3A_482 = arith.index_cast %get3A_481 : i32 to index
          %get3A_483 = arith.index_cast %scan3A_391 : i32 to index
          %get3A_484 = arith.constant 64 : index
          %get3A_485 = tpu.vector_load %arg7[%get3A_482, %get3A_483, %get3A_484] {strides = array<i32>} : memref<3x40x128xf32, #tpu.memory_space<vmem>>, vector<1x1x16xf32>,
          %get3A_486 = vector.shape_cast %get3A_485 : vector<1x1x16xf32> to vector<16xf32>
          %get3A_487 = arith.constant 0 : i32
          %get3A_488 = arith.index_cast %get3A_487 : i32 to index
          %get3A_489 = arith.index_cast %scan3A_391 : i32 to index
          %get3A_490 = arith.constant 64 : index
          %get3A_491 = tpu.vector_load %arg8[%get3A_488, %get3A_489, %get3A_490] {strides = array<i32>} : memref<3x40x128xf32, #tpu.memory_space<vmem>>, vector<1x1x16xf32>,
          %get3A_492 = vector.shape_cast %get3A_491 : vector<1x1x16xf32> to vector<16xf32>
          %add3A_493 = arith.addf %get3A_486, %get3A_492 : vector<16xf32>
          %max3A_494 = arith.constant 0.000000e+00 : f32
          %max3A_495 = vector.broadcast %max3A_494 : f32 to vector<16xf32>
          %max3A_496 = arith.maximumf %add3A_493, %max3A_495 : vector<16xf32>
          %swap3A_497 = arith.constant 0 : i32
          %swap3A_498 = arith.index_cast %swap3A_497 : i32 to index
          %swap3A_499 = arith.index_cast %scan3A_391 : i32 to index
          %swap3A_500 = arith.constant 64 : index
          %swap3A_501 = tpu.vector_load %arg9[%swap3A_498, %swap3A_499, %swap3A_500] {strides = array<i32>} : memref<2x40x128xf32, #tpu.memory_space<vmem>>, vector<1x1x16xf32>,
          %swap3A_502 = vector.shape_cast %swap3A_501 : vector<1x1x16xf32> to vector<16xf32>
          %swap3A_503 = vector.shape_cast %max3A_496 : vector<16xf32> to vector<1x1x16xf32>
          tpu.vector_store %arg9[%swap3A_498, %swap3A_499, %swap3A_500], %swap3A_503 {strides = array<i32>} : memref<2x40x128xf32, #tpu.memory_space<vmem>>, vector<1x1x16xf32>,
          %get3A_504 = arith.constant 0 : i32
          %get3A_505 = arith.index_cast %get3A_504 : i32 to index
          %get3A_506 = arith.index_cast %scan3A_391 : i32 to index
          %get3A_507 = arith.constant 80 : index
          %get3A_508 = tpu.vector_load %arg7[%get3A_505, %get3A_506, %get3A_507] {strides = array<i32>} : memref<3x40x128xf32, #tpu.memory_space<vmem>>, vector<1x1x16xf32>,
          %get3A_509 = vector.shape_cast %get3A_508 : vector<1x1x16xf32> to vector<16xf32>
          %get3A_510 = arith.constant 0 : i32
          %get3A_511 = arith.index_cast %get3A_510 : i32 to index
          %get3A_512 = arith.index_cast %scan3A_391 : i32 to index
          %get3A_513 = arith.constant 80 : index
          %get3A_514 = tpu.vector_load %arg8[%get3A_511, %get3A_512, %get3A_513] {strides = array<i32>} : memref<3x40x128xf32, #tpu.memory_space<vmem>>, vector<1x1x16xf32>,
          %get3A_515 = vector.shape_cast %get3A_514 : vector<1x1x16xf32> to vector<16xf32>
          %add3A_516 = arith.addf %get3A_509, %get3A_515 : vector<16xf32>
          %max3A_517 = arith.constant 0.000000e+00 : f32
          %max3A_518 = vector.broadcast %max3A_517 : f32 to vector<16xf32>
          %max3A_519 = arith.maximumf %add3A_516, %max3A_518 : vector<16xf32>
          %swap3A_520 = arith.constant 0 : i32
          %swap3A_521 = arith.index_cast %swap3A_520 : i32 to index
          %swap3A_522 = arith.index_cast %scan3A_391 : i32 to index
          %swap3A_523 = arith.constant 80 : index
          %swap3A_524 = tpu.vector_load %arg9[%swap3A_521, %swap3A_522, %swap3A_523] {strides = array<i32>} : memref<2x40x128xf32, #tpu.memory_space<vmem>>, vector<1x1x16xf32>,
          %swap3A_525 = vector.shape_cast %swap3A_524 : vector<1x1x16xf32> to vector<16xf32>
          %swap3A_526 = vector.shape_cast %max3A_519 : vector<16xf32> to vector<1x1x16xf32>
          tpu.vector_store %arg9[%swap3A_521, %swap3A_522, %swap3A_523], %swap3A_526 {strides = array<i32>} : memref<2x40x128xf32, #tpu.memory_space<vmem>>, vector<1x1x16xf32>,
          %get3A_527 = arith.constant 0 : i32
          %get3A_528 = arith.index_cast %get3A_527 : i32 to index
          %get3A_529 = arith.index_cast %scan3A_391 : i32 to index
          %get3A_530 = arith.constant 96 : index
          %get3A_531 = tpu.vector_load %arg7[%get3A_528, %get3A_529, %get3A_530] {strides = array<i32>} : memref<3x40x128xf32, #tpu.memory_space<vmem>>, vector<1x1x16xf32>,
          %get3A_532 = vector.shape_cast %get3A_531 : vector<1x1x16xf32> to vector<16xf32>
          %get3A_533 = arith.constant 0 : i32
          %get3A_534 = arith.index_cast %get3A_533 : i32 to index
          %get3A_535 = arith.index_cast %scan3A_391 : i32 to index
          %get3A_536 = arith.constant 96 : index
          %get3A_537 = tpu.vector_load %arg8[%get3A_534, %get3A_535, %get3A_536] {strides = array<i32>} : memref<3x40x128xf32, #tpu.memory_space<vmem>>, vector<1x1x16xf32>,
          %get3A_538 = vector.shape_cast %get3A_537 : vector<1x1x16xf32> to vector<16xf32>
          %add3A_539 = arith.addf %get3A_532, %get3A_538 : vector<16xf32>
          %max3A_540 = arith.constant 0.000000e+00 : f32
          %max3A_541 = vector.broadcast %max3A_540 : f32 to vector<16xf32>
          %max3A_542 = arith.maximumf %add3A_539, %max3A_541 : vector<16xf32>
          %swap3A_543 = arith.constant 0 : i32
          %swap3A_544 = arith.index_cast %swap3A_543 : i32 to index
          %swap3A_545 = arith.index_cast %scan3A_391 : i32 to index
          %swap3A_546 = arith.constant 96 : index
          %swap3A_547 = tpu.vector_load %arg9[%swap3A_544, %swap3A_545, %swap3A_546] {strides = array<i32>} : memref<2x40x128xf32, #tpu.memory_space<vmem>>, vector<1x1x16xf32>,
          %swap3A_548 = vector.shape_cast %swap3A_547 : vector<1x1x16xf32> to vector<16xf32>
          %swap3A_549 = vector.shape_cast %max3A_542 : vector<16xf32> to vector<1x1x16xf32>
          tpu.vector_store %arg9[%swap3A_544, %swap3A_545, %swap3A_546], %swap3A_549 {strides = array<i32>} : memref<2x40x128xf32, #tpu.memory_space<vmem>>, vector<1x1x16xf32>,
          %get3A_550 = arith.constant 0 : i32
          %get3A_551 = arith.index_cast %get3A_550 : i32 to index
          %get3A_552 = arith.index_cast %scan3A_391 : i32 to index
          %get3A_553 = arith.constant 112 : index
          %get3A_554 = tpu.vector_load %arg7[%get3A_551, %get3A_552, %get3A_553] {strides = array<i32>} : memref<3x40x128xf32, #tpu.memory_space<vmem>>, vector<1x1x16xf32>,
          %get3A_555 = vector.shape_cast %get3A_554 : vector<1x1x16xf32> to vector<16xf32>
          %get3A_556 = arith.constant 0 : i32
          %get3A_557 = arith.index_cast %get3A_556 : i32 to index
          %get3A_558 = arith.index_cast %scan3A_391 : i32 to index
          %get3A_559 = arith.constant 112 : index
          %get3A_560 = tpu.vector_load %arg8[%get3A_557, %get3A_558, %get3A_559] {strides = array<i32>} : memref<3x40x128xf32, #tpu.memory_space<vmem>>, vector<1x1x16xf32>,
          %get3A_561 = vector.shape_cast %get3A_560 : vector<1x1x16xf32> to vector<16xf32>
          %add3A_562 = arith.addf %get3A_555, %get3A_561 : vector<16xf32>
          %max3A_563 = arith.constant 0.000000e+00 : f32
          %max3A_564 = vector.broadcast %max3A_563 : f32 to vector<16xf32>
          %max3A_565 = arith.maximumf %add3A_562, %max3A_564 : vector<16xf32>
          %swap3A_566 = arith.constant 0 : i32
          %swap3A_567 = arith.index_cast %swap3A_566 : i32 to index
          %swap3A_568 = arith.index_cast %scan3A_391 : i32 to index
          %swap3A_569 = arith.constant 112 : index
          %swap3A_570 = tpu.vector_load %arg9[%swap3A_567, %swap3A_568, %swap3A_569] {strides = array<i32>} : memref<2x40x128xf32, #tpu.memory_space<vmem>>, vector<1x1x16xf32>,
          %swap3A_571 = vector.shape_cast %swap3A_570 : vector<1x1x16xf32> to vector<16xf32>
          %swap3A_572 = vector.shape_cast %max3A_565 : vector<16xf32> to vector<1x1x16xf32>
          tpu.vector_store %arg9[%swap3A_567, %swap3A_568, %swap3A_569], %swap3A_572 {strides = array<i32>} : memref<2x40x128xf32, #tpu.memory_space<vmem>>, vector<1x1x16xf32>,
        }
        %scan3A_371 = arith.constant 40 : i32
        %dma_start3A_372 = arith.constant 0 : i32
        %dma_start3A_373 = arith.constant 0 : i32
        %dma_start3A_374 = arith.constant 0 : i32
        %dma_start3A_375 = arith.constant 0 : i32
        %dma_start3A_376 = tpu.memref_slice %arg9[%dma_start3A_372, %dma_start3A_374, %dma_start3A_375] : memref<2x40x128xf32, #tpu.memory_space<vmem>> -> memref<1x40x128xf32, #tpu.memory_space<vmem>>
        %dma_start3A_377 = tpu.memref_squeeze %dma_start3A_376 : memref<1x40x128xf32, #tpu.memory_space<vmem>> -> memref<40x128xf32, #tpu.memory_space<vmem>>
        %dma_start3A_378 = arith.constant 0 : i32
        %dma_start3A_379 = tpu.memref_slice %arg11[%dma_start3A_373, %dma_start3A_378] : memref<6x40xi32, #tpu.memory_space<vmem>> -> memref<1x40xi32, #tpu.memory_space<vmem>>
        %dma_start3A_380 = tpu.memref_squeeze %dma_start3A_379 : memref<1x40xi32, #tpu.memory_space<vmem>> -> memref<40xi32, #tpu.memory_space<vmem>>
        %dma_start3A_381 = arith.constant 0 : i32
        %dma_start3A_382 = arith.constant 0 : i32
        %dma_start3A_383 = tpu.memref_slice %arg12[%dma_start3A_381, %dma_start3A_382] : memref<10000x128xf32, #tpu.memory_space<vmem_shared>> -> memref<10000x128xf32, #tpu.memory_space<vmem_shared>>
        tpu.enqueue_indirect_dma source(%dma_start3A_377 : memref<40x128xf32, #tpu.memory_space<vmem>>) target(%dma_start3A_383 : memref<10000x128xf32, #tpu.memory_space<vmem_shared>>) offsets(%dma_start3A_380 : memref<40xi32, #tpu.memory_space<vmem>>) semaphore(%arg16 : memref<!tpu.dma_semaphore, #tpu.memory_space<semaphore_mem>>) {add = true}
        %add3A_384 = arith.constant 3 : i32
        %add3A_385 = arith.addi %add3A_277, %add3A_384 : i32
        %lt3A_386 = arith.constant 250 : i32
        %lt3A_387 = arith.cmpi slt, %add3A_385, %lt3A_386 : i32
        %convert_element_type3A_388 = arith.extui %lt3A_387 : i1 to i32
        %cond3A_389 = arith.constant 0 : i32
        %cond3A_390 = arith.cmpi ne, %convert_element_type3A_388, %cond3A_389 : i32
        scf.if %cond3A_390 {
          %dma_wait3A_391 = arith.constant 3 : i32
          %dma_wait3A_392 = arith.constant 0 : i32
          %dma_wait3A_393 = tpu.memref_slice %arg10[%dma_wait3A_391, %dma_wait3A_392] : memref<6x40xi32, #tpu.memory_space<vmem>> -> memref<1x40xi32, #tpu.memory_space<vmem>>
          %dma_wait3A_394 = tpu.memref_squeeze %dma_wait3A_393 : memref<1x40xi32, #tpu.memory_space<vmem>> -> memref<40xi32, #tpu.memory_space<vmem>>
          %dma_wait3A_395 = arith.constant 0 : i32
          %dma_wait3A_396 = tpu.memref_slice %arg3[%dma_wait3A_395] : memref<320000xi32, #tpu.memory_space<hbm>> -> memref<40xi32, #tpu.memory_space<hbm>>
          %dma_wait3A_397 = arith.constant 0 : i32
          %dma_wait3A_398 = tpu.memref_slice %arg10[%dma_wait3A_391, %dma_wait3A_397] : memref<6x40xi32, #tpu.memory_space<vmem>> -> memref<1x40xi32, #tpu.memory_space<vmem>>
          %dma_wait3A_399 = tpu.memref_squeeze %dma_wait3A_398 : memref<1x40xi32, #tpu.memory_space<vmem>> -> memref<40xi32, #tpu.memory_space<vmem>>
          %dma_wait3A_400 = arith.constant 0 : i32
          %dma_wait3A_401 = tpu.memref_slice %arg3[%dma_wait3A_400] : memref<320000xi32, #tpu.memory_space<hbm>> -> memref<40xi32, #tpu.memory_space<hbm>>
          tpu.wait_dma2 semaphore(%arg21 : memref<!tpu.dma_semaphore, #tpu.memory_space<semaphore_mem>>) src(%dma_wait3A_401 : memref<40xi32, #tpu.memory_space<hbm>>) dst(%dma_wait3A_399 : memref<40xi32, #tpu.memory_space<vmem>>)
          %dma_wait3A_402 = arith.constant 3 : i32
          %dma_wait3A_403 = arith.constant 0 : i32
          %dma_wait3A_404 = tpu.memref_slice %arg11[%dma_wait3A_402, %dma_wait3A_403] : memref<6x40xi32, #tpu.memory_space<vmem>> -> memref<1x40xi32, #tpu.memory_space<vmem>>
          %dma_wait3A_405 = tpu.memref_squeeze %dma_wait3A_404 : memref<1x40xi32, #tpu.memory_space<vmem>> -> memref<40xi32, #tpu.memory_space<vmem>>
          %dma_wait3A_406 = arith.constant 0 : i32
          %dma_wait3A_407 = tpu.memref_slice %arg4[%dma_wait3A_406] : memref<320000xi32, #tpu.memory_space<hbm>> -> memref<40xi32, #tpu.memory_space<hbm>>
          %dma_wait3A_408 = arith.constant 0 : i32
          %dma_wait3A_409 = tpu.memref_slice %arg11[%dma_wait3A_402, %dma_wait3A_408] : memref<6x40xi32, #tpu.memory_space<vmem>> -> memref<1x40xi32, #tpu.memory_space<vmem>>
          %dma_wait3A_410 = tpu.memref_squeeze %dma_wait3A_409 : memref<1x40xi32, #tpu.memory_space<vmem>> -> memref<40xi32, #tpu.memory_space<vmem>>
          %dma_wait3A_411 = arith.constant 0 : i32
          %dma_wait3A_412 = tpu.memref_slice %arg4[%dma_wait3A_411] : memref<320000xi32, #tpu.memory_space<hbm>> -> memref<40xi32, #tpu.memory_space<hbm>>
          tpu.wait_dma2 semaphore(%arg21 : memref<!tpu.dma_semaphore, #tpu.memory_space<semaphore_mem>>) src(%dma_wait3A_412 : memref<40xi32, #tpu.memory_space<hbm>>) dst(%dma_wait3A_410 : memref<40xi32, #tpu.memory_space<vmem>>)
          %add3A_413 = arith.constant 3 : i32
          %add3A_414 = arith.addi %add3A_277, %add3A_413 : i32
          %dma_start3A_415 = arith.constant 3 : i32
          %dma_start3A_416 = arith.constant 0 : i32
          %dma_start3A_417 = arith.constant 0 : i32
          %dma_start3A_418 = arith.constant 0 : i32
          %dma_start3A_419 = tpu.memref_slice %arg8[%dma_start3A_416, %dma_start3A_417, %dma_start3A_418] : memref<3x40x128xf32, #tpu.memory_space<vmem>> -> memref<1x40x128xf32, #tpu.memory_space<vmem>>
          %dma_start3A_420 = tpu.memref_squeeze %dma_start3A_419 : memref<1x40x128xf32, #tpu.memory_space<vmem>> -> memref<40x128xf32, #tpu.memory_space<vmem>>
          %dma_start3A_421 = arith.constant 0 : i32
          %dma_start3A_422 = tpu.memref_slice %arg10[%dma_start3A_415, %dma_start3A_421] : memref<6x40xi32, #tpu.memory_space<vmem>> -> memref<1x40xi32, #tpu.memory_space<vmem>>
          %dma_start3A_423 = tpu.memref_squeeze %dma_start3A_422 : memref<1x40xi32, #tpu.memory_space<vmem>> -> memref<40xi32, #tpu.memory_space<vmem>>
          %dma_start3A_424 = arith.constant 0 : i32
          %dma_start3A_425 = arith.constant 0 : i32
          %dma_start3A_426 = tpu.memref_slice %arg2[%dma_start3A_424, %dma_start3A_425] : memref<10000x128xf32, #tpu.memory_space<hbm>> -> memref<10000x128xf32, #tpu.memory_space<hbm>>
          tpu.enqueue_indirect_dma source(%dma_start3A_426 : memref<10000x128xf32, #tpu.memory_space<hbm>>) target(%dma_start3A_420 : memref<40x128xf32, #tpu.memory_space<vmem>>) offsets(%dma_start3A_423 : memref<40xi32, #tpu.memory_space<vmem>>) semaphore(%arg13 : memref<!tpu.dma_semaphore, #tpu.memory_space<semaphore_mem>>)
          %mul3A_427 = arith.constant 40 : i32
          %mul3A_428 = arith.muli %add3A_414, %mul3A_427 : i32
          %add3A_429 = arith.addi %mul3A_2, %mul3A_428 : i32
          %dma_start3A_430 = arith.constant 0 : i32
          %dma_start3A_431 = arith.constant 0 : i32
          %dma_start3A_432 = arith.constant 0 : i32
          %dma_start3A_433 = tpu.memref_slice %arg7[%dma_start3A_430, %dma_start3A_431, %dma_start3A_432] : memref<3x40x128xf32, #tpu.memory_space<vmem>> -> memref<1x40x128xf32, #tpu.memory_space<vmem>>
          %dma_start3A_434 = tpu.memref_squeeze %dma_start3A_433 : memref<1x40x128xf32, #tpu.memory_space<vmem>> -> memref<40x128xf32, #tpu.memory_space<vmem>>
          %dma_start3A_435 = arith.constant 0 : i32
          %dma_start3A_436 = tpu.memref_slice %arg5[%add3A_429, %dma_start3A_435] : memref<320000x128xf32, #tpu.memory_space<hbm>> -> memref<40x128xf32, #tpu.memory_space<hbm>>
          %dma_start3A_437 = arith.constant 0 : i32
          %dma_start3A_438 = arith.constant 0 : i32
          %dma_start3A_439 = tpu.memref_slice %arg7[%dma_start3A_430, %dma_start3A_437, %dma_start3A_438] : memref<3x40x128xf32, #tpu.memory_space<vmem>> -> memref<1x40x128xf32, #tpu.memory_space<vmem>>
          %dma_start3A_440 = tpu.memref_squeeze %dma_start3A_439 : memref<1x40x128xf32, #tpu.memory_space<vmem>> -> memref<40x128xf32, #tpu.memory_space<vmem>>
          %dma_start3A_441 = arith.constant 0 : i32
          %dma_start3A_442 = tpu.memref_slice %arg5[%add3A_429, %dma_start3A_441] : memref<320000x128xf32, #tpu.memory_space<hbm>> -> memref<40x128xf32, #tpu.memory_space<hbm>>
          tpu.enqueue_dma source(%dma_start3A_442 : memref<40x128xf32, #tpu.memory_space<hbm>>) target(%dma_start3A_440 : memref<40x128xf32, #tpu.memory_space<vmem>>) target_semaphore(%arg13 : memref<!tpu.dma_semaphore, #tpu.memory_space<semaphore_mem>>)
        } else {
        }
      } else {
      }
      %mul3A_283 = arith.constant 6 : i32
      %mul3A_284 = arith.muli %scan3A_273, %mul3A_283 : i32
      %add3A_285 = arith.constant 1 : i32
      %add3A_286 = arith.addi %mul3A_284, %add3A_285 : i32
      %lt3A_287 = arith.constant 250 : i32
      %lt3A_288 = arith.cmpi slt, %add3A_286, %lt3A_287 : i32
      %convert_element_type3A_289 = arith.extui %lt3A_288 : i1 to i32
      %cond3A_290 = arith.constant 0 : i32
      %cond3A_291 = arith.cmpi ne, %convert_element_type3A_289, %cond3A_290 : i32
      scf.if %cond3A_291 {
        %dma_wait3A_328 = arith.constant 1 : i32
        %dma_wait3A_329 = arith.constant 0 : i32
        %dma_wait3A_330 = arith.constant 0 : i32
        %dma_wait3A_331 = tpu.memref_slice %arg7[%dma_wait3A_328, %dma_wait3A_329, %dma_wait3A_330] : memref<3x40x128xf32, #tpu.memory_space<vmem>> -> memref<1x40x128xf32, #tpu.memory_space<vmem>>
        %dma_wait3A_332 = tpu.memref_squeeze %dma_wait3A_331 : memref<1x40x128xf32, #tpu.memory_space<vmem>> -> memref<40x128xf32, #tpu.memory_space<vmem>>
        %dma_wait3A_333 = arith.constant 0 : i32
        %dma_wait3A_334 = arith.constant 0 : i32
        %dma_wait3A_335 = tpu.memref_slice %arg5[%dma_wait3A_333, %dma_wait3A_334] : memref<320000x128xf32, #tpu.memory_space<hbm>> -> memref<40x128xf32, #tpu.memory_space<hbm>>
        %dma_wait3A_336 = arith.constant 0 : i32
        %dma_wait3A_337 = arith.constant 0 : i32
        %dma_wait3A_338 = tpu.memref_slice %arg7[%dma_wait3A_328, %dma_wait3A_336, %dma_wait3A_337] : memref<3x40x128xf32, #tpu.memory_space<vmem>> -> memref<1x40x128xf32, #tpu.memory_space<vmem>>
        %dma_wait3A_339 = tpu.memref_squeeze %dma_wait3A_338 : memref<1x40x128xf32, #tpu.memory_space<vmem>> -> memref<40x128xf32, #tpu.memory_space<vmem>>
        %dma_wait3A_340 = arith.constant 0 : i32
        %dma_wait3A_341 = arith.constant 0 : i32
        %dma_wait3A_342 = tpu.memref_slice %arg5[%dma_wait3A_340, %dma_wait3A_341] : memref<320000x128xf32, #tpu.memory_space<hbm>> -> memref<40x128xf32, #tpu.memory_space<hbm>>
        tpu.wait_dma2 semaphore(%arg14 : memref<!tpu.dma_semaphore, #tpu.memory_space<semaphore_mem>>) src(%dma_wait3A_342 : memref<40x128xf32, #tpu.memory_space<hbm>>) dst(%dma_wait3A_339 : memref<40x128xf32, #tpu.memory_space<vmem>>)
        %dma_wait3A_343 = arith.constant 0 : i32
        %dma_wait3A_344 = arith.constant 1 : i32
        %dma_wait3A_345 = arith.constant 0 : i32
        %dma_wait3A_346 = arith.constant 0 : i32
        %dma_wait3A_347 = tpu.memref_slice %arg8[%dma_wait3A_344, %dma_wait3A_345, %dma_wait3A_346] : memref<3x40x128xf32, #tpu.memory_space<vmem>> -> memref<1x40x128xf32, #tpu.memory_space<vmem>>
        %dma_wait3A_348 = tpu.memref_squeeze %dma_wait3A_347 : memref<1x40x128xf32, #tpu.memory_space<vmem>> -> memref<40x128xf32, #tpu.memory_space<vmem>>
        %dma_wait3A_349 = arith.constant 0 : i32
        %dma_wait3A_350 = tpu.memref_slice %arg10[%dma_wait3A_343, %dma_wait3A_349] : memref<6x40xi32, #tpu.memory_space<vmem>> -> memref<1x40xi32, #tpu.memory_space<vmem>>
        %dma_wait3A_351 = tpu.memref_squeeze %dma_wait3A_350 : memref<1x40xi32, #tpu.memory_space<vmem>> -> memref<40xi32, #tpu.memory_space<vmem>>
        %dma_wait3A_352 = arith.constant 0 : i32
        %dma_wait3A_353 = arith.constant 0 : i32
        %dma_wait3A_354 = tpu.memref_slice %arg2[%dma_wait3A_352, %dma_wait3A_353] : memref<10000x128xf32, #tpu.memory_space<hbm>> -> memref<10000x128xf32, #tpu.memory_space<hbm>>
        tpu.wait_indirect_dma semaphore(%arg14 : memref<!tpu.dma_semaphore, #tpu.memory_space<semaphore_mem>>) src(%dma_wait3A_354 : memref<10000x128xf32, #tpu.memory_space<hbm>>) dst(%dma_wait3A_348 : memref<40x128xf32, #tpu.memory_space<vmem>>)
        %ge3A = arith.constant 2 : i32
        %ge3A_355 = arith.cmpi sge, %add3A_286, %ge3A : i32
        %convert_element_type3A_356 = arith.extui %ge3A_355 : i1 to i32
        %cond3A_357 = arith.constant 0 : i32
        %cond3A_358 = arith.cmpi ne, %convert_element_type3A_356, %cond3A_357 : i32
        scf.if %cond3A_358 {
          %dma_wait3A_391 = arith.constant 1 : i32
          %dma_wait3A_392 = arith.constant 0 : i32
          %dma_wait3A_393 = arith.constant 0 : i32
          %dma_wait3A_394 = arith.constant 0 : i32
          %dma_wait3A_395 = tpu.memref_slice %arg9[%dma_wait3A_391, %dma_wait3A_393, %dma_wait3A_394] : memref<2x40x128xf32, #tpu.memory_space<vmem>> -> memref<1x40x128xf32, #tpu.memory_space<vmem>>
          %dma_wait3A_396 = tpu.memref_squeeze %dma_wait3A_395 : memref<1x40x128xf32, #tpu.memory_space<vmem>> -> memref<40x128xf32, #tpu.memory_space<vmem>>
          %dma_wait3A_397 = arith.constant 0 : i32
          %dma_wait3A_398 = tpu.memref_slice %arg11[%dma_wait3A_392, %dma_wait3A_397] : memref<6x40xi32, #tpu.memory_space<vmem>> -> memref<1x40xi32, #tpu.memory_space<vmem>>
          %dma_wait3A_399 = tpu.memref_squeeze %dma_wait3A_398 : memref<1x40xi32, #tpu.memory_space<vmem>> -> memref<40xi32, #tpu.memory_space<vmem>>
          %dma_wait3A_400 = arith.constant 0 : i32
          %dma_wait3A_401 = arith.constant 0 : i32
          %dma_wait3A_402 = tpu.memref_slice %arg12[%dma_wait3A_400, %dma_wait3A_401] : memref<10000x128xf32, #tpu.memory_space<vmem_shared>> -> memref<10000x128xf32, #tpu.memory_space<vmem_shared>>
          tpu.wait_indirect_dma semaphore(%arg17 : memref<!tpu.dma_semaphore, #tpu.memory_space<semaphore_mem>>) src(%dma_wait3A_396 : memref<40x128xf32, #tpu.memory_space<vmem>>) dst(%dma_wait3A_402 : memref<10000x128xf32, #tpu.memory_space<vmem_shared>>)
        } else {
        }
        %add3A_359 = arith.constant 4 : i32
        %add3A_360 = arith.addi %add3A_286, %add3A_359 : i32
        %lt3A_361 = arith.constant 250 : i32
        %lt3A_362 = arith.cmpi slt, %add3A_360, %lt3A_361 : i32
        %convert_element_type3A_363 = arith.extui %lt3A_362 : i1 to i32
        %cond3A_364 = arith.constant 0 : i32
        %cond3A_365 = arith.cmpi ne, %convert_element_type3A_363, %cond3A_364 : i32
        scf.if %cond3A_365 {
          %add3A_391 = arith.constant 4 : i32
          %add3A_392 = arith.addi %add3A_286, %add3A_391 : i32
          %mul3A_393 = arith.constant 40 : i32
          %mul3A_394 = arith.muli %add3A_392, %mul3A_393 : i32
          %add3A_395 = arith.addi %mul3A_2, %mul3A_394 : i32
          %dma_start3A_396 = arith.constant 5 : i32
          %dma_start3A_397 = arith.constant 0 : i32
          %dma_start3A_398 = tpu.memref_slice %arg10[%dma_start3A_396, %dma_start3A_397] : memref<6x40xi32, #tpu.memory_space<vmem>> -> memref<1x40xi32, #tpu.memory_space<vmem>>
          %dma_start3A_399 = tpu.memref_squeeze %dma_start3A_398 : memref<1x40xi32, #tpu.memory_space<vmem>> -> memref<40xi32, #tpu.memory_space<vmem>>
          %dma_start3A_400 = tpu.memref_slice %arg3[%add3A_395] : memref<320000xi32, #tpu.memory_space<hbm>> -> memref<40xi32, #tpu.memory_space<hbm>>
          %dma_start3A_401 = arith.constant 0 : i32
          %dma_start3A_402 = tpu.memref_slice %arg10[%dma_start3A_396, %dma_start3A_401] : memref<6x40xi32, #tpu.memory_space<vmem>> -> memref<1x40xi32, #tpu.memory_space<vmem>>
          %dma_start3A_403 = tpu.memref_squeeze %dma_start3A_402 : memref<1x40xi32, #tpu.memory_space<vmem>> -> memref<40xi32, #tpu.memory_space<vmem>>
          %dma_start3A_404 = tpu.memref_slice %arg3[%add3A_395] : memref<320000xi32, #tpu.memory_space<hbm>> -> memref<40xi32, #tpu.memory_space<hbm>>
          tpu.enqueue_dma source(%dma_start3A_404 : memref<40xi32, #tpu.memory_space<hbm>>) target(%dma_start3A_403 : memref<40xi32, #tpu.memory_space<vmem>>) target_semaphore(%arg23 : memref<!tpu.dma_semaphore, #tpu.memory_space<semaphore_mem>>)
          %mul3A_405 = arith.constant 40 : i32
          %mul3A_406 = arith.muli %add3A_392, %mul3A_405 : i32
          %add3A_407 = arith.addi %mul3A_2, %mul3A_406 : i32
          %dma_start3A_408 = arith.constant 5 : i32
          %dma_start3A_409 = arith.constant 0 : i32
          %dma_start3A_410 = tpu.memref_slice %arg11[%dma_start3A_408, %dma_start3A_409] : memref<6x40xi32, #tpu.memory_space<vmem>> -> memref<1x40xi32, #tpu.memory_space<vmem>>
          %dma_start3A_411 = tpu.memref_squeeze %dma_start3A_410 : memref<1x40xi32, #tpu.memory_space<vmem>> -> memref<40xi32, #tpu.memory_space<vmem>>
          %dma_start3A_412 = tpu.memref_slice %arg4[%add3A_407] : memref<320000xi32, #tpu.memory_space<hbm>> -> memref<40xi32, #tpu.memory_space<hbm>>
          %dma_start3A_413 = arith.constant 0 : i32
          %dma_start3A_414 = tpu.memref_slice %arg11[%dma_start3A_408, %dma_start3A_413] : memref<6x40xi32, #tpu.memory_space<vmem>> -> memref<1x40xi32, #tpu.memory_space<vmem>>
          %dma_start3A_415 = tpu.memref_squeeze %dma_start3A_414 : memref<1x40xi32, #tpu.memory_space<vmem>> -> memref<40xi32, #tpu.memory_space<vmem>>
          %dma_start3A_416 = tpu.memref_slice %arg4[%add3A_407] : memref<320000xi32, #tpu.memory_space<hbm>> -> memref<40xi32, #tpu.memory_space<hbm>>
          tpu.enqueue_dma source(%dma_start3A_416 : memref<40xi32, #tpu.memory_space<hbm>>) target(%dma_start3A_415 : memref<40xi32, #tpu.memory_space<vmem>>) target_semaphore(%arg23 : memref<!tpu.dma_semaphore, #tpu.memory_space<semaphore_mem>>)
        } else {
        }
        %scan3A_366 = arith.constant 0 : i32
        %scan3A_367 = arith.constant 0 : i32
        %scan3A_368 = arith.constant 40 : i32
        %scan3A_369 = arith.addi %scan3A_367, %scan3A_368 : i32
        %scan3A_370 = arith.constant 1 : i32
        scf.for %scan3A_391 = %scan3A_367 to %scan3A_369 step %scan3A_370  : i32 {
          %get3A = arith.constant 1 : i32
          %get3A_392 = arith.index_cast %get3A : i32 to index
          %get3A_393 = arith.index_cast %scan3A_391 : i32 to index
          %get3A_394 = arith.constant 0 : index
          %get3A_395 = tpu.vector_load %arg7[%get3A_392, %get3A_393, %get3A_394] {strides = array<i32>} : memref<3x40x128xf32, #tpu.memory_space<vmem>>, vector<1x1x16xf32>,
          %get3A_396 = vector.shape_cast %get3A_395 : vector<1x1x16xf32> to vector<16xf32>
          %get3A_397 = arith.constant 1 : i32
          %get3A_398 = arith.index_cast %get3A_397 : i32 to index
          %get3A_399 = arith.index_cast %scan3A_391 : i32 to index
          %get3A_400 = arith.constant 0 : index
          %get3A_401 = tpu.vector_load %arg8[%get3A_398, %get3A_399, %get3A_400] {strides = array<i32>} : memref<3x40x128xf32, #tpu.memory_space<vmem>>, vector<1x1x16xf32>,
          %get3A_402 = vector.shape_cast %get3A_401 : vector<1x1x16xf32> to vector<16xf32>
          %add3A_403 = arith.addf %get3A_396, %get3A_402 : vector<16xf32>
          %max3A = arith.constant 0.000000e+00 : f32
          %max3A_404 = vector.broadcast %max3A : f32 to vector<16xf32>
          %max3A_405 = arith.maximumf %add3A_403, %max3A_404 : vector<16xf32>
          %swap3A = arith.constant 1 : i32
          %swap3A_406 = arith.index_cast %swap3A : i32 to index
          %swap3A_407 = arith.index_cast %scan3A_391 : i32 to index
          %swap3A_408 = arith.constant 0 : index
          %swap3A_409 = tpu.vector_load %arg9[%swap3A_406, %swap3A_407, %swap3A_408] {strides = array<i32>} : memref<2x40x128xf32, #tpu.memory_space<vmem>>, vector<1x1x16xf32>,
          %swap3A_410 = vector.shape_cast %swap3A_409 : vector<1x1x16xf32> to vector<16xf32>
          %swap3A_411 = vector.shape_cast %max3A_405 : vector<16xf32> to vector<1x1x16xf32>
          tpu.vector_store %arg9[%swap3A_406, %swap3A_407, %swap3A_408], %swap3A_411 {strides = array<i32>} : memref<2x40x128xf32, #tpu.memory_space<vmem>>, vector<1x1x16xf32>,
          %get3A_412 = arith.constant 1 : i32
          %get3A_413 = arith.index_cast %get3A_412 : i32 to index
          %get3A_414 = arith.index_cast %scan3A_391 : i32 to index
          %get3A_415 = arith.constant 16 : index
          %get3A_416 = tpu.vector_load %arg7[%get3A_413, %get3A_414, %get3A_415] {strides = array<i32>} : memref<3x40x128xf32, #tpu.memory_space<vmem>>, vector<1x1x16xf32>,
          %get3A_417 = vector.shape_cast %get3A_416 : vector<1x1x16xf32> to vector<16xf32>
          %get3A_418 = arith.constant 1 : i32
          %get3A_419 = arith.index_cast %get3A_418 : i32 to index
          %get3A_420 = arith.index_cast %scan3A_391 : i32 to index
          %get3A_421 = arith.constant 16 : index
          %get3A_422 = tpu.vector_load %arg8[%get3A_419, %get3A_420, %get3A_421] {strides = array<i32>} : memref<3x40x128xf32, #tpu.memory_space<vmem>>, vector<1x1x16xf32>,
          %get3A_423 = vector.shape_cast %get3A_422 : vector<1x1x16xf32> to vector<16xf32>
          %add3A_424 = arith.addf %get3A_417, %get3A_423 : vector<16xf32>
          %max3A_425 = arith.constant 0.000000e+00 : f32
          %max3A_426 = vector.broadcast %max3A_425 : f32 to vector<16xf32>
          %max3A_427 = arith.maximumf %add3A_424, %max3A_426 : vector<16xf32>
          %swap3A_428 = arith.constant 1 : i32
          %swap3A_429 = arith.index_cast %swap3A_428 : i32 to index
          %swap3A_430 = arith.index_cast %scan3A_391 : i32 to index
          %swap3A_431 = arith.constant 16 : index
          %swap3A_432 = tpu.vector_load %arg9[%swap3A_429, %swap3A_430, %swap3A_431] {strides = array<i32>} : memref<2x40x128xf32, #tpu.memory_space<vmem>>, vector<1x1x16xf32>,
          %swap3A_433 = vector.shape_cast %swap3A_432 : vector<1x1x16xf32> to vector<16xf32>
          %swap3A_434 = vector.shape_cast %max3A_427 : vector<16xf32> to vector<1x1x16xf32>
          tpu.vector_store %arg9[%swap3A_429, %swap3A_430, %swap3A_431], %swap3A_434 {strides = array<i32>} : memref<2x40x128xf32, #tpu.memory_space<vmem>>, vector<1x1x16xf32>,
          %get3A_435 = arith.constant 1 : i32
          %get3A_436 = arith.index_cast %get3A_435 : i32 to index
          %get3A_437 = arith.index_cast %scan3A_391 : i32 to index
          %get3A_438 = arith.constant 32 : index
          %get3A_439 = tpu.vector_load %arg7[%get3A_436, %get3A_437, %get3A_438] {strides = array<i32>} : memref<3x40x128xf32, #tpu.memory_space<vmem>>, vector<1x1x16xf32>,
          %get3A_440 = vector.shape_cast %get3A_439 : vector<1x1x16xf32> to vector<16xf32>
          %get3A_441 = arith.constant 1 : i32
          %get3A_442 = arith.index_cast %get3A_441 : i32 to index
          %get3A_443 = arith.index_cast %scan3A_391 : i32 to index
          %get3A_444 = arith.constant 32 : index
          %get3A_445 = tpu.vector_load %arg8[%get3A_442, %get3A_443, %get3A_444] {strides = array<i32>} : memref<3x40x128xf32, #tpu.memory_space<vmem>>, vector<1x1x16xf32>,
          %get3A_446 = vector.shape_cast %get3A_445 : vector<1x1x16xf32> to vector<16xf32>
          %add3A_447 = arith.addf %get3A_440, %get3A_446 : vector<16xf32>
          %max3A_448 = arith.constant 0.000000e+00 : f32
          %max3A_449 = vector.broadcast %max3A_448 : f32 to vector<16xf32>
          %max3A_450 = arith.maximumf %add3A_447, %max3A_449 : vector<16xf32>
          %swap3A_451 = arith.constant 1 : i32
          %swap3A_452 = arith.index_cast %swap3A_451 : i32 to index
          %swap3A_453 = arith.index_cast %scan3A_391 : i32 to index
          %swap3A_454 = arith.constant 32 : index
          %swap3A_455 = tpu.vector_load %arg9[%swap3A_452, %swap3A_453, %swap3A_454] {strides = array<i32>} : memref<2x40x128xf32, #tpu.memory_space<vmem>>, vector<1x1x16xf32>,
          %swap3A_456 = vector.shape_cast %swap3A_455 : vector<1x1x16xf32> to vector<16xf32>
          %swap3A_457 = vector.shape_cast %max3A_450 : vector<16xf32> to vector<1x1x16xf32>
          tpu.vector_store %arg9[%swap3A_452, %swap3A_453, %swap3A_454], %swap3A_457 {strides = array<i32>} : memref<2x40x128xf32, #tpu.memory_space<vmem>>, vector<1x1x16xf32>,
          %get3A_458 = arith.constant 1 : i32
          %get3A_459 = arith.index_cast %get3A_458 : i32 to index
          %get3A_460 = arith.index_cast %scan3A_391 : i32 to index
          %get3A_461 = arith.constant 48 : index
          %get3A_462 = tpu.vector_load %arg7[%get3A_459, %get3A_460, %get3A_461] {strides = array<i32>} : memref<3x40x128xf32, #tpu.memory_space<vmem>>, vector<1x1x16xf32>,
          %get3A_463 = vector.shape_cast %get3A_462 : vector<1x1x16xf32> to vector<16xf32>
          %get3A_464 = arith.constant 1 : i32
          %get3A_465 = arith.index_cast %get3A_464 : i32 to index
          %get3A_466 = arith.index_cast %scan3A_391 : i32 to index
          %get3A_467 = arith.constant 48 : index
          %get3A_468 = tpu.vector_load %arg8[%get3A_465, %get3A_466, %get3A_467] {strides = array<i32>} : memref<3x40x128xf32, #tpu.memory_space<vmem>>, vector<1x1x16xf32>,
          %get3A_469 = vector.shape_cast %get3A_468 : vector<1x1x16xf32> to vector<16xf32>
          %add3A_470 = arith.addf %get3A_463, %get3A_469 : vector<16xf32>
          %max3A_471 = arith.constant 0.000000e+00 : f32
          %max3A_472 = vector.broadcast %max3A_471 : f32 to vector<16xf32>
          %max3A_473 = arith.maximumf %add3A_470, %max3A_472 : vector<16xf32>
          %swap3A_474 = arith.constant 1 : i32
          %swap3A_475 = arith.index_cast %swap3A_474 : i32 to index
          %swap3A_476 = arith.index_cast %scan3A_391 : i32 to index
          %swap3A_477 = arith.constant 48 : index
          %swap3A_478 = tpu.vector_load %arg9[%swap3A_475, %swap3A_476, %swap3A_477] {strides = array<i32>} : memref<2x40x128xf32, #tpu.memory_space<vmem>>, vector<1x1x16xf32>,
          %swap3A_479 = vector.shape_cast %swap3A_478 : vector<1x1x16xf32> to vector<16xf32>
          %swap3A_480 = vector.shape_cast %max3A_473 : vector<16xf32> to vector<1x1x16xf32>
          tpu.vector_store %arg9[%swap3A_475, %swap3A_476, %swap3A_477], %swap3A_480 {strides = array<i32>} : memref<2x40x128xf32, #tpu.memory_space<vmem>>, vector<1x1x16xf32>,
          %get3A_481 = arith.constant 1 : i32
          %get3A_482 = arith.index_cast %get3A_481 : i32 to index
          %get3A_483 = arith.index_cast %scan3A_391 : i32 to index
          %get3A_484 = arith.constant 64 : index
          %get3A_485 = tpu.vector_load %arg7[%get3A_482, %get3A_483, %get3A_484] {strides = array<i32>} : memref<3x40x128xf32, #tpu.memory_space<vmem>>, vector<1x1x16xf32>,
          %get3A_486 = vector.shape_cast %get3A_485 : vector<1x1x16xf32> to vector<16xf32>
          %get3A_487 = arith.constant 1 : i32
          %get3A_488 = arith.index_cast %get3A_487 : i32 to index
          %get3A_489 = arith.index_cast %scan3A_391 : i32 to index
          %get3A_490 = arith.constant 64 : index
          %get3A_491 = tpu.vector_load %arg8[%get3A_488, %get3A_489, %get3A_490] {strides = array<i32>} : memref<3x40x128xf32, #tpu.memory_space<vmem>>, vector<1x1x16xf32>,
          %get3A_492 = vector.shape_cast %get3A_491 : vector<1x1x16xf32> to vector<16xf32>
          %add3A_493 = arith.addf %get3A_486, %get3A_492 : vector<16xf32>
          %max3A_494 = arith.constant 0.000000e+00 : f32
          %max3A_495 = vector.broadcast %max3A_494 : f32 to vector<16xf32>
          %max3A_496 = arith.maximumf %add3A_493, %max3A_495 : vector<16xf32>
          %swap3A_497 = arith.constant 1 : i32
          %swap3A_498 = arith.index_cast %swap3A_497 : i32 to index
          %swap3A_499 = arith.index_cast %scan3A_391 : i32 to index
          %swap3A_500 = arith.constant 64 : index
          %swap3A_501 = tpu.vector_load %arg9[%swap3A_498, %swap3A_499, %swap3A_500] {strides = array<i32>} : memref<2x40x128xf32, #tpu.memory_space<vmem>>, vector<1x1x16xf32>,
          %swap3A_502 = vector.shape_cast %swap3A_501 : vector<1x1x16xf32> to vector<16xf32>
          %swap3A_503 = vector.shape_cast %max3A_496 : vector<16xf32> to vector<1x1x16xf32>
          tpu.vector_store %arg9[%swap3A_498, %swap3A_499, %swap3A_500], %swap3A_503 {strides = array<i32>} : memref<2x40x128xf32, #tpu.memory_space<vmem>>, vector<1x1x16xf32>,
          %get3A_504 = arith.constant 1 : i32
          %get3A_505 = arith.index_cast %get3A_504 : i32 to index
          %get3A_506 = arith.index_cast %scan3A_391 : i32 to index
          %get3A_507 = arith.constant 80 : index
          %get3A_508 = tpu.vector_load %arg7[%get3A_505, %get3A_506, %get3A_507] {strides = array<i32>} : memref<3x40x128xf32, #tpu.memory_space<vmem>>, vector<1x1x16xf32>,
          %get3A_509 = vector.shape_cast %get3A_508 : vector<1x1x16xf32> to vector<16xf32>
          %get3A_510 = arith.constant 1 : i32
          %get3A_511 = arith.index_cast %get3A_510 : i32 to index
          %get3A_512 = arith.index_cast %scan3A_391 : i32 to index
          %get3A_513 = arith.constant 80 : index
          %get3A_514 = tpu.vector_load %arg8[%get3A_511, %get3A_512, %get3A_513] {strides = array<i32>} : memref<3x40x128xf32, #tpu.memory_space<vmem>>, vector<1x1x16xf32>,
          %get3A_515 = vector.shape_cast %get3A_514 : vector<1x1x16xf32> to vector<16xf32>
          %add3A_516 = arith.addf %get3A_509, %get3A_515 : vector<16xf32>
          %max3A_517 = arith.constant 0.000000e+00 : f32
          %max3A_518 = vector.broadcast %max3A_517 : f32 to vector<16xf32>
          %max3A_519 = arith.maximumf %add3A_516, %max3A_518 : vector<16xf32>
          %swap3A_520 = arith.constant 1 : i32
          %swap3A_521 = arith.index_cast %swap3A_520 : i32 to index
          %swap3A_522 = arith.index_cast %scan3A_391 : i32 to index
          %swap3A_523 = arith.constant 80 : index
          %swap3A_524 = tpu.vector_load %arg9[%swap3A_521, %swap3A_522, %swap3A_523] {strides = array<i32>} : memref<2x40x128xf32, #tpu.memory_space<vmem>>, vector<1x1x16xf32>,
          %swap3A_525 = vector.shape_cast %swap3A_524 : vector<1x1x16xf32> to vector<16xf32>
          %swap3A_526 = vector.shape_cast %max3A_519 : vector<16xf32> to vector<1x1x16xf32>
          tpu.vector_store %arg9[%swap3A_521, %swap3A_522, %swap3A_523], %swap3A_526 {strides = array<i32>} : memref<2x40x128xf32, #tpu.memory_space<vmem>>, vector<1x1x16xf32>,
          %get3A_527 = arith.constant 1 : i32
          %get3A_528 = arith.index_cast %get3A_527 : i32 to index
          %get3A_529 = arith.index_cast %scan3A_391 : i32 to index
          %get3A_530 = arith.constant 96 : index
          %get3A_531 = tpu.vector_load %arg7[%get3A_528, %get3A_529, %get3A_530] {strides = array<i32>} : memref<3x40x128xf32, #tpu.memory_space<vmem>>, vector<1x1x16xf32>,
          %get3A_532 = vector.shape_cast %get3A_531 : vector<1x1x16xf32> to vector<16xf32>
          %get3A_533 = arith.constant 1 : i32
          %get3A_534 = arith.index_cast %get3A_533 : i32 to index
          %get3A_535 = arith.index_cast %scan3A_391 : i32 to index
          %get3A_536 = arith.constant 96 : index
          %get3A_537 = tpu.vector_load %arg8[%get3A_534, %get3A_535, %get3A_536] {strides = array<i32>} : memref<3x40x128xf32, #tpu.memory_space<vmem>>, vector<1x1x16xf32>,
          %get3A_538 = vector.shape_cast %get3A_537 : vector<1x1x16xf32> to vector<16xf32>
          %add3A_539 = arith.addf %get3A_532, %get3A_538 : vector<16xf32>
          %max3A_540 = arith.constant 0.000000e+00 : f32
          %max3A_541 = vector.broadcast %max3A_540 : f32 to vector<16xf32>
          %max3A_542 = arith.maximumf %add3A_539, %max3A_541 : vector<16xf32>
          %swap3A_543 = arith.constant 1 : i32
          %swap3A_544 = arith.index_cast %swap3A_543 : i32 to index
          %swap3A_545 = arith.index_cast %scan3A_391 : i32 to index
          %swap3A_546 = arith.constant 96 : index
          %swap3A_547 = tpu.vector_load %arg9[%swap3A_544, %swap3A_545, %swap3A_546] {strides = array<i32>} : memref<2x40x128xf32, #tpu.memory_space<vmem>>, vector<1x1x16xf32>,
          %swap3A_548 = vector.shape_cast %swap3A_547 : vector<1x1x16xf32> to vector<16xf32>
          %swap3A_549 = vector.shape_cast %max3A_542 : vector<16xf32> to vector<1x1x16xf32>
          tpu.vector_store %arg9[%swap3A_544, %swap3A_545, %swap3A_546], %swap3A_549 {strides = array<i32>} : memref<2x40x128xf32, #tpu.memory_space<vmem>>, vector<1x1x16xf32>,
          %get3A_550 = arith.constant 1 : i32
          %get3A_551 = arith.index_cast %get3A_550 : i32 to index
          %get3A_552 = arith.index_cast %scan3A_391 : i32 to index
          %get3A_553 = arith.constant 112 : index
          %get3A_554 = tpu.vector_load %arg7[%get3A_551, %get3A_552, %get3A_553] {strides = array<i32>} : memref<3x40x128xf32, #tpu.memory_space<vmem>>, vector<1x1x16xf32>,
          %get3A_555 = vector.shape_cast %get3A_554 : vector<1x1x16xf32> to vector<16xf32>
          %get3A_556 = arith.constant 1 : i32
          %get3A_557 = arith.index_cast %get3A_556 : i32 to index
          %get3A_558 = arith.index_cast %scan3A_391 : i32 to index
          %get3A_559 = arith.constant 112 : index
          %get3A_560 = tpu.vector_load %arg8[%get3A_557, %get3A_558, %get3A_559] {strides = array<i32>} : memref<3x40x128xf32, #tpu.memory_space<vmem>>, vector<1x1x16xf32>,
          %get3A_561 = vector.shape_cast %get3A_560 : vector<1x1x16xf32> to vector<16xf32>
          %add3A_562 = arith.addf %get3A_555, %get3A_561 : vector<16xf32>
          %max3A_563 = arith.constant 0.000000e+00 : f32
          %max3A_564 = vector.broadcast %max3A_563 : f32 to vector<16xf32>
          %max3A_565 = arith.maximumf %add3A_562, %max3A_564 : vector<16xf32>
          %swap3A_566 = arith.constant 1 : i32
          %swap3A_567 = arith.index_cast %swap3A_566 : i32 to index
          %swap3A_568 = arith.index_cast %scan3A_391 : i32 to index
          %swap3A_569 = arith.constant 112 : index
          %swap3A_570 = tpu.vector_load %arg9[%swap3A_567, %swap3A_568, %swap3A_569] {strides = array<i32>} : memref<2x40x128xf32, #tpu.memory_space<vmem>>, vector<1x1x16xf32>,
          %swap3A_571 = vector.shape_cast %swap3A_570 : vector<1x1x16xf32> to vector<16xf32>
          %swap3A_572 = vector.shape_cast %max3A_565 : vector<16xf32> to vector<1x1x16xf32>
          tpu.vector_store %arg9[%swap3A_567, %swap3A_568, %swap3A_569], %swap3A_572 {strides = array<i32>} : memref<2x40x128xf32, #tpu.memory_space<vmem>>, vector<1x1x16xf32>,
        }
        %scan3A_371 = arith.constant 40 : i32
        %dma_start3A_372 = arith.constant 1 : i32
        %dma_start3A_373 = arith.constant 1 : i32
        %dma_start3A_374 = arith.constant 0 : i32
        %dma_start3A_375 = arith.constant 0 : i32
        %dma_start3A_376 = tpu.memref_slice %arg9[%dma_start3A_372, %dma_start3A_374, %dma_start3A_375] : memref<2x40x128xf32, #tpu.memory_space<vmem>> -> memref<1x40x128xf32, #tpu.memory_space<vmem>>
        %dma_start3A_377 = tpu.memref_squeeze %dma_start3A_376 : memref<1x40x128xf32, #tpu.memory_space<vmem>> -> memref<40x128xf32, #tpu.memory_space<vmem>>
        %dma_start3A_378 = arith.constant 0 : i32
        %dma_start3A_379 = tpu.memref_slice %arg11[%dma_start3A_373, %dma_start3A_378] : memref<6x40xi32, #tpu.memory_space<vmem>> -> memref<1x40xi32, #tpu.memory_space<vmem>>
        %dma_start3A_380 = tpu.memref_squeeze %dma_start3A_379 : memref<1x40xi32, #tpu.memory_space<vmem>> -> memref<40xi32, #tpu.memory_space<vmem>>
        %dma_start3A_381 = arith.constant 0 : i32
        %dma_start3A_382 = arith.constant 0 : i32
        %dma_start3A_383 = tpu.memref_slice %arg12[%dma_start3A_381, %dma_start3A_382] : memref<10000x128xf32, #tpu.memory_space<vmem_shared>> -> memref<10000x128xf32, #tpu.memory_space<vmem_shared>>
        tpu.enqueue_indirect_dma source(%dma_start3A_377 : memref<40x128xf32, #tpu.memory_space<vmem>>) target(%dma_start3A_383 : memref<10000x128xf32, #tpu.memory_space<vmem_shared>>) offsets(%dma_start3A_380 : memref<40xi32, #tpu.memory_space<vmem>>) semaphore(%arg17 : memref<!tpu.dma_semaphore, #tpu.memory_space<semaphore_mem>>) {add = true}
        %add3A_384 = arith.constant 3 : i32
        %add3A_385 = arith.addi %add3A_286, %add3A_384 : i32
        %lt3A_386 = arith.constant 250 : i32
        %lt3A_387 = arith.cmpi slt, %add3A_385, %lt3A_386 : i32
        %convert_element_type3A_388 = arith.extui %lt3A_387 : i1 to i32
        %cond3A_389 = arith.constant 0 : i32
        %cond3A_390 = arith.cmpi ne, %convert_element_type3A_388, %cond3A_389 : i32
        scf.if %cond3A_390 {
          %dma_wait3A_391 = arith.constant 4 : i32
          %dma_wait3A_392 = arith.constant 0 : i32
          %dma_wait3A_393 = tpu.memref_slice %arg10[%dma_wait3A_391, %dma_wait3A_392] : memref<6x40xi32, #tpu.memory_space<vmem>> -> memref<1x40xi32, #tpu.memory_space<vmem>>
          %dma_wait3A_394 = tpu.memref_squeeze %dma_wait3A_393 : memref<1x40xi32, #tpu.memory_space<vmem>> -> memref<40xi32, #tpu.memory_space<vmem>>
          %dma_wait3A_395 = arith.constant 0 : i32
          %dma_wait3A_396 = tpu.memref_slice %arg3[%dma_wait3A_395] : memref<320000xi32, #tpu.memory_space<hbm>> -> memref<40xi32, #tpu.memory_space<hbm>>
          %dma_wait3A_397 = arith.constant 0 : i32
          %dma_wait3A_398 = tpu.memref_slice %arg10[%dma_wait3A_391, %dma_wait3A_397] : memref<6x40xi32, #tpu.memory_space<vmem>> -> memref<1x40xi32, #tpu.memory_space<vmem>>
          %dma_wait3A_399 = tpu.memref_squeeze %dma_wait3A_398 : memref<1x40xi32, #tpu.memory_space<vmem>> -> memref<40xi32, #tpu.memory_space<vmem>>
          %dma_wait3A_400 = arith.constant 0 : i32
          %dma_wait3A_401 = tpu.memref_slice %arg3[%dma_wait3A_400] : memref<320000xi32, #tpu.memory_space<hbm>> -> memref<40xi32, #tpu.memory_space<hbm>>
          tpu.wait_dma2 semaphore(%arg22 : memref<!tpu.dma_semaphore, #tpu.memory_space<semaphore_mem>>) src(%dma_wait3A_401 : memref<40xi32, #tpu.memory_space<hbm>>) dst(%dma_wait3A_399 : memref<40xi32, #tpu.memory_space<vmem>>)
          %dma_wait3A_402 = arith.constant 4 : i32
          %dma_wait3A_403 = arith.constant 0 : i32
          %dma_wait3A_404 = tpu.memref_slice %arg11[%dma_wait3A_402, %dma_wait3A_403] : memref<6x40xi32, #tpu.memory_space<vmem>> -> memref<1x40xi32, #tpu.memory_space<vmem>>
          %dma_wait3A_405 = tpu.memref_squeeze %dma_wait3A_404 : memref<1x40xi32, #tpu.memory_space<vmem>> -> memref<40xi32, #tpu.memory_space<vmem>>
          %dma_wait3A_406 = arith.constant 0 : i32
          %dma_wait3A_407 = tpu.memref_slice %arg4[%dma_wait3A_406] : memref<320000xi32, #tpu.memory_space<hbm>> -> memref<40xi32, #tpu.memory_space<hbm>>
          %dma_wait3A_408 = arith.constant 0 : i32
          %dma_wait3A_409 = tpu.memref_slice %arg11[%dma_wait3A_402, %dma_wait3A_408] : memref<6x40xi32, #tpu.memory_space<vmem>> -> memref<1x40xi32, #tpu.memory_space<vmem>>
          %dma_wait3A_410 = tpu.memref_squeeze %dma_wait3A_409 : memref<1x40xi32, #tpu.memory_space<vmem>> -> memref<40xi32, #tpu.memory_space<vmem>>
          %dma_wait3A_411 = arith.constant 0 : i32
          %dma_wait3A_412 = tpu.memref_slice %arg4[%dma_wait3A_411] : memref<320000xi32, #tpu.memory_space<hbm>> -> memref<40xi32, #tpu.memory_space<hbm>>
          tpu.wait_dma2 semaphore(%arg22 : memref<!tpu.dma_semaphore, #tpu.memory_space<semaphore_mem>>) src(%dma_wait3A_412 : memref<40xi32, #tpu.memory_space<hbm>>) dst(%dma_wait3A_410 : memref<40xi32, #tpu.memory_space<vmem>>)
          %add3A_413 = arith.constant 3 : i32
          %add3A_414 = arith.addi %add3A_286, %add3A_413 : i32
          %dma_start3A_415 = arith.constant 4 : i32
          %dma_start3A_416 = arith.constant 1 : i32
          %dma_start3A_417 = arith.constant 0 : i32
          %dma_start3A_418 = arith.constant 0 : i32
          %dma_start3A_419 = tpu.memref_slice %arg8[%dma_start3A_416, %dma_start3A_417, %dma_start3A_418] : memref<3x40x128xf32, #tpu.memory_space<vmem>> -> memref<1x40x128xf32, #tpu.memory_space<vmem>>
          %dma_start3A_420 = tpu.memref_squeeze %dma_start3A_419 : memref<1x40x128xf32, #tpu.memory_space<vmem>> -> memref<40x128xf32, #tpu.memory_space<vmem>>
          %dma_start3A_421 = arith.constant 0 : i32
          %dma_start3A_422 = tpu.memref_slice %arg10[%dma_start3A_415, %dma_start3A_421] : memref<6x40xi32, #tpu.memory_space<vmem>> -> memref<1x40xi32, #tpu.memory_space<vmem>>
          %dma_start3A_423 = tpu.memref_squeeze %dma_start3A_422 : memref<1x40xi32, #tpu.memory_space<vmem>> -> memref<40xi32, #tpu.memory_space<vmem>>
          %dma_start3A_424 = arith.constant 0 : i32
          %dma_start3A_425 = arith.constant 0 : i32
          %dma_start3A_426 = tpu.memref_slice %arg2[%dma_start3A_424, %dma_start3A_425] : memref<10000x128xf32, #tpu.memory_space<hbm>> -> memref<10000x128xf32, #tpu.memory_space<hbm>>
          tpu.enqueue_indirect_dma source(%dma_start3A_426 : memref<10000x128xf32, #tpu.memory_space<hbm>>) target(%dma_start3A_420 : memref<40x128xf32, #tpu.memory_space<vmem>>) offsets(%dma_start3A_423 : memref<40xi32, #tpu.memory_space<vmem>>) semaphore(%arg14 : memref<!tpu.dma_semaphore, #tpu.memory_space<semaphore_mem>>)
          %mul3A_427 = arith.constant 40 : i32
          %mul3A_428 = arith.muli %add3A_414, %mul3A_427 : i32
          %add3A_429 = arith.addi %mul3A_2, %mul3A_428 : i32
          %dma_start3A_430 = arith.constant 1 : i32
          %dma_start3A_431 = arith.constant 0 : i32
          %dma_start3A_432 = arith.constant 0 : i32
          %dma_start3A_433 = tpu.memref_slice %arg7[%dma_start3A_430, %dma_start3A_431, %dma_start3A_432] : memref<3x40x128xf32, #tpu.memory_space<vmem>> -> memref<1x40x128xf32, #tpu.memory_space<vmem>>
          %dma_start3A_434 = tpu.memref_squeeze %dma_start3A_433 : memref<1x40x128xf32, #tpu.memory_space<vmem>> -> memref<40x128xf32, #tpu.memory_space<vmem>>
          %dma_start3A_435 = arith.constant 0 : i32
          %dma_start3A_436 = tpu.memref_slice %arg5[%add3A_429, %dma_start3A_435] : memref<320000x128xf32, #tpu.memory_space<hbm>> -> memref<40x128xf32, #tpu.memory_space<hbm>>
          %dma_start3A_437 = arith.constant 0 : i32
          %dma_start3A_438 = arith.constant 0 : i32
          %dma_start3A_439 = tpu.memref_slice %arg7[%dma_start3A_430, %dma_start3A_437, %dma_start3A_438] : memref<3x40x128xf32, #tpu.memory_space<vmem>> -> memref<1x40x128xf32, #tpu.memory_space<vmem>>
          %dma_start3A_440 = tpu.memref_squeeze %dma_start3A_439 : memref<1x40x128xf32, #tpu.memory_space<vmem>> -> memref<40x128xf32, #tpu.memory_space<vmem>>
          %dma_start3A_441 = arith.constant 0 : i32
          %dma_start3A_442 = tpu.memref_slice %arg5[%add3A_429, %dma_start3A_441] : memref<320000x128xf32, #tpu.memory_space<hbm>> -> memref<40x128xf32, #tpu.memory_space<hbm>>
          tpu.enqueue_dma source(%dma_start3A_442 : memref<40x128xf32, #tpu.memory_space<hbm>>) target(%dma_start3A_440 : memref<40x128xf32, #tpu.memory_space<vmem>>) target_semaphore(%arg14 : memref<!tpu.dma_semaphore, #tpu.memory_space<semaphore_mem>>)
        } else {
        }
      } else {
      }
      %mul3A_292 = arith.constant 6 : i32
      %mul3A_293 = arith.muli %scan3A_273, %mul3A_292 : i32
      %add3A_294 = arith.constant 2 : i32
      %add3A_295 = arith.addi %mul3A_293, %add3A_294 : i32
      %lt3A_296 = arith.constant 250 : i32
      %lt3A_297 = arith.cmpi slt, %add3A_295, %lt3A_296 : i32
      %convert_element_type3A_298 = arith.extui %lt3A_297 : i1 to i32
      %cond3A_299 = arith.constant 0 : i32
      %cond3A_300 = arith.cmpi ne, %convert_element_type3A_298, %cond3A_299 : i32
      scf.if %cond3A_300 {
        %dma_wait3A_328 = arith.constant 2 : i32
        %dma_wait3A_329 = arith.constant 0 : i32
        %dma_wait3A_330 = arith.constant 0 : i32
        %dma_wait3A_331 = tpu.memref_slice %arg7[%dma_wait3A_328, %dma_wait3A_329, %dma_wait3A_330] : memref<3x40x128xf32, #tpu.memory_space<vmem>> -> memref<1x40x128xf32, #tpu.memory_space<vmem>>
        %dma_wait3A_332 = tpu.memref_squeeze %dma_wait3A_331 : memref<1x40x128xf32, #tpu.memory_space<vmem>> -> memref<40x128xf32, #tpu.memory_space<vmem>>
        %dma_wait3A_333 = arith.constant 0 : i32
        %dma_wait3A_334 = arith.constant 0 : i32
        %dma_wait3A_335 = tpu.memref_slice %arg5[%dma_wait3A_333, %dma_wait3A_334] : memref<320000x128xf32, #tpu.memory_space<hbm>> -> memref<40x128xf32, #tpu.memory_space<hbm>>
        %dma_wait3A_336 = arith.constant 0 : i32
        %dma_wait3A_337 = arith.constant 0 : i32
        %dma_wait3A_338 = tpu.memref_slice %arg7[%dma_wait3A_328, %dma_wait3A_336, %dma_wait3A_337] : memref<3x40x128xf32, #tpu.memory_space<vmem>> -> memref<1x40x128xf32, #tpu.memory_space<vmem>>
        %dma_wait3A_339 = tpu.memref_squeeze %dma_wait3A_338 : memref<1x40x128xf32, #tpu.memory_space<vmem>> -> memref<40x128xf32, #tpu.memory_space<vmem>>
        %dma_wait3A_340 = arith.constant 0 : i32
        %dma_wait3A_341 = arith.constant 0 : i32
        %dma_wait3A_342 = tpu.memref_slice %arg5[%dma_wait3A_340, %dma_wait3A_341] : memref<320000x128xf32, #tpu.memory_space<hbm>> -> memref<40x128xf32, #tpu.memory_space<hbm>>
        tpu.wait_dma2 semaphore(%arg15 : memref<!tpu.dma_semaphore, #tpu.memory_space<semaphore_mem>>) src(%dma_wait3A_342 : memref<40x128xf32, #tpu.memory_space<hbm>>) dst(%dma_wait3A_339 : memref<40x128xf32, #tpu.memory_space<vmem>>)
        %dma_wait3A_343 = arith.constant 0 : i32
        %dma_wait3A_344 = arith.constant 2 : i32
        %dma_wait3A_345 = arith.constant 0 : i32
        %dma_wait3A_346 = arith.constant 0 : i32
        %dma_wait3A_347 = tpu.memref_slice %arg8[%dma_wait3A_344, %dma_wait3A_345, %dma_wait3A_346] : memref<3x40x128xf32, #tpu.memory_space<vmem>> -> memref<1x40x128xf32, #tpu.memory_space<vmem>>
        %dma_wait3A_348 = tpu.memref_squeeze %dma_wait3A_347 : memref<1x40x128xf32, #tpu.memory_space<vmem>> -> memref<40x128xf32, #tpu.memory_space<vmem>>
        %dma_wait3A_349 = arith.constant 0 : i32
        %dma_wait3A_350 = tpu.memref_slice %arg10[%dma_wait3A_343, %dma_wait3A_349] : memref<6x40xi32, #tpu.memory_space<vmem>> -> memref<1x40xi32, #tpu.memory_space<vmem>>
        %dma_wait3A_351 = tpu.memref_squeeze %dma_wait3A_350 : memref<1x40xi32, #tpu.memory_space<vmem>> -> memref<40xi32, #tpu.memory_space<vmem>>
        %dma_wait3A_352 = arith.constant 0 : i32
        %dma_wait3A_353 = arith.constant 0 : i32
        %dma_wait3A_354 = tpu.memref_slice %arg2[%dma_wait3A_352, %dma_wait3A_353] : memref<10000x128xf32, #tpu.memory_space<hbm>> -> memref<10000x128xf32, #tpu.memory_space<hbm>>
        tpu.wait_indirect_dma semaphore(%arg15 : memref<!tpu.dma_semaphore, #tpu.memory_space<semaphore_mem>>) src(%dma_wait3A_354 : memref<10000x128xf32, #tpu.memory_space<hbm>>) dst(%dma_wait3A_348 : memref<40x128xf32, #tpu.memory_space<vmem>>)
        %ge3A = arith.constant 2 : i32
        %ge3A_355 = arith.cmpi sge, %add3A_295, %ge3A : i32
        %convert_element_type3A_356 = arith.extui %ge3A_355 : i1 to i32
        %cond3A_357 = arith.constant 0 : i32
        %cond3A_358 = arith.cmpi ne, %convert_element_type3A_356, %cond3A_357 : i32
        scf.if %cond3A_358 {
          %dma_wait3A_391 = arith.constant 0 : i32
          %dma_wait3A_392 = arith.constant 0 : i32
          %dma_wait3A_393 = arith.constant 0 : i32
          %dma_wait3A_394 = arith.constant 0 : i32
          %dma_wait3A_395 = tpu.memref_slice %arg9[%dma_wait3A_391, %dma_wait3A_393, %dma_wait3A_394] : memref<2x40x128xf32, #tpu.memory_space<vmem>> -> memref<1x40x128xf32, #tpu.memory_space<vmem>>
          %dma_wait3A_396 = tpu.memref_squeeze %dma_wait3A_395 : memref<1x40x128xf32, #tpu.memory_space<vmem>> -> memref<40x128xf32, #tpu.memory_space<vmem>>
          %dma_wait3A_397 = arith.constant 0 : i32
          %dma_wait3A_398 = tpu.memref_slice %arg11[%dma_wait3A_392, %dma_wait3A_397] : memref<6x40xi32, #tpu.memory_space<vmem>> -> memref<1x40xi32, #tpu.memory_space<vmem>>
          %dma_wait3A_399 = tpu.memref_squeeze %dma_wait3A_398 : memref<1x40xi32, #tpu.memory_space<vmem>> -> memref<40xi32, #tpu.memory_space<vmem>>
          %dma_wait3A_400 = arith.constant 0 : i32
          %dma_wait3A_401 = arith.constant 0 : i32
          %dma_wait3A_402 = tpu.memref_slice %arg12[%dma_wait3A_400, %dma_wait3A_401] : memref<10000x128xf32, #tpu.memory_space<vmem_shared>> -> memref<10000x128xf32, #tpu.memory_space<vmem_shared>>
          tpu.wait_indirect_dma semaphore(%arg16 : memref<!tpu.dma_semaphore, #tpu.memory_space<semaphore_mem>>) src(%dma_wait3A_396 : memref<40x128xf32, #tpu.memory_space<vmem>>) dst(%dma_wait3A_402 : memref<10000x128xf32, #tpu.memory_space<vmem_shared>>)
        } else {
        }
        %add3A_359 = arith.constant 4 : i32
        %add3A_360 = arith.addi %add3A_295, %add3A_359 : i32
        %lt3A_361 = arith.constant 250 : i32
        %lt3A_362 = arith.cmpi slt, %add3A_360, %lt3A_361 : i32
        %convert_element_type3A_363 = arith.extui %lt3A_362 : i1 to i32
        %cond3A_364 = arith.constant 0 : i32
        %cond3A_365 = arith.cmpi ne, %convert_element_type3A_363, %cond3A_364 : i32
        scf.if %cond3A_365 {
          %add3A_391 = arith.constant 4 : i32
          %add3A_392 = arith.addi %add3A_295, %add3A_391 : i32
          %mul3A_393 = arith.constant 40 : i32
          %mul3A_394 = arith.muli %add3A_392, %mul3A_393 : i32
          %add3A_395 = arith.addi %mul3A_2, %mul3A_394 : i32
          %dma_start3A_396 = arith.constant 0 : i32
          %dma_start3A_397 = arith.constant 0 : i32
          %dma_start3A_398 = tpu.memref_slice %arg10[%dma_start3A_396, %dma_start3A_397] : memref<6x40xi32, #tpu.memory_space<vmem>> -> memref<1x40xi32, #tpu.memory_space<vmem>>
          %dma_start3A_399 = tpu.memref_squeeze %dma_start3A_398 : memref<1x40xi32, #tpu.memory_space<vmem>> -> memref<40xi32, #tpu.memory_space<vmem>>
          %dma_start3A_400 = tpu.memref_slice %arg3[%add3A_395] : memref<320000xi32, #tpu.memory_space<hbm>> -> memref<40xi32, #tpu.memory_space<hbm>>
          %dma_start3A_401 = arith.constant 0 : i32
          %dma_start3A_402 = tpu.memref_slice %arg10[%dma_start3A_396, %dma_start3A_401] : memref<6x40xi32, #tpu.memory_space<vmem>> -> memref<1x40xi32, #tpu.memory_space<vmem>>
          %dma_start3A_403 = tpu.memref_squeeze %dma_start3A_402 : memref<1x40xi32, #tpu.memory_space<vmem>> -> memref<40xi32, #tpu.memory_space<vmem>>
          %dma_start3A_404 = tpu.memref_slice %arg3[%add3A_395] : memref<320000xi32, #tpu.memory_space<hbm>> -> memref<40xi32, #tpu.memory_space<hbm>>
          tpu.enqueue_dma source(%dma_start3A_404 : memref<40xi32, #tpu.memory_space<hbm>>) target(%dma_start3A_403 : memref<40xi32, #tpu.memory_space<vmem>>) target_semaphore(%arg18 : memref<!tpu.dma_semaphore, #tpu.memory_space<semaphore_mem>>)
          %mul3A_405 = arith.constant 40 : i32
          %mul3A_406 = arith.muli %add3A_392, %mul3A_405 : i32
          %add3A_407 = arith.addi %mul3A_2, %mul3A_406 : i32
          %dma_start3A_408 = arith.constant 0 : i32
          %dma_start3A_409 = arith.constant 0 : i32
          %dma_start3A_410 = tpu.memref_slice %arg11[%dma_start3A_408, %dma_start3A_409] : memref<6x40xi32, #tpu.memory_space<vmem>> -> memref<1x40xi32, #tpu.memory_space<vmem>>
          %dma_start3A_411 = tpu.memref_squeeze %dma_start3A_410 : memref<1x40xi32, #tpu.memory_space<vmem>> -> memref<40xi32, #tpu.memory_space<vmem>>
          %dma_start3A_412 = tpu.memref_slice %arg4[%add3A_407] : memref<320000xi32, #tpu.memory_space<hbm>> -> memref<40xi32, #tpu.memory_space<hbm>>
          %dma_start3A_413 = arith.constant 0 : i32
          %dma_start3A_414 = tpu.memref_slice %arg11[%dma_start3A_408, %dma_start3A_413] : memref<6x40xi32, #tpu.memory_space<vmem>> -> memref<1x40xi32, #tpu.memory_space<vmem>>
          %dma_start3A_415 = tpu.memref_squeeze %dma_start3A_414 : memref<1x40xi32, #tpu.memory_space<vmem>> -> memref<40xi32, #tpu.memory_space<vmem>>
          %dma_start3A_416 = tpu.memref_slice %arg4[%add3A_407] : memref<320000xi32, #tpu.memory_space<hbm>> -> memref<40xi32, #tpu.memory_space<hbm>>
          tpu.enqueue_dma source(%dma_start3A_416 : memref<40xi32, #tpu.memory_space<hbm>>) target(%dma_start3A_415 : memref<40xi32, #tpu.memory_space<vmem>>) target_semaphore(%arg18 : memref<!tpu.dma_semaphore, #tpu.memory_space<semaphore_mem>>)
        } else {
        }
        %scan3A_366 = arith.constant 0 : i32
        %scan3A_367 = arith.constant 0 : i32
        %scan3A_368 = arith.constant 40 : i32
        %scan3A_369 = arith.addi %scan3A_367, %scan3A_368 : i32
        %scan3A_370 = arith.constant 1 : i32
        scf.for %scan3A_391 = %scan3A_367 to %scan3A_369 step %scan3A_370  : i32 {
          %get3A = arith.constant 2 : i32
          %get3A_392 = arith.index_cast %get3A : i32 to index
          %get3A_393 = arith.index_cast %scan3A_391 : i32 to index
          %get3A_394 = arith.constant 0 : index
          %get3A_395 = tpu.vector_load %arg7[%get3A_392, %get3A_393, %get3A_394] {strides = array<i32>} : memref<3x40x128xf32, #tpu.memory_space<vmem>>, vector<1x1x16xf32>,
          %get3A_396 = vector.shape_cast %get3A_395 : vector<1x1x16xf32> to vector<16xf32>
          %get3A_397 = arith.constant 2 : i32
          %get3A_398 = arith.index_cast %get3A_397 : i32 to index
          %get3A_399 = arith.index_cast %scan3A_391 : i32 to index
          %get3A_400 = arith.constant 0 : index
          %get3A_401 = tpu.vector_load %arg8[%get3A_398, %get3A_399, %get3A_400] {strides = array<i32>} : memref<3x40x128xf32, #tpu.memory_space<vmem>>, vector<1x1x16xf32>,
          %get3A_402 = vector.shape_cast %get3A_401 : vector<1x1x16xf32> to vector<16xf32>
          %add3A_403 = arith.addf %get3A_396, %get3A_402 : vector<16xf32>
          %max3A = arith.constant 0.000000e+00 : f32
          %max3A_404 = vector.broadcast %max3A : f32 to vector<16xf32>
          %max3A_405 = arith.maximumf %add3A_403, %max3A_404 : vector<16xf32>
          %swap3A = arith.constant 0 : i32
          %swap3A_406 = arith.index_cast %swap3A : i32 to index
          %swap3A_407 = arith.index_cast %scan3A_391 : i32 to index
          %swap3A_408 = arith.constant 0 : index
          %swap3A_409 = tpu.vector_load %arg9[%swap3A_406, %swap3A_407, %swap3A_408] {strides = array<i32>} : memref<2x40x128xf32, #tpu.memory_space<vmem>>, vector<1x1x16xf32>,
          %swap3A_410 = vector.shape_cast %swap3A_409 : vector<1x1x16xf32> to vector<16xf32>
          %swap3A_411 = vector.shape_cast %max3A_405 : vector<16xf32> to vector<1x1x16xf32>
          tpu.vector_store %arg9[%swap3A_406, %swap3A_407, %swap3A_408], %swap3A_411 {strides = array<i32>} : memref<2x40x128xf32, #tpu.memory_space<vmem>>, vector<1x1x16xf32>,
          %get3A_412 = arith.constant 2 : i32
          %get3A_413 = arith.index_cast %get3A_412 : i32 to index
          %get3A_414 = arith.index_cast %scan3A_391 : i32 to index
          %get3A_415 = arith.constant 16 : index
          %get3A_416 = tpu.vector_load %arg7[%get3A_413, %get3A_414, %get3A_415] {strides = array<i32>} : memref<3x40x128xf32, #tpu.memory_space<vmem>>, vector<1x1x16xf32>,
          %get3A_417 = vector.shape_cast %get3A_416 : vector<1x1x16xf32> to vector<16xf32>
          %get3A_418 = arith.constant 2 : i32
          %get3A_419 = arith.index_cast %get3A_418 : i32 to index
          %get3A_420 = arith.index_cast %scan3A_391 : i32 to index
          %get3A_421 = arith.constant 16 : index
          %get3A_422 = tpu.vector_load %arg8[%get3A_419, %get3A_420, %get3A_421] {strides = array<i32>} : memref<3x40x128xf32, #tpu.memory_space<vmem>>, vector<1x1x16xf32>,
          %get3A_423 = vector.shape_cast %get3A_422 : vector<1x1x16xf32> to vector<16xf32>
          %add3A_424 = arith.addf %get3A_417, %get3A_423 : vector<16xf32>
          %max3A_425 = arith.constant 0.000000e+00 : f32
          %max3A_426 = vector.broadcast %max3A_425 : f32 to vector<16xf32>
          %max3A_427 = arith.maximumf %add3A_424, %max3A_426 : vector<16xf32>
          %swap3A_428 = arith.constant 0 : i32
          %swap3A_429 = arith.index_cast %swap3A_428 : i32 to index
          %swap3A_430 = arith.index_cast %scan3A_391 : i32 to index
          %swap3A_431 = arith.constant 16 : index
          %swap3A_432 = tpu.vector_load %arg9[%swap3A_429, %swap3A_430, %swap3A_431] {strides = array<i32>} : memref<2x40x128xf32, #tpu.memory_space<vmem>>, vector<1x1x16xf32>,
          %swap3A_433 = vector.shape_cast %swap3A_432 : vector<1x1x16xf32> to vector<16xf32>
          %swap3A_434 = vector.shape_cast %max3A_427 : vector<16xf32> to vector<1x1x16xf32>
          tpu.vector_store %arg9[%swap3A_429, %swap3A_430, %swap3A_431], %swap3A_434 {strides = array<i32>} : memref<2x40x128xf32, #tpu.memory_space<vmem>>, vector<1x1x16xf32>,
          %get3A_435 = arith.constant 2 : i32
          %get3A_436 = arith.index_cast %get3A_435 : i32 to index
          %get3A_437 = arith.index_cast %scan3A_391 : i32 to index
          %get3A_438 = arith.constant 32 : index
          %get3A_439 = tpu.vector_load %arg7[%get3A_436, %get3A_437, %get3A_438] {strides = array<i32>} : memref<3x40x128xf32, #tpu.memory_space<vmem>>, vector<1x1x16xf32>,
          %get3A_440 = vector.shape_cast %get3A_439 : vector<1x1x16xf32> to vector<16xf32>
          %get3A_441 = arith.constant 2 : i32
          %get3A_442 = arith.index_cast %get3A_441 : i32 to index
          %get3A_443 = arith.index_cast %scan3A_391 : i32 to index
          %get3A_444 = arith.constant 32 : index
          %get3A_445 = tpu.vector_load %arg8[%get3A_442, %get3A_443, %get3A_444] {strides = array<i32>} : memref<3x40x128xf32, #tpu.memory_space<vmem>>, vector<1x1x16xf32>,
          %get3A_446 = vector.shape_cast %get3A_445 : vector<1x1x16xf32> to vector<16xf32>
          %add3A_447 = arith.addf %get3A_440, %get3A_446 : vector<16xf32>
          %max3A_448 = arith.constant 0.000000e+00 : f32
          %max3A_449 = vector.broadcast %max3A_448 : f32 to vector<16xf32>
          %max3A_450 = arith.maximumf %add3A_447, %max3A_449 : vector<16xf32>
          %swap3A_451 = arith.constant 0 : i32
          %swap3A_452 = arith.index_cast %swap3A_451 : i32 to index
          %swap3A_453 = arith.index_cast %scan3A_391 : i32 to index
          %swap3A_454 = arith.constant 32 : index
          %swap3A_455 = tpu.vector_load %arg9[%swap3A_452, %swap3A_453, %swap3A_454] {strides = array<i32>} : memref<2x40x128xf32, #tpu.memory_space<vmem>>, vector<1x1x16xf32>,
          %swap3A_456 = vector.shape_cast %swap3A_455 : vector<1x1x16xf32> to vector<16xf32>
          %swap3A_457 = vector.shape_cast %max3A_450 : vector<16xf32> to vector<1x1x16xf32>
          tpu.vector_store %arg9[%swap3A_452, %swap3A_453, %swap3A_454], %swap3A_457 {strides = array<i32>} : memref<2x40x128xf32, #tpu.memory_space<vmem>>, vector<1x1x16xf32>,
          %get3A_458 = arith.constant 2 : i32
          %get3A_459 = arith.index_cast %get3A_458 : i32 to index
          %get3A_460 = arith.index_cast %scan3A_391 : i32 to index
          %get3A_461 = arith.constant 48 : index
          %get3A_462 = tpu.vector_load %arg7[%get3A_459, %get3A_460, %get3A_461] {strides = array<i32>} : memref<3x40x128xf32, #tpu.memory_space<vmem>>, vector<1x1x16xf32>,
          %get3A_463 = vector.shape_cast %get3A_462 : vector<1x1x16xf32> to vector<16xf32>
          %get3A_464 = arith.constant 2 : i32
          %get3A_465 = arith.index_cast %get3A_464 : i32 to index
          %get3A_466 = arith.index_cast %scan3A_391 : i32 to index
          %get3A_467 = arith.constant 48 : index
          %get3A_468 = tpu.vector_load %arg8[%get3A_465, %get3A_466, %get3A_467] {strides = array<i32>} : memref<3x40x128xf32, #tpu.memory_space<vmem>>, vector<1x1x16xf32>,
          %get3A_469 = vector.shape_cast %get3A_468 : vector<1x1x16xf32> to vector<16xf32>
          %add3A_470 = arith.addf %get3A_463, %get3A_469 : vector<16xf32>
          %max3A_471 = arith.constant 0.000000e+00 : f32
          %max3A_472 = vector.broadcast %max3A_471 : f32 to vector<16xf32>
          %max3A_473 = arith.maximumf %add3A_470, %max3A_472 : vector<16xf32>
          %swap3A_474 = arith.constant 0 : i32
          %swap3A_475 = arith.index_cast %swap3A_474 : i32 to index
          %swap3A_476 = arith.index_cast %scan3A_391 : i32 to index
          %swap3A_477 = arith.constant 48 : index
          %swap3A_478 = tpu.vector_load %arg9[%swap3A_475, %swap3A_476, %swap3A_477] {strides = array<i32>} : memref<2x40x128xf32, #tpu.memory_space<vmem>>, vector<1x1x16xf32>,
          %swap3A_479 = vector.shape_cast %swap3A_478 : vector<1x1x16xf32> to vector<16xf32>
          %swap3A_480 = vector.shape_cast %max3A_473 : vector<16xf32> to vector<1x1x16xf32>
          tpu.vector_store %arg9[%swap3A_475, %swap3A_476, %swap3A_477], %swap3A_480 {strides = array<i32>} : memref<2x40x128xf32, #tpu.memory_space<vmem>>, vector<1x1x16xf32>,
          %get3A_481 = arith.constant 2 : i32
          %get3A_482 = arith.index_cast %get3A_481 : i32 to index
          %get3A_483 = arith.index_cast %scan3A_391 : i32 to index
          %get3A_484 = arith.constant 64 : index
          %get3A_485 = tpu.vector_load %arg7[%get3A_482, %get3A_483, %get3A_484] {strides = array<i32>} : memref<3x40x128xf32, #tpu.memory_space<vmem>>, vector<1x1x16xf32>,
          %get3A_486 = vector.shape_cast %get3A_485 : vector<1x1x16xf32> to vector<16xf32>
          %get3A_487 = arith.constant 2 : i32
          %get3A_488 = arith.index_cast %get3A_487 : i32 to index
          %get3A_489 = arith.index_cast %scan3A_391 : i32 to index
          %get3A_490 = arith.constant 64 : index
          %get3A_491 = tpu.vector_load %arg8[%get3A_488, %get3A_489, %get3A_490] {strides = array<i32>} : memref<3x40x128xf32, #tpu.memory_space<vmem>>, vector<1x1x16xf32>,
          %get3A_492 = vector.shape_cast %get3A_491 : vector<1x1x16xf32> to vector<16xf32>
          %add3A_493 = arith.addf %get3A_486, %get3A_492 : vector<16xf32>
          %max3A_494 = arith.constant 0.000000e+00 : f32
          %max3A_495 = vector.broadcast %max3A_494 : f32 to vector<16xf32>
          %max3A_496 = arith.maximumf %add3A_493, %max3A_495 : vector<16xf32>
          %swap3A_497 = arith.constant 0 : i32
          %swap3A_498 = arith.index_cast %swap3A_497 : i32 to index
          %swap3A_499 = arith.index_cast %scan3A_391 : i32 to index
          %swap3A_500 = arith.constant 64 : index
          %swap3A_501 = tpu.vector_load %arg9[%swap3A_498, %swap3A_499, %swap3A_500] {strides = array<i32>} : memref<2x40x128xf32, #tpu.memory_space<vmem>>, vector<1x1x16xf32>,
          %swap3A_502 = vector.shape_cast %swap3A_501 : vector<1x1x16xf32> to vector<16xf32>
          %swap3A_503 = vector.shape_cast %max3A_496 : vector<16xf32> to vector<1x1x16xf32>
          tpu.vector_store %arg9[%swap3A_498, %swap3A_499, %swap3A_500], %swap3A_503 {strides = array<i32>} : memref<2x40x128xf32, #tpu.memory_space<vmem>>, vector<1x1x16xf32>,
          %get3A_504 = arith.constant 2 : i32
          %get3A_505 = arith.index_cast %get3A_504 : i32 to index
          %get3A_506 = arith.index_cast %scan3A_391 : i32 to index
          %get3A_507 = arith.constant 80 : index
          %get3A_508 = tpu.vector_load %arg7[%get3A_505, %get3A_506, %get3A_507] {strides = array<i32>} : memref<3x40x128xf32, #tpu.memory_space<vmem>>, vector<1x1x16xf32>,
          %get3A_509 = vector.shape_cast %get3A_508 : vector<1x1x16xf32> to vector<16xf32>
          %get3A_510 = arith.constant 2 : i32
          %get3A_511 = arith.index_cast %get3A_510 : i32 to index
          %get3A_512 = arith.index_cast %scan3A_391 : i32 to index
          %get3A_513 = arith.constant 80 : index
          %get3A_514 = tpu.vector_load %arg8[%get3A_511, %get3A_512, %get3A_513] {strides = array<i32>} : memref<3x40x128xf32, #tpu.memory_space<vmem>>, vector<1x1x16xf32>,
          %get3A_515 = vector.shape_cast %get3A_514 : vector<1x1x16xf32> to vector<16xf32>
          %add3A_516 = arith.addf %get3A_509, %get3A_515 : vector<16xf32>
          %max3A_517 = arith.constant 0.000000e+00 : f32
          %max3A_518 = vector.broadcast %max3A_517 : f32 to vector<16xf32>
          %max3A_519 = arith.maximumf %add3A_516, %max3A_518 : vector<16xf32>
          %swap3A_520 = arith.constant 0 : i32
          %swap3A_521 = arith.index_cast %swap3A_520 : i32 to index
          %swap3A_522 = arith.index_cast %scan3A_391 : i32 to index
          %swap3A_523 = arith.constant 80 : index
          %swap3A_524 = tpu.vector_load %arg9[%swap3A_521, %swap3A_522, %swap3A_523] {strides = array<i32>} : memref<2x40x128xf32, #tpu.memory_space<vmem>>, vector<1x1x16xf32>,
          %swap3A_525 = vector.shape_cast %swap3A_524 : vector<1x1x16xf32> to vector<16xf32>
          %swap3A_526 = vector.shape_cast %max3A_519 : vector<16xf32> to vector<1x1x16xf32>
          tpu.vector_store %arg9[%swap3A_521, %swap3A_522, %swap3A_523], %swap3A_526 {strides = array<i32>} : memref<2x40x128xf32, #tpu.memory_space<vmem>>, vector<1x1x16xf32>,
          %get3A_527 = arith.constant 2 : i32
          %get3A_528 = arith.index_cast %get3A_527 : i32 to index
          %get3A_529 = arith.index_cast %scan3A_391 : i32 to index
          %get3A_530 = arith.constant 96 : index
          %get3A_531 = tpu.vector_load %arg7[%get3A_528, %get3A_529, %get3A_530] {strides = array<i32>} : memref<3x40x128xf32, #tpu.memory_space<vmem>>, vector<1x1x16xf32>,
          %get3A_532 = vector.shape_cast %get3A_531 : vector<1x1x16xf32> to vector<16xf32>
          %get3A_533 = arith.constant 2 : i32
          %get3A_534 = arith.index_cast %get3A_533 : i32 to index
          %get3A_535 = arith.index_cast %scan3A_391 : i32 to index
          %get3A_536 = arith.constant 96 : index
          %get3A_537 = tpu.vector_load %arg8[%get3A_534, %get3A_535, %get3A_536] {strides = array<i32>} : memref<3x40x128xf32, #tpu.memory_space<vmem>>, vector<1x1x16xf32>,
          %get3A_538 = vector.shape_cast %get3A_537 : vector<1x1x16xf32> to vector<16xf32>
          %add3A_539 = arith.addf %get3A_532, %get3A_538 : vector<16xf32>
          %max3A_540 = arith.constant 0.000000e+00 : f32
          %max3A_541 = vector.broadcast %max3A_540 : f32 to vector<16xf32>
          %max3A_542 = arith.maximumf %add3A_539, %max3A_541 : vector<16xf32>
          %swap3A_543 = arith.constant 0 : i32
          %swap3A_544 = arith.index_cast %swap3A_543 : i32 to index
          %swap3A_545 = arith.index_cast %scan3A_391 : i32 to index
          %swap3A_546 = arith.constant 96 : index
          %swap3A_547 = tpu.vector_load %arg9[%swap3A_544, %swap3A_545, %swap3A_546] {strides = array<i32>} : memref<2x40x128xf32, #tpu.memory_space<vmem>>, vector<1x1x16xf32>,
          %swap3A_548 = vector.shape_cast %swap3A_547 : vector<1x1x16xf32> to vector<16xf32>
          %swap3A_549 = vector.shape_cast %max3A_542 : vector<16xf32> to vector<1x1x16xf32>
          tpu.vector_store %arg9[%swap3A_544, %swap3A_545, %swap3A_546], %swap3A_549 {strides = array<i32>} : memref<2x40x128xf32, #tpu.memory_space<vmem>>, vector<1x1x16xf32>,
          %get3A_550 = arith.constant 2 : i32
          %get3A_551 = arith.index_cast %get3A_550 : i32 to index
          %get3A_552 = arith.index_cast %scan3A_391 : i32 to index
          %get3A_553 = arith.constant 112 : index
          %get3A_554 = tpu.vector_load %arg7[%get3A_551, %get3A_552, %get3A_553] {strides = array<i32>} : memref<3x40x128xf32, #tpu.memory_space<vmem>>, vector<1x1x16xf32>,
          %get3A_555 = vector.shape_cast %get3A_554 : vector<1x1x16xf32> to vector<16xf32>
          %get3A_556 = arith.constant 2 : i32
          %get3A_557 = arith.index_cast %get3A_556 : i32 to index
          %get3A_558 = arith.index_cast %scan3A_391 : i32 to index
          %get3A_559 = arith.constant 112 : index
          %get3A_560 = tpu.vector_load %arg8[%get3A_557, %get3A_558, %get3A_559] {strides = array<i32>} : memref<3x40x128xf32, #tpu.memory_space<vmem>>, vector<1x1x16xf32>,
          %get3A_561 = vector.shape_cast %get3A_560 : vector<1x1x16xf32> to vector<16xf32>
          %add3A_562 = arith.addf %get3A_555, %get3A_561 : vector<16xf32>
          %max3A_563 = arith.constant 0.000000e+00 : f32
          %max3A_564 = vector.broadcast %max3A_563 : f32 to vector<16xf32>
          %max3A_565 = arith.maximumf %add3A_562, %max3A_564 : vector<16xf32>
          %swap3A_566 = arith.constant 0 : i32
          %swap3A_567 = arith.index_cast %swap3A_566 : i32 to index
          %swap3A_568 = arith.index_cast %scan3A_391 : i32 to index
          %swap3A_569 = arith.constant 112 : index
          %swap3A_570 = tpu.vector_load %arg9[%swap3A_567, %swap3A_568, %swap3A_569] {strides = array<i32>} : memref<2x40x128xf32, #tpu.memory_space<vmem>>, vector<1x1x16xf32>,
          %swap3A_571 = vector.shape_cast %swap3A_570 : vector<1x1x16xf32> to vector<16xf32>
          %swap3A_572 = vector.shape_cast %max3A_565 : vector<16xf32> to vector<1x1x16xf32>
          tpu.vector_store %arg9[%swap3A_567, %swap3A_568, %swap3A_569], %swap3A_572 {strides = array<i32>} : memref<2x40x128xf32, #tpu.memory_space<vmem>>, vector<1x1x16xf32>,
        }
        %scan3A_371 = arith.constant 40 : i32
        %dma_start3A_372 = arith.constant 0 : i32
        %dma_start3A_373 = arith.constant 2 : i32
        %dma_start3A_374 = arith.constant 0 : i32
        %dma_start3A_375 = arith.constant 0 : i32
        %dma_start3A_376 = tpu.memref_slice %arg9[%dma_start3A_372, %dma_start3A_374, %dma_start3A_375] : memref<2x40x128xf32, #tpu.memory_space<vmem>> -> memref<1x40x128xf32, #tpu.memory_space<vmem>>
        %dma_start3A_377 = tpu.memref_squeeze %dma_start3A_376 : memref<1x40x128xf32, #tpu.memory_space<vmem>> -> memref<40x128xf32, #tpu.memory_space<vmem>>
        %dma_start3A_378 = arith.constant 0 : i32
        %dma_start3A_379 = tpu.memref_slice %arg11[%dma_start3A_373, %dma_start3A_378] : memref<6x40xi32, #tpu.memory_space<vmem>> -> memref<1x40xi32, #tpu.memory_space<vmem>>
        %dma_start3A_380 = tpu.memref_squeeze %dma_start3A_379 : memref<1x40xi32, #tpu.memory_space<vmem>> -> memref<40xi32, #tpu.memory_space<vmem>>
        %dma_start3A_381 = arith.constant 0 : i32
        %dma_start3A_382 = arith.constant 0 : i32
        %dma_start3A_383 = tpu.memref_slice %arg12[%dma_start3A_381, %dma_start3A_382] : memref<10000x128xf32, #tpu.memory_space<vmem_shared>> -> memref<10000x128xf32, #tpu.memory_space<vmem_shared>>
        tpu.enqueue_indirect_dma source(%dma_start3A_377 : memref<40x128xf32, #tpu.memory_space<vmem>>) target(%dma_start3A_383 : memref<10000x128xf32, #tpu.memory_space<vmem_shared>>) offsets(%dma_start3A_380 : memref<40xi32, #tpu.memory_space<vmem>>) semaphore(%arg16 : memref<!tpu.dma_semaphore, #tpu.memory_space<semaphore_mem>>) {add = true}
        %add3A_384 = arith.constant 3 : i32
        %add3A_385 = arith.addi %add3A_295, %add3A_384 : i32
        %lt3A_386 = arith.constant 250 : i32
        %lt3A_387 = arith.cmpi slt, %add3A_385, %lt3A_386 : i32
        %convert_element_type3A_388 = arith.extui %lt3A_387 : i1 to i32
        %cond3A_389 = arith.constant 0 : i32
        %cond3A_390 = arith.cmpi ne, %convert_element_type3A_388, %cond3A_389 : i32
        scf.if %cond3A_390 {
          %dma_wait3A_391 = arith.constant 5 : i32
          %dma_wait3A_392 = arith.constant 0 : i32
          %dma_wait3A_393 = tpu.memref_slice %arg10[%dma_wait3A_391, %dma_wait3A_392] : memref<6x40xi32, #tpu.memory_space<vmem>> -> memref<1x40xi32, #tpu.memory_space<vmem>>
          %dma_wait3A_394 = tpu.memref_squeeze %dma_wait3A_393 : memref<1x40xi32, #tpu.memory_space<vmem>> -> memref<40xi32, #tpu.memory_space<vmem>>
          %dma_wait3A_395 = arith.constant 0 : i32
          %dma_wait3A_396 = tpu.memref_slice %arg3[%dma_wait3A_395] : memref<320000xi32, #tpu.memory_space<hbm>> -> memref<40xi32, #tpu.memory_space<hbm>>
          %dma_wait3A_397 = arith.constant 0 : i32
          %dma_wait3A_398 = tpu.memref_slice %arg10[%dma_wait3A_391, %dma_wait3A_397] : memref<6x40xi32, #tpu.memory_space<vmem>> -> memref<1x40xi32, #tpu.memory_space<vmem>>
          %dma_wait3A_399 = tpu.memref_squeeze %dma_wait3A_398 : memref<1x40xi32, #tpu.memory_space<vmem>> -> memref<40xi32, #tpu.memory_space<vmem>>
          %dma_wait3A_400 = arith.constant 0 : i32
          %dma_wait3A_401 = tpu.memref_slice %arg3[%dma_wait3A_400] : memref<320000xi32, #tpu.memory_space<hbm>> -> memref<40xi32, #tpu.memory_space<hbm>>
          tpu.wait_dma2 semaphore(%arg23 : memref<!tpu.dma_semaphore, #tpu.memory_space<semaphore_mem>>) src(%dma_wait3A_401 : memref<40xi32, #tpu.memory_space<hbm>>) dst(%dma_wait3A_399 : memref<40xi32, #tpu.memory_space<vmem>>)
          %dma_wait3A_402 = arith.constant 5 : i32
          %dma_wait3A_403 = arith.constant 0 : i32
          %dma_wait3A_404 = tpu.memref_slice %arg11[%dma_wait3A_402, %dma_wait3A_403] : memref<6x40xi32, #tpu.memory_space<vmem>> -> memref<1x40xi32, #tpu.memory_space<vmem>>
          %dma_wait3A_405 = tpu.memref_squeeze %dma_wait3A_404 : memref<1x40xi32, #tpu.memory_space<vmem>> -> memref<40xi32, #tpu.memory_space<vmem>>
          %dma_wait3A_406 = arith.constant 0 : i32
          %dma_wait3A_407 = tpu.memref_slice %arg4[%dma_wait3A_406] : memref<320000xi32, #tpu.memory_space<hbm>> -> memref<40xi32, #tpu.memory_space<hbm>>
          %dma_wait3A_408 = arith.constant 0 : i32
          %dma_wait3A_409 = tpu.memref_slice %arg11[%dma_wait3A_402, %dma_wait3A_408] : memref<6x40xi32, #tpu.memory_space<vmem>> -> memref<1x40xi32, #tpu.memory_space<vmem>>
          %dma_wait3A_410 = tpu.memref_squeeze %dma_wait3A_409 : memref<1x40xi32, #tpu.memory_space<vmem>> -> memref<40xi32, #tpu.memory_space<vmem>>
          %dma_wait3A_411 = arith.constant 0 : i32
          %dma_wait3A_412 = tpu.memref_slice %arg4[%dma_wait3A_411] : memref<320000xi32, #tpu.memory_space<hbm>> -> memref<40xi32, #tpu.memory_space<hbm>>
          tpu.wait_dma2 semaphore(%arg23 : memref<!tpu.dma_semaphore, #tpu.memory_space<semaphore_mem>>) src(%dma_wait3A_412 : memref<40xi32, #tpu.memory_space<hbm>>) dst(%dma_wait3A_410 : memref<40xi32, #tpu.memory_space<vmem>>)
          %add3A_413 = arith.constant 3 : i32
          %add3A_414 = arith.addi %add3A_295, %add3A_413 : i32
          %dma_start3A_415 = arith.constant 5 : i32
          %dma_start3A_416 = arith.constant 2 : i32
          %dma_start3A_417 = arith.constant 0 : i32
          %dma_start3A_418 = arith.constant 0 : i32
          %dma_start3A_419 = tpu.memref_slice %arg8[%dma_start3A_416, %dma_start3A_417, %dma_start3A_418] : memref<3x40x128xf32, #tpu.memory_space<vmem>> -> memref<1x40x128xf32, #tpu.memory_space<vmem>>
          %dma_start3A_420 = tpu.memref_squeeze %dma_start3A_419 : memref<1x40x128xf32, #tpu.memory_space<vmem>> -> memref<40x128xf32, #tpu.memory_space<vmem>>
          %dma_start3A_421 = arith.constant 0 : i32
          %dma_start3A_422 = tpu.memref_slice %arg10[%dma_start3A_415, %dma_start3A_421] : memref<6x40xi32, #tpu.memory_space<vmem>> -> memref<1x40xi32, #tpu.memory_space<vmem>>
          %dma_start3A_423 = tpu.memref_squeeze %dma_start3A_422 : memref<1x40xi32, #tpu.memory_space<vmem>> -> memref<40xi32, #tpu.memory_space<vmem>>
          %dma_start3A_424 = arith.constant 0 : i32
          %dma_start3A_425 = arith.constant 0 : i32
          %dma_start3A_426 = tpu.memref_slice %arg2[%dma_start3A_424, %dma_start3A_425] : memref<10000x128xf32, #tpu.memory_space<hbm>> -> memref<10000x128xf32, #tpu.memory_space<hbm>>
          tpu.enqueue_indirect_dma source(%dma_start3A_426 : memref<10000x128xf32, #tpu.memory_space<hbm>>) target(%dma_start3A_420 : memref<40x128xf32, #tpu.memory_space<vmem>>) offsets(%dma_start3A_423 : memref<40xi32, #tpu.memory_space<vmem>>) semaphore(%arg15 : memref<!tpu.dma_semaphore, #tpu.memory_space<semaphore_mem>>)
          %mul3A_427 = arith.constant 40 : i32
          %mul3A_428 = arith.muli %add3A_414, %mul3A_427 : i32
          %add3A_429 = arith.addi %mul3A_2, %mul3A_428 : i32
          %dma_start3A_430 = arith.constant 2 : i32
          %dma_start3A_431 = arith.constant 0 : i32
          %dma_start3A_432 = arith.constant 0 : i32
          %dma_start3A_433 = tpu.memref_slice %arg7[%dma_start3A_430, %dma_start3A_431, %dma_start3A_432] : memref<3x40x128xf32, #tpu.memory_space<vmem>> -> memref<1x40x128xf32, #tpu.memory_space<vmem>>
          %dma_start3A_434 = tpu.memref_squeeze %dma_start3A_433 : memref<1x40x128xf32, #tpu.memory_space<vmem>> -> memref<40x128xf32, #tpu.memory_space<vmem>>
          %dma_start3A_435 = arith.constant 0 : i32
          %dma_start3A_436 = tpu.memref_slice %arg5[%add3A_429, %dma_start3A_435] : memref<320000x128xf32, #tpu.memory_space<hbm>> -> memref<40x128xf32, #tpu.memory_space<hbm>>
          %dma_start3A_437 = arith.constant 0 : i32
          %dma_start3A_438 = arith.constant 0 : i32
          %dma_start3A_439 = tpu.memref_slice %arg7[%dma_start3A_430, %dma_start3A_437, %dma_start3A_438] : memref<3x40x128xf32, #tpu.memory_space<vmem>> -> memref<1x40x128xf32, #tpu.memory_space<vmem>>
          %dma_start3A_440 = tpu.memref_squeeze %dma_start3A_439 : memref<1x40x128xf32, #tpu.memory_space<vmem>> -> memref<40x128xf32, #tpu.memory_space<vmem>>
          %dma_start3A_441 = arith.constant 0 : i32
          %dma_start3A_442 = tpu.memref_slice %arg5[%add3A_429, %dma_start3A_441] : memref<320000x128xf32, #tpu.memory_space<hbm>> -> memref<40x128xf32, #tpu.memory_space<hbm>>
          tpu.enqueue_dma source(%dma_start3A_442 : memref<40x128xf32, #tpu.memory_space<hbm>>) target(%dma_start3A_440 : memref<40x128xf32, #tpu.memory_space<vmem>>) target_semaphore(%arg15 : memref<!tpu.dma_semaphore, #tpu.memory_space<semaphore_mem>>)
        } else {
        }
      } else {
      }
      %mul3A_301 = arith.constant 6 : i32
      %mul3A_302 = arith.muli %scan3A_273, %mul3A_301 : i32
      %add3A_303 = arith.constant 3 : i32
      %add3A_304 = arith.addi %mul3A_302, %add3A_303 : i32
      %lt3A_305 = arith.constant 250 : i32
      %lt3A_306 = arith.cmpi slt, %add3A_304, %lt3A_305 : i32
      %convert_element_type3A_307 = arith.extui %lt3A_306 : i1 to i32
      %cond3A_308 = arith.constant 0 : i32
      %cond3A_309 = arith.cmpi ne, %convert_element_type3A_307, %cond3A_308 : i32
      scf.if %cond3A_309 {
        %dma_wait3A_328 = arith.constant 0 : i32
        %dma_wait3A_329 = arith.constant 0 : i32
        %dma_wait3A_330 = arith.constant 0 : i32
        %dma_wait3A_331 = tpu.memref_slice %arg7[%dma_wait3A_328, %dma_wait3A_329, %dma_wait3A_330] : memref<3x40x128xf32, #tpu.memory_space<vmem>> -> memref<1x40x128xf32, #tpu.memory_space<vmem>>
        %dma_wait3A_332 = tpu.memref_squeeze %dma_wait3A_331 : memref<1x40x128xf32, #tpu.memory_space<vmem>> -> memref<40x128xf32, #tpu.memory_space<vmem>>
        %dma_wait3A_333 = arith.constant 0 : i32
        %dma_wait3A_334 = arith.constant 0 : i32
        %dma_wait3A_335 = tpu.memref_slice %arg5[%dma_wait3A_333, %dma_wait3A_334] : memref<320000x128xf32, #tpu.memory_space<hbm>> -> memref<40x128xf32, #tpu.memory_space<hbm>>
        %dma_wait3A_336 = arith.constant 0 : i32
        %dma_wait3A_337 = arith.constant 0 : i32
        %dma_wait3A_338 = tpu.memref_slice %arg7[%dma_wait3A_328, %dma_wait3A_336, %dma_wait3A_337] : memref<3x40x128xf32, #tpu.memory_space<vmem>> -> memref<1x40x128xf32, #tpu.memory_space<vmem>>
        %dma_wait3A_339 = tpu.memref_squeeze %dma_wait3A_338 : memref<1x40x128xf32, #tpu.memory_space<vmem>> -> memref<40x128xf32, #tpu.memory_space<vmem>>
        %dma_wait3A_340 = arith.constant 0 : i32
        %dma_wait3A_341 = arith.constant 0 : i32
        %dma_wait3A_342 = tpu.memref_slice %arg5[%dma_wait3A_340, %dma_wait3A_341] : memref<320000x128xf32, #tpu.memory_space<hbm>> -> memref<40x128xf32, #tpu.memory_space<hbm>>
        tpu.wait_dma2 semaphore(%arg13 : memref<!tpu.dma_semaphore, #tpu.memory_space<semaphore_mem>>) src(%dma_wait3A_342 : memref<40x128xf32, #tpu.memory_space<hbm>>) dst(%dma_wait3A_339 : memref<40x128xf32, #tpu.memory_space<vmem>>)
        %dma_wait3A_343 = arith.constant 0 : i32
        %dma_wait3A_344 = arith.constant 0 : i32
        %dma_wait3A_345 = arith.constant 0 : i32
        %dma_wait3A_346 = arith.constant 0 : i32
        %dma_wait3A_347 = tpu.memref_slice %arg8[%dma_wait3A_344, %dma_wait3A_345, %dma_wait3A_346] : memref<3x40x128xf32, #tpu.memory_space<vmem>> -> memref<1x40x128xf32, #tpu.memory_space<vmem>>
        %dma_wait3A_348 = tpu.memref_squeeze %dma_wait3A_347 : memref<1x40x128xf32, #tpu.memory_space<vmem>> -> memref<40x128xf32, #tpu.memory_space<vmem>>
        %dma_wait3A_349 = arith.constant 0 : i32
        %dma_wait3A_350 = tpu.memref_slice %arg10[%dma_wait3A_343, %dma_wait3A_349] : memref<6x40xi32, #tpu.memory_space<vmem>> -> memref<1x40xi32, #tpu.memory_space<vmem>>
        %dma_wait3A_351 = tpu.memref_squeeze %dma_wait3A_350 : memref<1x40xi32, #tpu.memory_space<vmem>> -> memref<40xi32, #tpu.memory_space<vmem>>
        %dma_wait3A_352 = arith.constant 0 : i32
        %dma_wait3A_353 = arith.constant 0 : i32
        %dma_wait3A_354 = tpu.memref_slice %arg2[%dma_wait3A_352, %dma_wait3A_353] : memref<10000x128xf32, #tpu.memory_space<hbm>> -> memref<10000x128xf32, #tpu.memory_space<hbm>>
        tpu.wait_indirect_dma semaphore(%arg13 : memref<!tpu.dma_semaphore, #tpu.memory_space<semaphore_mem>>) src(%dma_wait3A_354 : memref<10000x128xf32, #tpu.memory_space<hbm>>) dst(%dma_wait3A_348 : memref<40x128xf32, #tpu.memory_space<vmem>>)
        %ge3A = arith.constant 2 : i32
        %ge3A_355 = arith.cmpi sge, %add3A_304, %ge3A : i32
        %convert_element_type3A_356 = arith.extui %ge3A_355 : i1 to i32
        %cond3A_357 = arith.constant 0 : i32
        %cond3A_358 = arith.cmpi ne, %convert_element_type3A_356, %cond3A_357 : i32
        scf.if %cond3A_358 {
          %dma_wait3A_391 = arith.constant 1 : i32
          %dma_wait3A_392 = arith.constant 0 : i32
          %dma_wait3A_393 = arith.constant 0 : i32
          %dma_wait3A_394 = arith.constant 0 : i32
          %dma_wait3A_395 = tpu.memref_slice %arg9[%dma_wait3A_391, %dma_wait3A_393, %dma_wait3A_394] : memref<2x40x128xf32, #tpu.memory_space<vmem>> -> memref<1x40x128xf32, #tpu.memory_space<vmem>>
          %dma_wait3A_396 = tpu.memref_squeeze %dma_wait3A_395 : memref<1x40x128xf32, #tpu.memory_space<vmem>> -> memref<40x128xf32, #tpu.memory_space<vmem>>
          %dma_wait3A_397 = arith.constant 0 : i32
          %dma_wait3A_398 = tpu.memref_slice %arg11[%dma_wait3A_392, %dma_wait3A_397] : memref<6x40xi32, #tpu.memory_space<vmem>> -> memref<1x40xi32, #tpu.memory_space<vmem>>
          %dma_wait3A_399 = tpu.memref_squeeze %dma_wait3A_398 : memref<1x40xi32, #tpu.memory_space<vmem>> -> memref<40xi32, #tpu.memory_space<vmem>>
          %dma_wait3A_400 = arith.constant 0 : i32
          %dma_wait3A_401 = arith.constant 0 : i32
          %dma_wait3A_402 = tpu.memref_slice %arg12[%dma_wait3A_400, %dma_wait3A_401] : memref<10000x128xf32, #tpu.memory_space<vmem_shared>> -> memref<10000x128xf32, #tpu.memory_space<vmem_shared>>
          tpu.wait_indirect_dma semaphore(%arg17 : memref<!tpu.dma_semaphore, #tpu.memory_space<semaphore_mem>>) src(%dma_wait3A_396 : memref<40x128xf32, #tpu.memory_space<vmem>>) dst(%dma_wait3A_402 : memref<10000x128xf32, #tpu.memory_space<vmem_shared>>)
        } else {
        }
        %add3A_359 = arith.constant 4 : i32
        %add3A_360 = arith.addi %add3A_304, %add3A_359 : i32
        %lt3A_361 = arith.constant 250 : i32
        %lt3A_362 = arith.cmpi slt, %add3A_360, %lt3A_361 : i32
        %convert_element_type3A_363 = arith.extui %lt3A_362 : i1 to i32
        %cond3A_364 = arith.constant 0 : i32
        %cond3A_365 = arith.cmpi ne, %convert_element_type3A_363, %cond3A_364 : i32
        scf.if %cond3A_365 {
          %add3A_391 = arith.constant 4 : i32
          %add3A_392 = arith.addi %add3A_304, %add3A_391 : i32
          %mul3A_393 = arith.constant 40 : i32
          %mul3A_394 = arith.muli %add3A_392, %mul3A_393 : i32
          %add3A_395 = arith.addi %mul3A_2, %mul3A_394 : i32
          %dma_start3A_396 = arith.constant 1 : i32
          %dma_start3A_397 = arith.constant 0 : i32
          %dma_start3A_398 = tpu.memref_slice %arg10[%dma_start3A_396, %dma_start3A_397] : memref<6x40xi32, #tpu.memory_space<vmem>> -> memref<1x40xi32, #tpu.memory_space<vmem>>
          %dma_start3A_399 = tpu.memref_squeeze %dma_start3A_398 : memref<1x40xi32, #tpu.memory_space<vmem>> -> memref<40xi32, #tpu.memory_space<vmem>>
          %dma_start3A_400 = tpu.memref_slice %arg3[%add3A_395] : memref<320000xi32, #tpu.memory_space<hbm>> -> memref<40xi32, #tpu.memory_space<hbm>>
          %dma_start3A_401 = arith.constant 0 : i32
          %dma_start3A_402 = tpu.memref_slice %arg10[%dma_start3A_396, %dma_start3A_401] : memref<6x40xi32, #tpu.memory_space<vmem>> -> memref<1x40xi32, #tpu.memory_space<vmem>>
          %dma_start3A_403 = tpu.memref_squeeze %dma_start3A_402 : memref<1x40xi32, #tpu.memory_space<vmem>> -> memref<40xi32, #tpu.memory_space<vmem>>
          %dma_start3A_404 = tpu.memref_slice %arg3[%add3A_395] : memref<320000xi32, #tpu.memory_space<hbm>> -> memref<40xi32, #tpu.memory_space<hbm>>
          tpu.enqueue_dma source(%dma_start3A_404 : memref<40xi32, #tpu.memory_space<hbm>>) target(%dma_start3A_403 : memref<40xi32, #tpu.memory_space<vmem>>) target_semaphore(%arg19 : memref<!tpu.dma_semaphore, #tpu.memory_space<semaphore_mem>>)
          %mul3A_405 = arith.constant 40 : i32
          %mul3A_406 = arith.muli %add3A_392, %mul3A_405 : i32
          %add3A_407 = arith.addi %mul3A_2, %mul3A_406 : i32
          %dma_start3A_408 = arith.constant 1 : i32
          %dma_start3A_409 = arith.constant 0 : i32
          %dma_start3A_410 = tpu.memref_slice %arg11[%dma_start3A_408, %dma_start3A_409] : memref<6x40xi32, #tpu.memory_space<vmem>> -> memref<1x40xi32, #tpu.memory_space<vmem>>
          %dma_start3A_411 = tpu.memref_squeeze %dma_start3A_410 : memref<1x40xi32, #tpu.memory_space<vmem>> -> memref<40xi32, #tpu.memory_space<vmem>>
          %dma_start3A_412 = tpu.memref_slice %arg4[%add3A_407] : memref<320000xi32, #tpu.memory_space<hbm>> -> memref<40xi32, #tpu.memory_space<hbm>>
          %dma_start3A_413 = arith.constant 0 : i32
          %dma_start3A_414 = tpu.memref_slice %arg11[%dma_start3A_408, %dma_start3A_413] : memref<6x40xi32, #tpu.memory_space<vmem>> -> memref<1x40xi32, #tpu.memory_space<vmem>>
          %dma_start3A_415 = tpu.memref_squeeze %dma_start3A_414 : memref<1x40xi32, #tpu.memory_space<vmem>> -> memref<40xi32, #tpu.memory_space<vmem>>
          %dma_start3A_416 = tpu.memref_slice %arg4[%add3A_407] : memref<320000xi32, #tpu.memory_space<hbm>> -> memref<40xi32, #tpu.memory_space<hbm>>
          tpu.enqueue_dma source(%dma_start3A_416 : memref<40xi32, #tpu.memory_space<hbm>>) target(%dma_start3A_415 : memref<40xi32, #tpu.memory_space<vmem>>) target_semaphore(%arg19 : memref<!tpu.dma_semaphore, #tpu.memory_space<semaphore_mem>>)
        } else {
        }
        %scan3A_366 = arith.constant 0 : i32
        %scan3A_367 = arith.constant 0 : i32
        %scan3A_368 = arith.constant 40 : i32
        %scan3A_369 = arith.addi %scan3A_367, %scan3A_368 : i32
        %scan3A_370 = arith.constant 1 : i32
        scf.for %scan3A_391 = %scan3A_367 to %scan3A_369 step %scan3A_370  : i32 {
          %get3A = arith.constant 0 : i32
          %get3A_392 = arith.index_cast %get3A : i32 to index
          %get3A_393 = arith.index_cast %scan3A_391 : i32 to index
          %get3A_394 = arith.constant 0 : index
          %get3A_395 = tpu.vector_load %arg7[%get3A_392, %get3A_393, %get3A_394] {strides = array<i32>} : memref<3x40x128xf32, #tpu.memory_space<vmem>>, vector<1x1x16xf32>,
          %get3A_396 = vector.shape_cast %get3A_395 : vector<1x1x16xf32> to vector<16xf32>
          %get3A_397 = arith.constant 0 : i32
          %get3A_398 = arith.index_cast %get3A_397 : i32 to index
          %get3A_399 = arith.index_cast %scan3A_391 : i32 to index
          %get3A_400 = arith.constant 0 : index
          %get3A_401 = tpu.vector_load %arg8[%get3A_398, %get3A_399, %get3A_400] {strides = array<i32>} : memref<3x40x128xf32, #tpu.memory_space<vmem>>, vector<1x1x16xf32>,
          %get3A_402 = vector.shape_cast %get3A_401 : vector<1x1x16xf32> to vector<16xf32>
          %add3A_403 = arith.addf %get3A_396, %get3A_402 : vector<16xf32>
          %max3A = arith.constant 0.000000e+00 : f32
          %max3A_404 = vector.broadcast %max3A : f32 to vector<16xf32>
          %max3A_405 = arith.maximumf %add3A_403, %max3A_404 : vector<16xf32>
          %swap3A = arith.constant 1 : i32
          %swap3A_406 = arith.index_cast %swap3A : i32 to index
          %swap3A_407 = arith.index_cast %scan3A_391 : i32 to index
          %swap3A_408 = arith.constant 0 : index
          %swap3A_409 = tpu.vector_load %arg9[%swap3A_406, %swap3A_407, %swap3A_408] {strides = array<i32>} : memref<2x40x128xf32, #tpu.memory_space<vmem>>, vector<1x1x16xf32>,
          %swap3A_410 = vector.shape_cast %swap3A_409 : vector<1x1x16xf32> to vector<16xf32>
          %swap3A_411 = vector.shape_cast %max3A_405 : vector<16xf32> to vector<1x1x16xf32>
          tpu.vector_store %arg9[%swap3A_406, %swap3A_407, %swap3A_408], %swap3A_411 {strides = array<i32>} : memref<2x40x128xf32, #tpu.memory_space<vmem>>, vector<1x1x16xf32>,
          %get3A_412 = arith.constant 0 : i32
          %get3A_413 = arith.index_cast %get3A_412 : i32 to index
          %get3A_414 = arith.index_cast %scan3A_391 : i32 to index
          %get3A_415 = arith.constant 16 : index
          %get3A_416 = tpu.vector_load %arg7[%get3A_413, %get3A_414, %get3A_415] {strides = array<i32>} : memref<3x40x128xf32, #tpu.memory_space<vmem>>, vector<1x1x16xf32>,
          %get3A_417 = vector.shape_cast %get3A_416 : vector<1x1x16xf32> to vector<16xf32>
          %get3A_418 = arith.constant 0 : i32
          %get3A_419 = arith.index_cast %get3A_418 : i32 to index
          %get3A_420 = arith.index_cast %scan3A_391 : i32 to index
          %get3A_421 = arith.constant 16 : index
          %get3A_422 = tpu.vector_load %arg8[%get3A_419, %get3A_420, %get3A_421] {strides = array<i32>} : memref<3x40x128xf32, #tpu.memory_space<vmem>>, vector<1x1x16xf32>,
          %get3A_423 = vector.shape_cast %get3A_422 : vector<1x1x16xf32> to vector<16xf32>
          %add3A_424 = arith.addf %get3A_417, %get3A_423 : vector<16xf32>
          %max3A_425 = arith.constant 0.000000e+00 : f32
          %max3A_426 = vector.broadcast %max3A_425 : f32 to vector<16xf32>
          %max3A_427 = arith.maximumf %add3A_424, %max3A_426 : vector<16xf32>
          %swap3A_428 = arith.constant 1 : i32
          %swap3A_429 = arith.index_cast %swap3A_428 : i32 to index
          %swap3A_430 = arith.index_cast %scan3A_391 : i32 to index
          %swap3A_431 = arith.constant 16 : index
          %swap3A_432 = tpu.vector_load %arg9[%swap3A_429, %swap3A_430, %swap3A_431] {strides = array<i32>} : memref<2x40x128xf32, #tpu.memory_space<vmem>>, vector<1x1x16xf32>,
          %swap3A_433 = vector.shape_cast %swap3A_432 : vector<1x1x16xf32> to vector<16xf32>
          %swap3A_434 = vector.shape_cast %max3A_427 : vector<16xf32> to vector<1x1x16xf32>
          tpu.vector_store %arg9[%swap3A_429, %swap3A_430, %swap3A_431], %swap3A_434 {strides = array<i32>} : memref<2x40x128xf32, #tpu.memory_space<vmem>>, vector<1x1x16xf32>,
          %get3A_435 = arith.constant 0 : i32
          %get3A_436 = arith.index_cast %get3A_435 : i32 to index
          %get3A_437 = arith.index_cast %scan3A_391 : i32 to index
          %get3A_438 = arith.constant 32 : index
          %get3A_439 = tpu.vector_load %arg7[%get3A_436, %get3A_437, %get3A_438] {strides = array<i32>} : memref<3x40x128xf32, #tpu.memory_space<vmem>>, vector<1x1x16xf32>,
          %get3A_440 = vector.shape_cast %get3A_439 : vector<1x1x16xf32> to vector<16xf32>
          %get3A_441 = arith.constant 0 : i32
          %get3A_442 = arith.index_cast %get3A_441 : i32 to index
          %get3A_443 = arith.index_cast %scan3A_391 : i32 to index
          %get3A_444 = arith.constant 32 : index
          %get3A_445 = tpu.vector_load %arg8[%get3A_442, %get3A_443, %get3A_444] {strides = array<i32>} : memref<3x40x128xf32, #tpu.memory_space<vmem>>, vector<1x1x16xf32>,
          %get3A_446 = vector.shape_cast %get3A_445 : vector<1x1x16xf32> to vector<16xf32>
          %add3A_447 = arith.addf %get3A_440, %get3A_446 : vector<16xf32>
          %max3A_448 = arith.constant 0.000000e+00 : f32
          %max3A_449 = vector.broadcast %max3A_448 : f32 to vector<16xf32>
          %max3A_450 = arith.maximumf %add3A_447, %max3A_449 : vector<16xf32>
          %swap3A_451 = arith.constant 1 : i32
          %swap3A_452 = arith.index_cast %swap3A_451 : i32 to index
          %swap3A_453 = arith.index_cast %scan3A_391 : i32 to index
          %swap3A_454 = arith.constant 32 : index
          %swap3A_455 = tpu.vector_load %arg9[%swap3A_452, %swap3A_453, %swap3A_454] {strides = array<i32>} : memref<2x40x128xf32, #tpu.memory_space<vmem>>, vector<1x1x16xf32>,
          %swap3A_456 = vector.shape_cast %swap3A_455 : vector<1x1x16xf32> to vector<16xf32>
          %swap3A_457 = vector.shape_cast %max3A_450 : vector<16xf32> to vector<1x1x16xf32>
          tpu.vector_store %arg9[%swap3A_452, %swap3A_453, %swap3A_454], %swap3A_457 {strides = array<i32>} : memref<2x40x128xf32, #tpu.memory_space<vmem>>, vector<1x1x16xf32>,
          %get3A_458 = arith.constant 0 : i32
          %get3A_459 = arith.index_cast %get3A_458 : i32 to index
          %get3A_460 = arith.index_cast %scan3A_391 : i32 to index
          %get3A_461 = arith.constant 48 : index
          %get3A_462 = tpu.vector_load %arg7[%get3A_459, %get3A_460, %get3A_461] {strides = array<i32>} : memref<3x40x128xf32, #tpu.memory_space<vmem>>, vector<1x1x16xf32>,
          %get3A_463 = vector.shape_cast %get3A_462 : vector<1x1x16xf32> to vector<16xf32>
          %get3A_464 = arith.constant 0 : i32
          %get3A_465 = arith.index_cast %get3A_464 : i32 to index
          %get3A_466 = arith.index_cast %scan3A_391 : i32 to index
          %get3A_467 = arith.constant 48 : index
          %get3A_468 = tpu.vector_load %arg8[%get3A_465, %get3A_466, %get3A_467] {strides = array<i32>} : memref<3x40x128xf32, #tpu.memory_space<vmem>>, vector<1x1x16xf32>,
          %get3A_469 = vector.shape_cast %get3A_468 : vector<1x1x16xf32> to vector<16xf32>
          %add3A_470 = arith.addf %get3A_463, %get3A_469 : vector<16xf32>
          %max3A_471 = arith.constant 0.000000e+00 : f32
          %max3A_472 = vector.broadcast %max3A_471 : f32 to vector<16xf32>
          %max3A_473 = arith.maximumf %add3A_470, %max3A_472 : vector<16xf32>
          %swap3A_474 = arith.constant 1 : i32
          %swap3A_475 = arith.index_cast %swap3A_474 : i32 to index
          %swap3A_476 = arith.index_cast %scan3A_391 : i32 to index
          %swap3A_477 = arith.constant 48 : index
          %swap3A_478 = tpu.vector_load %arg9[%swap3A_475, %swap3A_476, %swap3A_477] {strides = array<i32>} : memref<2x40x128xf32, #tpu.memory_space<vmem>>, vector<1x1x16xf32>,
          %swap3A_479 = vector.shape_cast %swap3A_478 : vector<1x1x16xf32> to vector<16xf32>
          %swap3A_480 = vector.shape_cast %max3A_473 : vector<16xf32> to vector<1x1x16xf32>
          tpu.vector_store %arg9[%swap3A_475, %swap3A_476, %swap3A_477], %swap3A_480 {strides = array<i32>} : memref<2x40x128xf32, #tpu.memory_space<vmem>>, vector<1x1x16xf32>,
          %get3A_481 = arith.constant 0 : i32
          %get3A_482 = arith.index_cast %get3A_481 : i32 to index
          %get3A_483 = arith.index_cast %scan3A_391 : i32 to index
          %get3A_484 = arith.constant 64 : index
          %get3A_485 = tpu.vector_load %arg7[%get3A_482, %get3A_483, %get3A_484] {strides = array<i32>} : memref<3x40x128xf32, #tpu.memory_space<vmem>>, vector<1x1x16xf32>,
          %get3A_486 = vector.shape_cast %get3A_485 : vector<1x1x16xf32> to vector<16xf32>
          %get3A_487 = arith.constant 0 : i32
          %get3A_488 = arith.index_cast %get3A_487 : i32 to index
          %get3A_489 = arith.index_cast %scan3A_391 : i32 to index
          %get3A_490 = arith.constant 64 : index
          %get3A_491 = tpu.vector_load %arg8[%get3A_488, %get3A_489, %get3A_490] {strides = array<i32>} : memref<3x40x128xf32, #tpu.memory_space<vmem>>, vector<1x1x16xf32>,
          %get3A_492 = vector.shape_cast %get3A_491 : vector<1x1x16xf32> to vector<16xf32>
          %add3A_493 = arith.addf %get3A_486, %get3A_492 : vector<16xf32>
          %max3A_494 = arith.constant 0.000000e+00 : f32
          %max3A_495 = vector.broadcast %max3A_494 : f32 to vector<16xf32>
          %max3A_496 = arith.maximumf %add3A_493, %max3A_495 : vector<16xf32>
          %swap3A_497 = arith.constant 1 : i32
          %swap3A_498 = arith.index_cast %swap3A_497 : i32 to index
          %swap3A_499 = arith.index_cast %scan3A_391 : i32 to index
          %swap3A_500 = arith.constant 64 : index
          %swap3A_501 = tpu.vector_load %arg9[%swap3A_498, %swap3A_499, %swap3A_500] {strides = array<i32>} : memref<2x40x128xf32, #tpu.memory_space<vmem>>, vector<1x1x16xf32>,
          %swap3A_502 = vector.shape_cast %swap3A_501 : vector<1x1x16xf32> to vector<16xf32>
          %swap3A_503 = vector.shape_cast %max3A_496 : vector<16xf32> to vector<1x1x16xf32>
          tpu.vector_store %arg9[%swap3A_498, %swap3A_499, %swap3A_500], %swap3A_503 {strides = array<i32>} : memref<2x40x128xf32, #tpu.memory_space<vmem>>, vector<1x1x16xf32>,
          %get3A_504 = arith.constant 0 : i32
          %get3A_505 = arith.index_cast %get3A_504 : i32 to index
          %get3A_506 = arith.index_cast %scan3A_391 : i32 to index
          %get3A_507 = arith.constant 80 : index
          %get3A_508 = tpu.vector_load %arg7[%get3A_505, %get3A_506, %get3A_507] {strides = array<i32>} : memref<3x40x128xf32, #tpu.memory_space<vmem>>, vector<1x1x16xf32>,
          %get3A_509 = vector.shape_cast %get3A_508 : vector<1x1x16xf32> to vector<16xf32>
          %get3A_510 = arith.constant 0 : i32
          %get3A_511 = arith.index_cast %get3A_510 : i32 to index
          %get3A_512 = arith.index_cast %scan3A_391 : i32 to index
          %get3A_513 = arith.constant 80 : index
          %get3A_514 = tpu.vector_load %arg8[%get3A_511, %get3A_512, %get3A_513] {strides = array<i32>} : memref<3x40x128xf32, #tpu.memory_space<vmem>>, vector<1x1x16xf32>,
          %get3A_515 = vector.shape_cast %get3A_514 : vector<1x1x16xf32> to vector<16xf32>
          %add3A_516 = arith.addf %get3A_509, %get3A_515 : vector<16xf32>
          %max3A_517 = arith.constant 0.000000e+00 : f32
          %max3A_518 = vector.broadcast %max3A_517 : f32 to vector<16xf32>
          %max3A_519 = arith.maximumf %add3A_516, %max3A_518 : vector<16xf32>
          %swap3A_520 = arith.constant 1 : i32
          %swap3A_521 = arith.index_cast %swap3A_520 : i32 to index
          %swap3A_522 = arith.index_cast %scan3A_391 : i32 to index
          %swap3A_523 = arith.constant 80 : index
          %swap3A_524 = tpu.vector_load %arg9[%swap3A_521, %swap3A_522, %swap3A_523] {strides = array<i32>} : memref<2x40x128xf32, #tpu.memory_space<vmem>>, vector<1x1x16xf32>,
          %swap3A_525 = vector.shape_cast %swap3A_524 : vector<1x1x16xf32> to vector<16xf32>
          %swap3A_526 = vector.shape_cast %max3A_519 : vector<16xf32> to vector<1x1x16xf32>
          tpu.vector_store %arg9[%swap3A_521, %swap3A_522, %swap3A_523], %swap3A_526 {strides = array<i32>} : memref<2x40x128xf32, #tpu.memory_space<vmem>>, vector<1x1x16xf32>,
          %get3A_527 = arith.constant 0 : i32
          %get3A_528 = arith.index_cast %get3A_527 : i32 to index
          %get3A_529 = arith.index_cast %scan3A_391 : i32 to index
          %get3A_530 = arith.constant 96 : index
          %get3A_531 = tpu.vector_load %arg7[%get3A_528, %get3A_529, %get3A_530] {strides = array<i32>} : memref<3x40x128xf32, #tpu.memory_space<vmem>>, vector<1x1x16xf32>,
          %get3A_532 = vector.shape_cast %get3A_531 : vector<1x1x16xf32> to vector<16xf32>
          %get3A_533 = arith.constant 0 : i32
          %get3A_534 = arith.index_cast %get3A_533 : i32 to index
          %get3A_535 = arith.index_cast %scan3A_391 : i32 to index
          %get3A_536 = arith.constant 96 : index
          %get3A_537 = tpu.vector_load %arg8[%get3A_534, %get3A_535, %get3A_536] {strides = array<i32>} : memref<3x40x128xf32, #tpu.memory_space<vmem>>, vector<1x1x16xf32>,
          %get3A_538 = vector.shape_cast %get3A_537 : vector<1x1x16xf32> to vector<16xf32>
          %add3A_539 = arith.addf %get3A_532, %get3A_538 : vector<16xf32>
          %max3A_540 = arith.constant 0.000000e+00 : f32
          %max3A_541 = vector.broadcast %max3A_540 : f32 to vector<16xf32>
          %max3A_542 = arith.maximumf %add3A_539, %max3A_541 : vector<16xf32>
          %swap3A_543 = arith.constant 1 : i32
          %swap3A_544 = arith.index_cast %swap3A_543 : i32 to index
          %swap3A_545 = arith.index_cast %scan3A_391 : i32 to index
          %swap3A_546 = arith.constant 96 : index
          %swap3A_547 = tpu.vector_load %arg9[%swap3A_544, %swap3A_545, %swap3A_546] {strides = array<i32>} : memref<2x40x128xf32, #tpu.memory_space<vmem>>, vector<1x1x16xf32>,
          %swap3A_548 = vector.shape_cast %swap3A_547 : vector<1x1x16xf32> to vector<16xf32>
          %swap3A_549 = vector.shape_cast %max3A_542 : vector<16xf32> to vector<1x1x16xf32>
          tpu.vector_store %arg9[%swap3A_544, %swap3A_545, %swap3A_546], %swap3A_549 {strides = array<i32>} : memref<2x40x128xf32, #tpu.memory_space<vmem>>, vector<1x1x16xf32>,
          %get3A_550 = arith.constant 0 : i32
          %get3A_551 = arith.index_cast %get3A_550 : i32 to index
          %get3A_552 = arith.index_cast %scan3A_391 : i32 to index
          %get3A_553 = arith.constant 112 : index
          %get3A_554 = tpu.vector_load %arg7[%get3A_551, %get3A_552, %get3A_553] {strides = array<i32>} : memref<3x40x128xf32, #tpu.memory_space<vmem>>, vector<1x1x16xf32>,
          %get3A_555 = vector.shape_cast %get3A_554 : vector<1x1x16xf32> to vector<16xf32>
          %get3A_556 = arith.constant 0 : i32
          %get3A_557 = arith.index_cast %get3A_556 : i32 to index
          %get3A_558 = arith.index_cast %scan3A_391 : i32 to index
          %get3A_559 = arith.constant 112 : index
          %get3A_560 = tpu.vector_load %arg8[%get3A_557, %get3A_558, %get3A_559] {strides = array<i32>} : memref<3x40x128xf32, #tpu.memory_space<vmem>>, vector<1x1x16xf32>,
          %get3A_561 = vector.shape_cast %get3A_560 : vector<1x1x16xf32> to vector<16xf32>
          %add3A_562 = arith.addf %get3A_555, %get3A_561 : vector<16xf32>
          %max3A_563 = arith.constant 0.000000e+00 : f32
          %max3A_564 = vector.broadcast %max3A_563 : f32 to vector<16xf32>
          %max3A_565 = arith.maximumf %add3A_562, %max3A_564 : vector<16xf32>
          %swap3A_566 = arith.constant 1 : i32
          %swap3A_567 = arith.index_cast %swap3A_566 : i32 to index
          %swap3A_568 = arith.index_cast %scan3A_391 : i32 to index
          %swap3A_569 = arith.constant 112 : index
          %swap3A_570 = tpu.vector_load %arg9[%swap3A_567, %swap3A_568, %swap3A_569] {strides = array<i32>} : memref<2x40x128xf32, #tpu.memory_space<vmem>>, vector<1x1x16xf32>,
          %swap3A_571 = vector.shape_cast %swap3A_570 : vector<1x1x16xf32> to vector<16xf32>
          %swap3A_572 = vector.shape_cast %max3A_565 : vector<16xf32> to vector<1x1x16xf32>
          tpu.vector_store %arg9[%swap3A_567, %swap3A_568, %swap3A_569], %swap3A_572 {strides = array<i32>} : memref<2x40x128xf32, #tpu.memory_space<vmem>>, vector<1x1x16xf32>,
        }
        %scan3A_371 = arith.constant 40 : i32
        %dma_start3A_372 = arith.constant 1 : i32
        %dma_start3A_373 = arith.constant 3 : i32
        %dma_start3A_374 = arith.constant 0 : i32
        %dma_start3A_375 = arith.constant 0 : i32
        %dma_start3A_376 = tpu.memref_slice %arg9[%dma_start3A_372, %dma_start3A_374, %dma_start3A_375] : memref<2x40x128xf32, #tpu.memory_space<vmem>> -> memref<1x40x128xf32, #tpu.memory_space<vmem>>
        %dma_start3A_377 = tpu.memref_squeeze %dma_start3A_376 : memref<1x40x128xf32, #tpu.memory_space<vmem>> -> memref<40x128xf32, #tpu.memory_space<vmem>>
        %dma_start3A_378 = arith.constant 0 : i32
        %dma_start3A_379 = tpu.memref_slice %arg11[%dma_start3A_373, %dma_start3A_378] : memref<6x40xi32, #tpu.memory_space<vmem>> -> memref<1x40xi32, #tpu.memory_space<vmem>>
        %dma_start3A_380 = tpu.memref_squeeze %dma_start3A_379 : memref<1x40xi32, #tpu.memory_space<vmem>> -> memref<40xi32, #tpu.memory_space<vmem>>
        %dma_start3A_381 = arith.constant 0 : i32
        %dma_start3A_382 = arith.constant 0 : i32
        %dma_start3A_383 = tpu.memref_slice %arg12[%dma_start3A_381, %dma_start3A_382] : memref<10000x128xf32, #tpu.memory_space<vmem_shared>> -> memref<10000x128xf32, #tpu.memory_space<vmem_shared>>
        tpu.enqueue_indirect_dma source(%dma_start3A_377 : memref<40x128xf32, #tpu.memory_space<vmem>>) target(%dma_start3A_383 : memref<10000x128xf32, #tpu.memory_space<vmem_shared>>) offsets(%dma_start3A_380 : memref<40xi32, #tpu.memory_space<vmem>>) semaphore(%arg17 : memref<!tpu.dma_semaphore, #tpu.memory_space<semaphore_mem>>) {add = true}
        %add3A_384 = arith.constant 3 : i32
        %add3A_385 = arith.addi %add3A_304, %add3A_384 : i32
        %lt3A_386 = arith.constant 250 : i32
        %lt3A_387 = arith.cmpi slt, %add3A_385, %lt3A_386 : i32
        %convert_element_type3A_388 = arith.extui %lt3A_387 : i1 to i32
        %cond3A_389 = arith.constant 0 : i32
        %cond3A_390 = arith.cmpi ne, %convert_element_type3A_388, %cond3A_389 : i32
        scf.if %cond3A_390 {
          %dma_wait3A_391 = arith.constant 0 : i32
          %dma_wait3A_392 = arith.constant 0 : i32
          %dma_wait3A_393 = tpu.memref_slice %arg10[%dma_wait3A_391, %dma_wait3A_392] : memref<6x40xi32, #tpu.memory_space<vmem>> -> memref<1x40xi32, #tpu.memory_space<vmem>>
          %dma_wait3A_394 = tpu.memref_squeeze %dma_wait3A_393 : memref<1x40xi32, #tpu.memory_space<vmem>> -> memref<40xi32, #tpu.memory_space<vmem>>
          %dma_wait3A_395 = arith.constant 0 : i32
          %dma_wait3A_396 = tpu.memref_slice %arg3[%dma_wait3A_395] : memref<320000xi32, #tpu.memory_space<hbm>> -> memref<40xi32, #tpu.memory_space<hbm>>
          %dma_wait3A_397 = arith.constant 0 : i32
          %dma_wait3A_398 = tpu.memref_slice %arg10[%dma_wait3A_391, %dma_wait3A_397] : memref<6x40xi32, #tpu.memory_space<vmem>> -> memref<1x40xi32, #tpu.memory_space<vmem>>
          %dma_wait3A_399 = tpu.memref_squeeze %dma_wait3A_398 : memref<1x40xi32, #tpu.memory_space<vmem>> -> memref<40xi32, #tpu.memory_space<vmem>>
          %dma_wait3A_400 = arith.constant 0 : i32
          %dma_wait3A_401 = tpu.memref_slice %arg3[%dma_wait3A_400] : memref<320000xi32, #tpu.memory_space<hbm>> -> memref<40xi32, #tpu.memory_space<hbm>>
          tpu.wait_dma2 semaphore(%arg18 : memref<!tpu.dma_semaphore, #tpu.memory_space<semaphore_mem>>) src(%dma_wait3A_401 : memref<40xi32, #tpu.memory_space<hbm>>) dst(%dma_wait3A_399 : memref<40xi32, #tpu.memory_space<vmem>>)
          %dma_wait3A_402 = arith.constant 0 : i32
          %dma_wait3A_403 = arith.constant 0 : i32
          %dma_wait3A_404 = tpu.memref_slice %arg11[%dma_wait3A_402, %dma_wait3A_403] : memref<6x40xi32, #tpu.memory_space<vmem>> -> memref<1x40xi32, #tpu.memory_space<vmem>>
          %dma_wait3A_405 = tpu.memref_squeeze %dma_wait3A_404 : memref<1x40xi32, #tpu.memory_space<vmem>> -> memref<40xi32, #tpu.memory_space<vmem>>
          %dma_wait3A_406 = arith.constant 0 : i32
          %dma_wait3A_407 = tpu.memref_slice %arg4[%dma_wait3A_406] : memref<320000xi32, #tpu.memory_space<hbm>> -> memref<40xi32, #tpu.memory_space<hbm>>
          %dma_wait3A_408 = arith.constant 0 : i32
          %dma_wait3A_409 = tpu.memref_slice %arg11[%dma_wait3A_402, %dma_wait3A_408] : memref<6x40xi32, #tpu.memory_space<vmem>> -> memref<1x40xi32, #tpu.memory_space<vmem>>
          %dma_wait3A_410 = tpu.memref_squeeze %dma_wait3A_409 : memref<1x40xi32, #tpu.memory_space<vmem>> -> memref<40xi32, #tpu.memory_space<vmem>>
          %dma_wait3A_411 = arith.constant 0 : i32
          %dma_wait3A_412 = tpu.memref_slice %arg4[%dma_wait3A_411] : memref<320000xi32, #tpu.memory_space<hbm>> -> memref<40xi32, #tpu.memory_space<hbm>>
          tpu.wait_dma2 semaphore(%arg18 : memref<!tpu.dma_semaphore, #tpu.memory_space<semaphore_mem>>) src(%dma_wait3A_412 : memref<40xi32, #tpu.memory_space<hbm>>) dst(%dma_wait3A_410 : memref<40xi32, #tpu.memory_space<vmem>>)
          %add3A_413 = arith.constant 3 : i32
          %add3A_414 = arith.addi %add3A_304, %add3A_413 : i32
          %dma_start3A_415 = arith.constant 0 : i32
          %dma_start3A_416 = arith.constant 0 : i32
          %dma_start3A_417 = arith.constant 0 : i32
          %dma_start3A_418 = arith.constant 0 : i32
          %dma_start3A_419 = tpu.memref_slice %arg8[%dma_start3A_416, %dma_start3A_417, %dma_start3A_418] : memref<3x40x128xf32, #tpu.memory_space<vmem>> -> memref<1x40x128xf32, #tpu.memory_space<vmem>>
          %dma_start3A_420 = tpu.memref_squeeze %dma_start3A_419 : memref<1x40x128xf32, #tpu.memory_space<vmem>> -> memref<40x128xf32, #tpu.memory_space<vmem>>
          %dma_start3A_421 = arith.constant 0 : i32
          %dma_start3A_422 = tpu.memref_slice %arg10[%dma_start3A_415, %dma_start3A_421] : memref<6x40xi32, #tpu.memory_space<vmem>> -> memref<1x40xi32, #tpu.memory_space<vmem>>
          %dma_start3A_423 = tpu.memref_squeeze %dma_start3A_422 : memref<1x40xi32, #tpu.memory_space<vmem>> -> memref<40xi32, #tpu.memory_space<vmem>>
          %dma_start3A_424 = arith.constant 0 : i32
          %dma_start3A_425 = arith.constant 0 : i32
          %dma_start3A_426 = tpu.memref_slice %arg2[%dma_start3A_424, %dma_start3A_425] : memref<10000x128xf32, #tpu.memory_space<hbm>> -> memref<10000x128xf32, #tpu.memory_space<hbm>>
          tpu.enqueue_indirect_dma source(%dma_start3A_426 : memref<10000x128xf32, #tpu.memory_space<hbm>>) target(%dma_start3A_420 : memref<40x128xf32, #tpu.memory_space<vmem>>) offsets(%dma_start3A_423 : memref<40xi32, #tpu.memory_space<vmem>>) semaphore(%arg13 : memref<!tpu.dma_semaphore, #tpu.memory_space<semaphore_mem>>)
          %mul3A_427 = arith.constant 40 : i32
          %mul3A_428 = arith.muli %add3A_414, %mul3A_427 : i32
          %add3A_429 = arith.addi %mul3A_2, %mul3A_428 : i32
          %dma_start3A_430 = arith.constant 0 : i32
          %dma_start3A_431 = arith.constant 0 : i32
          %dma_start3A_432 = arith.constant 0 : i32
          %dma_start3A_433 = tpu.memref_slice %arg7[%dma_start3A_430, %dma_start3A_431, %dma_start3A_432] : memref<3x40x128xf32, #tpu.memory_space<vmem>> -> memref<1x40x128xf32, #tpu.memory_space<vmem>>
          %dma_start3A_434 = tpu.memref_squeeze %dma_start3A_433 : memref<1x40x128xf32, #tpu.memory_space<vmem>> -> memref<40x128xf32, #tpu.memory_space<vmem>>
          %dma_start3A_435 = arith.constant 0 : i32
          %dma_start3A_436 = tpu.memref_slice %arg5[%add3A_429, %dma_start3A_435] : memref<320000x128xf32, #tpu.memory_space<hbm>> -> memref<40x128xf32, #tpu.memory_space<hbm>>
          %dma_start3A_437 = arith.constant 0 : i32
          %dma_start3A_438 = arith.constant 0 : i32
          %dma_start3A_439 = tpu.memref_slice %arg7[%dma_start3A_430, %dma_start3A_437, %dma_start3A_438] : memref<3x40x128xf32, #tpu.memory_space<vmem>> -> memref<1x40x128xf32, #tpu.memory_space<vmem>>
          %dma_start3A_440 = tpu.memref_squeeze %dma_start3A_439 : memref<1x40x128xf32, #tpu.memory_space<vmem>> -> memref<40x128xf32, #tpu.memory_space<vmem>>
          %dma_start3A_441 = arith.constant 0 : i32
          %dma_start3A_442 = tpu.memref_slice %arg5[%add3A_429, %dma_start3A_441] : memref<320000x128xf32, #tpu.memory_space<hbm>> -> memref<40x128xf32, #tpu.memory_space<hbm>>
          tpu.enqueue_dma source(%dma_start3A_442 : memref<40x128xf32, #tpu.memory_space<hbm>>) target(%dma_start3A_440 : memref<40x128xf32, #tpu.memory_space<vmem>>) target_semaphore(%arg13 : memref<!tpu.dma_semaphore, #tpu.memory_space<semaphore_mem>>)
        } else {
        }
      } else {
      }
      %mul3A_310 = arith.constant 6 : i32
      %mul3A_311 = arith.muli %scan3A_273, %mul3A_310 : i32
      %add3A_312 = arith.constant 4 : i32
      %add3A_313 = arith.addi %mul3A_311, %add3A_312 : i32
      %lt3A_314 = arith.constant 250 : i32
      %lt3A_315 = arith.cmpi slt, %add3A_313, %lt3A_314 : i32
      %convert_element_type3A_316 = arith.extui %lt3A_315 : i1 to i32
      %cond3A_317 = arith.constant 0 : i32
      %cond3A_318 = arith.cmpi ne, %convert_element_type3A_316, %cond3A_317 : i32
      scf.if %cond3A_318 {
        %dma_wait3A_328 = arith.constant 1 : i32
        %dma_wait3A_329 = arith.constant 0 : i32
        %dma_wait3A_330 = arith.constant 0 : i32
        %dma_wait3A_331 = tpu.memref_slice %arg7[%dma_wait3A_328, %dma_wait3A_329, %dma_wait3A_330] : memref<3x40x128xf32, #tpu.memory_space<vmem>> -> memref<1x40x128xf32, #tpu.memory_space<vmem>>
        %dma_wait3A_332 = tpu.memref_squeeze %dma_wait3A_331 : memref<1x40x128xf32, #tpu.memory_space<vmem>> -> memref<40x128xf32, #tpu.memory_space<vmem>>
        %dma_wait3A_333 = arith.constant 0 : i32
        %dma_wait3A_334 = arith.constant 0 : i32
        %dma_wait3A_335 = tpu.memref_slice %arg5[%dma_wait3A_333, %dma_wait3A_334] : memref<320000x128xf32, #tpu.memory_space<hbm>> -> memref<40x128xf32, #tpu.memory_space<hbm>>
        %dma_wait3A_336 = arith.constant 0 : i32
        %dma_wait3A_337 = arith.constant 0 : i32
        %dma_wait3A_338 = tpu.memref_slice %arg7[%dma_wait3A_328, %dma_wait3A_336, %dma_wait3A_337] : memref<3x40x128xf32, #tpu.memory_space<vmem>> -> memref<1x40x128xf32, #tpu.memory_space<vmem>>
        %dma_wait3A_339 = tpu.memref_squeeze %dma_wait3A_338 : memref<1x40x128xf32, #tpu.memory_space<vmem>> -> memref<40x128xf32, #tpu.memory_space<vmem>>
        %dma_wait3A_340 = arith.constant 0 : i32
        %dma_wait3A_341 = arith.constant 0 : i32
        %dma_wait3A_342 = tpu.memref_slice %arg5[%dma_wait3A_340, %dma_wait3A_341] : memref<320000x128xf32, #tpu.memory_space<hbm>> -> memref<40x128xf32, #tpu.memory_space<hbm>>
        tpu.wait_dma2 semaphore(%arg14 : memref<!tpu.dma_semaphore, #tpu.memory_space<semaphore_mem>>) src(%dma_wait3A_342 : memref<40x128xf32, #tpu.memory_space<hbm>>) dst(%dma_wait3A_339 : memref<40x128xf32, #tpu.memory_space<vmem>>)
        %dma_wait3A_343 = arith.constant 0 : i32
        %dma_wait3A_344 = arith.constant 1 : i32
        %dma_wait3A_345 = arith.constant 0 : i32
        %dma_wait3A_346 = arith.constant 0 : i32
        %dma_wait3A_347 = tpu.memref_slice %arg8[%dma_wait3A_344, %dma_wait3A_345, %dma_wait3A_346] : memref<3x40x128xf32, #tpu.memory_space<vmem>> -> memref<1x40x128xf32, #tpu.memory_space<vmem>>
        %dma_wait3A_348 = tpu.memref_squeeze %dma_wait3A_347 : memref<1x40x128xf32, #tpu.memory_space<vmem>> -> memref<40x128xf32, #tpu.memory_space<vmem>>
        %dma_wait3A_349 = arith.constant 0 : i32
        %dma_wait3A_350 = tpu.memref_slice %arg10[%dma_wait3A_343, %dma_wait3A_349] : memref<6x40xi32, #tpu.memory_space<vmem>> -> memref<1x40xi32, #tpu.memory_space<vmem>>
        %dma_wait3A_351 = tpu.memref_squeeze %dma_wait3A_350 : memref<1x40xi32, #tpu.memory_space<vmem>> -> memref<40xi32, #tpu.memory_space<vmem>>
        %dma_wait3A_352 = arith.constant 0 : i32
        %dma_wait3A_353 = arith.constant 0 : i32
        %dma_wait3A_354 = tpu.memref_slice %arg2[%dma_wait3A_352, %dma_wait3A_353] : memref<10000x128xf32, #tpu.memory_space<hbm>> -> memref<10000x128xf32, #tpu.memory_space<hbm>>
        tpu.wait_indirect_dma semaphore(%arg14 : memref<!tpu.dma_semaphore, #tpu.memory_space<semaphore_mem>>) src(%dma_wait3A_354 : memref<10000x128xf32, #tpu.memory_space<hbm>>) dst(%dma_wait3A_348 : memref<40x128xf32, #tpu.memory_space<vmem>>)
        %ge3A = arith.constant 2 : i32
        %ge3A_355 = arith.cmpi sge, %add3A_313, %ge3A : i32
        %convert_element_type3A_356 = arith.extui %ge3A_355 : i1 to i32
        %cond3A_357 = arith.constant 0 : i32
        %cond3A_358 = arith.cmpi ne, %convert_element_type3A_356, %cond3A_357 : i32
        scf.if %cond3A_358 {
          %dma_wait3A_391 = arith.constant 0 : i32
          %dma_wait3A_392 = arith.constant 0 : i32
          %dma_wait3A_393 = arith.constant 0 : i32
          %dma_wait3A_394 = arith.constant 0 : i32
          %dma_wait3A_395 = tpu.memref_slice %arg9[%dma_wait3A_391, %dma_wait3A_393, %dma_wait3A_394] : memref<2x40x128xf32, #tpu.memory_space<vmem>> -> memref<1x40x128xf32, #tpu.memory_space<vmem>>
          %dma_wait3A_396 = tpu.memref_squeeze %dma_wait3A_395 : memref<1x40x128xf32, #tpu.memory_space<vmem>> -> memref<40x128xf32, #tpu.memory_space<vmem>>
          %dma_wait3A_397 = arith.constant 0 : i32
          %dma_wait3A_398 = tpu.memref_slice %arg11[%dma_wait3A_392, %dma_wait3A_397] : memref<6x40xi32, #tpu.memory_space<vmem>> -> memref<1x40xi32, #tpu.memory_space<vmem>>
          %dma_wait3A_399 = tpu.memref_squeeze %dma_wait3A_398 : memref<1x40xi32, #tpu.memory_space<vmem>> -> memref<40xi32, #tpu.memory_space<vmem>>
          %dma_wait3A_400 = arith.constant 0 : i32
          %dma_wait3A_401 = arith.constant 0 : i32
          %dma_wait3A_402 = tpu.memref_slice %arg12[%dma_wait3A_400, %dma_wait3A_401] : memref<10000x128xf32, #tpu.memory_space<vmem_shared>> -> memref<10000x128xf32, #tpu.memory_space<vmem_shared>>
          tpu.wait_indirect_dma semaphore(%arg16 : memref<!tpu.dma_semaphore, #tpu.memory_space<semaphore_mem>>) src(%dma_wait3A_396 : memref<40x128xf32, #tpu.memory_space<vmem>>) dst(%dma_wait3A_402 : memref<10000x128xf32, #tpu.memory_space<vmem_shared>>)
        } else {
        }
        %add3A_359 = arith.constant 4 : i32
        %add3A_360 = arith.addi %add3A_313, %add3A_359 : i32
        %lt3A_361 = arith.constant 250 : i32
        %lt3A_362 = arith.cmpi slt, %add3A_360, %lt3A_361 : i32
        %convert_element_type3A_363 = arith.extui %lt3A_362 : i1 to i32
        %cond3A_364 = arith.constant 0 : i32
        %cond3A_365 = arith.cmpi ne, %convert_element_type3A_363, %cond3A_364 : i32
        scf.if %cond3A_365 {
          %add3A_391 = arith.constant 4 : i32
          %add3A_392 = arith.addi %add3A_313, %add3A_391 : i32
          %mul3A_393 = arith.constant 40 : i32
          %mul3A_394 = arith.muli %add3A_392, %mul3A_393 : i32
          %add3A_395 = arith.addi %mul3A_2, %mul3A_394 : i32
          %dma_start3A_396 = arith.constant 2 : i32
          %dma_start3A_397 = arith.constant 0 : i32
          %dma_start3A_398 = tpu.memref_slice %arg10[%dma_start3A_396, %dma_start3A_397] : memref<6x40xi32, #tpu.memory_space<vmem>> -> memref<1x40xi32, #tpu.memory_space<vmem>>
          %dma_start3A_399 = tpu.memref_squeeze %dma_start3A_398 : memref<1x40xi32, #tpu.memory_space<vmem>> -> memref<40xi32, #tpu.memory_space<vmem>>
          %dma_start3A_400 = tpu.memref_slice %arg3[%add3A_395] : memref<320000xi32, #tpu.memory_space<hbm>> -> memref<40xi32, #tpu.memory_space<hbm>>
          %dma_start3A_401 = arith.constant 0 : i32
          %dma_start3A_402 = tpu.memref_slice %arg10[%dma_start3A_396, %dma_start3A_401] : memref<6x40xi32, #tpu.memory_space<vmem>> -> memref<1x40xi32, #tpu.memory_space<vmem>>
          %dma_start3A_403 = tpu.memref_squeeze %dma_start3A_402 : memref<1x40xi32, #tpu.memory_space<vmem>> -> memref<40xi32, #tpu.memory_space<vmem>>
          %dma_start3A_404 = tpu.memref_slice %arg3[%add3A_395] : memref<320000xi32, #tpu.memory_space<hbm>> -> memref<40xi32, #tpu.memory_space<hbm>>
          tpu.enqueue_dma source(%dma_start3A_404 : memref<40xi32, #tpu.memory_space<hbm>>) target(%dma_start3A_403 : memref<40xi32, #tpu.memory_space<vmem>>) target_semaphore(%arg20 : memref<!tpu.dma_semaphore, #tpu.memory_space<semaphore_mem>>)
          %mul3A_405 = arith.constant 40 : i32
          %mul3A_406 = arith.muli %add3A_392, %mul3A_405 : i32
          %add3A_407 = arith.addi %mul3A_2, %mul3A_406 : i32
          %dma_start3A_408 = arith.constant 2 : i32
          %dma_start3A_409 = arith.constant 0 : i32
          %dma_start3A_410 = tpu.memref_slice %arg11[%dma_start3A_408, %dma_start3A_409] : memref<6x40xi32, #tpu.memory_space<vmem>> -> memref<1x40xi32, #tpu.memory_space<vmem>>
          %dma_start3A_411 = tpu.memref_squeeze %dma_start3A_410 : memref<1x40xi32, #tpu.memory_space<vmem>> -> memref<40xi32, #tpu.memory_space<vmem>>
          %dma_start3A_412 = tpu.memref_slice %arg4[%add3A_407] : memref<320000xi32, #tpu.memory_space<hbm>> -> memref<40xi32, #tpu.memory_space<hbm>>
          %dma_start3A_413 = arith.constant 0 : i32
          %dma_start3A_414 = tpu.memref_slice %arg11[%dma_start3A_408, %dma_start3A_413] : memref<6x40xi32, #tpu.memory_space<vmem>> -> memref<1x40xi32, #tpu.memory_space<vmem>>
          %dma_start3A_415 = tpu.memref_squeeze %dma_start3A_414 : memref<1x40xi32, #tpu.memory_space<vmem>> -> memref<40xi32, #tpu.memory_space<vmem>>
          %dma_start3A_416 = tpu.memref_slice %arg4[%add3A_407] : memref<320000xi32, #tpu.memory_space<hbm>> -> memref<40xi32, #tpu.memory_space<hbm>>
          tpu.enqueue_dma source(%dma_start3A_416 : memref<40xi32, #tpu.memory_space<hbm>>) target(%dma_start3A_415 : memref<40xi32, #tpu.memory_space<vmem>>) target_semaphore(%arg20 : memref<!tpu.dma_semaphore, #tpu.memory_space<semaphore_mem>>)
        } else {
        }
        %scan3A_366 = arith.constant 0 : i32
        %scan3A_367 = arith.constant 0 : i32
        %scan3A_368 = arith.constant 40 : i32
        %scan3A_369 = arith.addi %scan3A_367, %scan3A_368 : i32
        %scan3A_370 = arith.constant 1 : i32
        scf.for %scan3A_391 = %scan3A_367 to %scan3A_369 step %scan3A_370  : i32 {
          %get3A = arith.constant 1 : i32
          %get3A_392 = arith.index_cast %get3A : i32 to index
          %get3A_393 = arith.index_cast %scan3A_391 : i32 to index
          %get3A_394 = arith.constant 0 : index
          %get3A_395 = tpu.vector_load %arg7[%get3A_392, %get3A_393, %get3A_394] {strides = array<i32>} : memref<3x40x128xf32, #tpu.memory_space<vmem>>, vector<1x1x16xf32>,
          %get3A_396 = vector.shape_cast %get3A_395 : vector<1x1x16xf32> to vector<16xf32>
          %get3A_397 = arith.constant 1 : i32
          %get3A_398 = arith.index_cast %get3A_397 : i32 to index
          %get3A_399 = arith.index_cast %scan3A_391 : i32 to index
          %get3A_400 = arith.constant 0 : index
          %get3A_401 = tpu.vector_load %arg8[%get3A_398, %get3A_399, %get3A_400] {strides = array<i32>} : memref<3x40x128xf32, #tpu.memory_space<vmem>>, vector<1x1x16xf32>,
          %get3A_402 = vector.shape_cast %get3A_401 : vector<1x1x16xf32> to vector<16xf32>
          %add3A_403 = arith.addf %get3A_396, %get3A_402 : vector<16xf32>
          %max3A = arith.constant 0.000000e+00 : f32
          %max3A_404 = vector.broadcast %max3A : f32 to vector<16xf32>
          %max3A_405 = arith.maximumf %add3A_403, %max3A_404 : vector<16xf32>
          %swap3A = arith.constant 0 : i32
          %swap3A_406 = arith.index_cast %swap3A : i32 to index
          %swap3A_407 = arith.index_cast %scan3A_391 : i32 to index
          %swap3A_408 = arith.constant 0 : index
          %swap3A_409 = tpu.vector_load %arg9[%swap3A_406, %swap3A_407, %swap3A_408] {strides = array<i32>} : memref<2x40x128xf32, #tpu.memory_space<vmem>>, vector<1x1x16xf32>,
          %swap3A_410 = vector.shape_cast %swap3A_409 : vector<1x1x16xf32> to vector<16xf32>
          %swap3A_411 = vector.shape_cast %max3A_405 : vector<16xf32> to vector<1x1x16xf32>
          tpu.vector_store %arg9[%swap3A_406, %swap3A_407, %swap3A_408], %swap3A_411 {strides = array<i32>} : memref<2x40x128xf32, #tpu.memory_space<vmem>>, vector<1x1x16xf32>,
          %get3A_412 = arith.constant 1 : i32
          %get3A_413 = arith.index_cast %get3A_412 : i32 to index
          %get3A_414 = arith.index_cast %scan3A_391 : i32 to index
          %get3A_415 = arith.constant 16 : index
          %get3A_416 = tpu.vector_load %arg7[%get3A_413, %get3A_414, %get3A_415] {strides = array<i32>} : memref<3x40x128xf32, #tpu.memory_space<vmem>>, vector<1x1x16xf32>,
          %get3A_417 = vector.shape_cast %get3A_416 : vector<1x1x16xf32> to vector<16xf32>
          %get3A_418 = arith.constant 1 : i32
          %get3A_419 = arith.index_cast %get3A_418 : i32 to index
          %get3A_420 = arith.index_cast %scan3A_391 : i32 to index
          %get3A_421 = arith.constant 16 : index
          %get3A_422 = tpu.vector_load %arg8[%get3A_419, %get3A_420, %get3A_421] {strides = array<i32>} : memref<3x40x128xf32, #tpu.memory_space<vmem>>, vector<1x1x16xf32>,
          %get3A_423 = vector.shape_cast %get3A_422 : vector<1x1x16xf32> to vector<16xf32>
          %add3A_424 = arith.addf %get3A_417, %get3A_423 : vector<16xf32>
          %max3A_425 = arith.constant 0.000000e+00 : f32
          %max3A_426 = vector.broadcast %max3A_425 : f32 to vector<16xf32>
          %max3A_427 = arith.maximumf %add3A_424, %max3A_426 : vector<16xf32>
          %swap3A_428 = arith.constant 0 : i32
          %swap3A_429 = arith.index_cast %swap3A_428 : i32 to index
          %swap3A_430 = arith.index_cast %scan3A_391 : i32 to index
          %swap3A_431 = arith.constant 16 : index
          %swap3A_432 = tpu.vector_load %arg9[%swap3A_429, %swap3A_430, %swap3A_431] {strides = array<i32>} : memref<2x40x128xf32, #tpu.memory_space<vmem>>, vector<1x1x16xf32>,
          %swap3A_433 = vector.shape_cast %swap3A_432 : vector<1x1x16xf32> to vector<16xf32>
          %swap3A_434 = vector.shape_cast %max3A_427 : vector<16xf32> to vector<1x1x16xf32>
          tpu.vector_store %arg9[%swap3A_429, %swap3A_430, %swap3A_431], %swap3A_434 {strides = array<i32>} : memref<2x40x128xf32, #tpu.memory_space<vmem>>, vector<1x1x16xf32>,
          %get3A_435 = arith.constant 1 : i32
          %get3A_436 = arith.index_cast %get3A_435 : i32 to index
          %get3A_437 = arith.index_cast %scan3A_391 : i32 to index
          %get3A_438 = arith.constant 32 : index
          %get3A_439 = tpu.vector_load %arg7[%get3A_436, %get3A_437, %get3A_438] {strides = array<i32>} : memref<3x40x128xf32, #tpu.memory_space<vmem>>, vector<1x1x16xf32>,
          %get3A_440 = vector.shape_cast %get3A_439 : vector<1x1x16xf32> to vector<16xf32>
          %get3A_441 = arith.constant 1 : i32
          %get3A_442 = arith.index_cast %get3A_441 : i32 to index
          %get3A_443 = arith.index_cast %scan3A_391 : i32 to index
          %get3A_444 = arith.constant 32 : index
          %get3A_445 = tpu.vector_load %arg8[%get3A_442, %get3A_443, %get3A_444] {strides = array<i32>} : memref<3x40x128xf32, #tpu.memory_space<vmem>>, vector<1x1x16xf32>,
          %get3A_446 = vector.shape_cast %get3A_445 : vector<1x1x16xf32> to vector<16xf32>
          %add3A_447 = arith.addf %get3A_440, %get3A_446 : vector<16xf32>
          %max3A_448 = arith.constant 0.000000e+00 : f32
          %max3A_449 = vector.broadcast %max3A_448 : f32 to vector<16xf32>
          %max3A_450 = arith.maximumf %add3A_447, %max3A_449 : vector<16xf32>
          %swap3A_451 = arith.constant 0 : i32
          %swap3A_452 = arith.index_cast %swap3A_451 : i32 to index
          %swap3A_453 = arith.index_cast %scan3A_391 : i32 to index
          %swap3A_454 = arith.constant 32 : index
          %swap3A_455 = tpu.vector_load %arg9[%swap3A_452, %swap3A_453, %swap3A_454] {strides = array<i32>} : memref<2x40x128xf32, #tpu.memory_space<vmem>>, vector<1x1x16xf32>,
          %swap3A_456 = vector.shape_cast %swap3A_455 : vector<1x1x16xf32> to vector<16xf32>
          %swap3A_457 = vector.shape_cast %max3A_450 : vector<16xf32> to vector<1x1x16xf32>
          tpu.vector_store %arg9[%swap3A_452, %swap3A_453, %swap3A_454], %swap3A_457 {strides = array<i32>} : memref<2x40x128xf32, #tpu.memory_space<vmem>>, vector<1x1x16xf32>,
          %get3A_458 = arith.constant 1 : i32
          %get3A_459 = arith.index_cast %get3A_458 : i32 to index
          %get3A_460 = arith.index_cast %scan3A_391 : i32 to index
          %get3A_461 = arith.constant 48 : index
          %get3A_462 = tpu.vector_load %arg7[%get3A_459, %get3A_460, %get3A_461] {strides = array<i32>} : memref<3x40x128xf32, #tpu.memory_space<vmem>>, vector<1x1x16xf32>,
          %get3A_463 = vector.shape_cast %get3A_462 : vector<1x1x16xf32> to vector<16xf32>
          %get3A_464 = arith.constant 1 : i32
          %get3A_465 = arith.index_cast %get3A_464 : i32 to index
          %get3A_466 = arith.index_cast %scan3A_391 : i32 to index
          %get3A_467 = arith.constant 48 : index
          %get3A_468 = tpu.vector_load %arg8[%get3A_465, %get3A_466, %get3A_467] {strides = array<i32>} : memref<3x40x128xf32, #tpu.memory_space<vmem>>, vector<1x1x16xf32>,
          %get3A_469 = vector.shape_cast %get3A_468 : vector<1x1x16xf32> to vector<16xf32>
          %add3A_470 = arith.addf %get3A_463, %get3A_469 : vector<16xf32>
          %max3A_471 = arith.constant 0.000000e+00 : f32
          %max3A_472 = vector.broadcast %max3A_471 : f32 to vector<16xf32>
          %max3A_473 = arith.maximumf %add3A_470, %max3A_472 : vector<16xf32>
          %swap3A_474 = arith.constant 0 : i32
          %swap3A_475 = arith.index_cast %swap3A_474 : i32 to index
          %swap3A_476 = arith.index_cast %scan3A_391 : i32 to index
          %swap3A_477 = arith.constant 48 : index
          %swap3A_478 = tpu.vector_load %arg9[%swap3A_475, %swap3A_476, %swap3A_477] {strides = array<i32>} : memref<2x40x128xf32, #tpu.memory_space<vmem>>, vector<1x1x16xf32>,
          %swap3A_479 = vector.shape_cast %swap3A_478 : vector<1x1x16xf32> to vector<16xf32>
          %swap3A_480 = vector.shape_cast %max3A_473 : vector<16xf32> to vector<1x1x16xf32>
          tpu.vector_store %arg9[%swap3A_475, %swap3A_476, %swap3A_477], %swap3A_480 {strides = array<i32>} : memref<2x40x128xf32, #tpu.memory_space<vmem>>, vector<1x1x16xf32>,
          %get3A_481 = arith.constant 1 : i32
          %get3A_482 = arith.index_cast %get3A_481 : i32 to index
          %get3A_483 = arith.index_cast %scan3A_391 : i32 to index
          %get3A_484 = arith.constant 64 : index
          %get3A_485 = tpu.vector_load %arg7[%get3A_482, %get3A_483, %get3A_484] {strides = array<i32>} : memref<3x40x128xf32, #tpu.memory_space<vmem>>, vector<1x1x16xf32>,
          %get3A_486 = vector.shape_cast %get3A_485 : vector<1x1x16xf32> to vector<16xf32>
          %get3A_487 = arith.constant 1 : i32
          %get3A_488 = arith.index_cast %get3A_487 : i32 to index
          %get3A_489 = arith.index_cast %scan3A_391 : i32 to index
          %get3A_490 = arith.constant 64 : index
          %get3A_491 = tpu.vector_load %arg8[%get3A_488, %get3A_489, %get3A_490] {strides = array<i32>} : memref<3x40x128xf32, #tpu.memory_space<vmem>>, vector<1x1x16xf32>,
          %get3A_492 = vector.shape_cast %get3A_491 : vector<1x1x16xf32> to vector<16xf32>
          %add3A_493 = arith.addf %get3A_486, %get3A_492 : vector<16xf32>
          %max3A_494 = arith.constant 0.000000e+00 : f32
          %max3A_495 = vector.broadcast %max3A_494 : f32 to vector<16xf32>
          %max3A_496 = arith.maximumf %add3A_493, %max3A_495 : vector<16xf32>
          %swap3A_497 = arith.constant 0 : i32
          %swap3A_498 = arith.index_cast %swap3A_497 : i32 to index
          %swap3A_499 = arith.index_cast %scan3A_391 : i32 to index
          %swap3A_500 = arith.constant 64 : index
          %swap3A_501 = tpu.vector_load %arg9[%swap3A_498, %swap3A_499, %swap3A_500] {strides = array<i32>} : memref<2x40x128xf32, #tpu.memory_space<vmem>>, vector<1x1x16xf32>,
          %swap3A_502 = vector.shape_cast %swap3A_501 : vector<1x1x16xf32> to vector<16xf32>
          %swap3A_503 = vector.shape_cast %max3A_496 : vector<16xf32> to vector<1x1x16xf32>
          tpu.vector_store %arg9[%swap3A_498, %swap3A_499, %swap3A_500], %swap3A_503 {strides = array<i32>} : memref<2x40x128xf32, #tpu.memory_space<vmem>>, vector<1x1x16xf32>,
          %get3A_504 = arith.constant 1 : i32
          %get3A_505 = arith.index_cast %get3A_504 : i32 to index
          %get3A_506 = arith.index_cast %scan3A_391 : i32 to index
          %get3A_507 = arith.constant 80 : index
          %get3A_508 = tpu.vector_load %arg7[%get3A_505, %get3A_506, %get3A_507] {strides = array<i32>} : memref<3x40x128xf32, #tpu.memory_space<vmem>>, vector<1x1x16xf32>,
          %get3A_509 = vector.shape_cast %get3A_508 : vector<1x1x16xf32> to vector<16xf32>
          %get3A_510 = arith.constant 1 : i32
          %get3A_511 = arith.index_cast %get3A_510 : i32 to index
          %get3A_512 = arith.index_cast %scan3A_391 : i32 to index
          %get3A_513 = arith.constant 80 : index
          %get3A_514 = tpu.vector_load %arg8[%get3A_511, %get3A_512, %get3A_513] {strides = array<i32>} : memref<3x40x128xf32, #tpu.memory_space<vmem>>, vector<1x1x16xf32>,
          %get3A_515 = vector.shape_cast %get3A_514 : vector<1x1x16xf32> to vector<16xf32>
          %add3A_516 = arith.addf %get3A_509, %get3A_515 : vector<16xf32>
          %max3A_517 = arith.constant 0.000000e+00 : f32
          %max3A_518 = vector.broadcast %max3A_517 : f32 to vector<16xf32>
          %max3A_519 = arith.maximumf %add3A_516, %max3A_518 : vector<16xf32>
          %swap3A_520 = arith.constant 0 : i32
          %swap3A_521 = arith.index_cast %swap3A_520 : i32 to index
          %swap3A_522 = arith.index_cast %scan3A_391 : i32 to index
          %swap3A_523 = arith.constant 80 : index
          %swap3A_524 = tpu.vector_load %arg9[%swap3A_521, %swap3A_522, %swap3A_523] {strides = array<i32>} : memref<2x40x128xf32, #tpu.memory_space<vmem>>, vector<1x1x16xf32>,
          %swap3A_525 = vector.shape_cast %swap3A_524 : vector<1x1x16xf32> to vector<16xf32>
          %swap3A_526 = vector.shape_cast %max3A_519 : vector<16xf32> to vector<1x1x16xf32>
          tpu.vector_store %arg9[%swap3A_521, %swap3A_522, %swap3A_523], %swap3A_526 {strides = array<i32>} : memref<2x40x128xf32, #tpu.memory_space<vmem>>, vector<1x1x16xf32>,
          %get3A_527 = arith.constant 1 : i32
          %get3A_528 = arith.index_cast %get3A_527 : i32 to index
          %get3A_529 = arith.index_cast %scan3A_391 : i32 to index
          %get3A_530 = arith.constant 96 : index
          %get3A_531 = tpu.vector_load %arg7[%get3A_528, %get3A_529, %get3A_530] {strides = array<i32>} : memref<3x40x128xf32, #tpu.memory_space<vmem>>, vector<1x1x16xf32>,
          %get3A_532 = vector.shape_cast %get3A_531 : vector<1x1x16xf32> to vector<16xf32>
          %get3A_533 = arith.constant 1 : i32
          %get3A_534 = arith.index_cast %get3A_533 : i32 to index
          %get3A_535 = arith.index_cast %scan3A_391 : i32 to index
          %get3A_536 = arith.constant 96 : index
          %get3A_537 = tpu.vector_load %arg8[%get3A_534, %get3A_535, %get3A_536] {strides = array<i32>} : memref<3x40x128xf32, #tpu.memory_space<vmem>>, vector<1x1x16xf32>,
          %get3A_538 = vector.shape_cast %get3A_537 : vector<1x1x16xf32> to vector<16xf32>
          %add3A_539 = arith.addf %get3A_532, %get3A_538 : vector<16xf32>
          %max3A_540 = arith.constant 0.000000e+00 : f32
          %max3A_541 = vector.broadcast %max3A_540 : f32 to vector<16xf32>
          %max3A_542 = arith.maximumf %add3A_539, %max3A_541 : vector<16xf32>
          %swap3A_543 = arith.constant 0 : i32
          %swap3A_544 = arith.index_cast %swap3A_543 : i32 to index
          %swap3A_545 = arith.index_cast %scan3A_391 : i32 to index
          %swap3A_546 = arith.constant 96 : index
          %swap3A_547 = tpu.vector_load %arg9[%swap3A_544, %swap3A_545, %swap3A_546] {strides = array<i32>} : memref<2x40x128xf32, #tpu.memory_space<vmem>>, vector<1x1x16xf32>,
          %swap3A_548 = vector.shape_cast %swap3A_547 : vector<1x1x16xf32> to vector<16xf32>
          %swap3A_549 = vector.shape_cast %max3A_542 : vector<16xf32> to vector<1x1x16xf32>
          tpu.vector_store %arg9[%swap3A_544, %swap3A_545, %swap3A_546], %swap3A_549 {strides = array<i32>} : memref<2x40x128xf32, #tpu.memory_space<vmem>>, vector<1x1x16xf32>,
          %get3A_550 = arith.constant 1 : i32
          %get3A_551 = arith.index_cast %get3A_550 : i32 to index
          %get3A_552 = arith.index_cast %scan3A_391 : i32 to index
          %get3A_553 = arith.constant 112 : index
          %get3A_554 = tpu.vector_load %arg7[%get3A_551, %get3A_552, %get3A_553] {strides = array<i32>} : memref<3x40x128xf32, #tpu.memory_space<vmem>>, vector<1x1x16xf32>,
          %get3A_555 = vector.shape_cast %get3A_554 : vector<1x1x16xf32> to vector<16xf32>
          %get3A_556 = arith.constant 1 : i32
          %get3A_557 = arith.index_cast %get3A_556 : i32 to index
          %get3A_558 = arith.index_cast %scan3A_391 : i32 to index
          %get3A_559 = arith.constant 112 : index
          %get3A_560 = tpu.vector_load %arg8[%get3A_557, %get3A_558, %get3A_559] {strides = array<i32>} : memref<3x40x128xf32, #tpu.memory_space<vmem>>, vector<1x1x16xf32>,
          %get3A_561 = vector.shape_cast %get3A_560 : vector<1x1x16xf32> to vector<16xf32>
          %add3A_562 = arith.addf %get3A_555, %get3A_561 : vector<16xf32>
          %max3A_563 = arith.constant 0.000000e+00 : f32
          %max3A_564 = vector.broadcast %max3A_563 : f32 to vector<16xf32>
          %max3A_565 = arith.maximumf %add3A_562, %max3A_564 : vector<16xf32>
          %swap3A_566 = arith.constant 0 : i32
          %swap3A_567 = arith.index_cast %swap3A_566 : i32 to index
          %swap3A_568 = arith.index_cast %scan3A_391 : i32 to index
          %swap3A_569 = arith.constant 112 : index
          %swap3A_570 = tpu.vector_load %arg9[%swap3A_567, %swap3A_568, %swap3A_569] {strides = array<i32>} : memref<2x40x128xf32, #tpu.memory_space<vmem>>, vector<1x1x16xf32>,
          %swap3A_571 = vector.shape_cast %swap3A_570 : vector<1x1x16xf32> to vector<16xf32>
          %swap3A_572 = vector.shape_cast %max3A_565 : vector<16xf32> to vector<1x1x16xf32>
          tpu.vector_store %arg9[%swap3A_567, %swap3A_568, %swap3A_569], %swap3A_572 {strides = array<i32>} : memref<2x40x128xf32, #tpu.memory_space<vmem>>, vector<1x1x16xf32>,
        }
        %scan3A_371 = arith.constant 40 : i32
        %dma_start3A_372 = arith.constant 0 : i32
        %dma_start3A_373 = arith.constant 4 : i32
        %dma_start3A_374 = arith.constant 0 : i32
        %dma_start3A_375 = arith.constant 0 : i32
        %dma_start3A_376 = tpu.memref_slice %arg9[%dma_start3A_372, %dma_start3A_374, %dma_start3A_375] : memref<2x40x128xf32, #tpu.memory_space<vmem>> -> memref<1x40x128xf32, #tpu.memory_space<vmem>>
        %dma_start3A_377 = tpu.memref_squeeze %dma_start3A_376 : memref<1x40x128xf32, #tpu.memory_space<vmem>> -> memref<40x128xf32, #tpu.memory_space<vmem>>
        %dma_start3A_378 = arith.constant 0 : i32
        %dma_start3A_379 = tpu.memref_slice %arg11[%dma_start3A_373, %dma_start3A_378] : memref<6x40xi32, #tpu.memory_space<vmem>> -> memref<1x40xi32, #tpu.memory_space<vmem>>
        %dma_start3A_380 = tpu.memref_squeeze %dma_start3A_379 : memref<1x40xi32, #tpu.memory_space<vmem>> -> memref<40xi32, #tpu.memory_space<vmem>>
        %dma_start3A_381 = arith.constant 0 : i32
        %dma_start3A_382 = arith.constant 0 : i32
        %dma_start3A_383 = tpu.memref_slice %arg12[%dma_start3A_381, %dma_start3A_382] : memref<10000x128xf32, #tpu.memory_space<vmem_shared>> -> memref<10000x128xf32, #tpu.memory_space<vmem_shared>>
        tpu.enqueue_indirect_dma source(%dma_start3A_377 : memref<40x128xf32, #tpu.memory_space<vmem>>) target(%dma_start3A_383 : memref<10000x128xf32, #tpu.memory_space<vmem_shared>>) offsets(%dma_start3A_380 : memref<40xi32, #tpu.memory_space<vmem>>) semaphore(%arg16 : memref<!tpu.dma_semaphore, #tpu.memory_space<semaphore_mem>>) {add = true}
        %add3A_384 = arith.constant 3 : i32
        %add3A_385 = arith.addi %add3A_313, %add3A_384 : i32
        %lt3A_386 = arith.constant 250 : i32
        %lt3A_387 = arith.cmpi slt, %add3A_385, %lt3A_386 : i32
        %convert_element_type3A_388 = arith.extui %lt3A_387 : i1 to i32
        %cond3A_389 = arith.constant 0 : i32
        %cond3A_390 = arith.cmpi ne, %convert_element_type3A_388, %cond3A_389 : i32
        scf.if %cond3A_390 {
          %dma_wait3A_391 = arith.constant 1 : i32
          %dma_wait3A_392 = arith.constant 0 : i32
          %dma_wait3A_393 = tpu.memref_slice %arg10[%dma_wait3A_391, %dma_wait3A_392] : memref<6x40xi32, #tpu.memory_space<vmem>> -> memref<1x40xi32, #tpu.memory_space<vmem>>
          %dma_wait3A_394 = tpu.memref_squeeze %dma_wait3A_393 : memref<1x40xi32, #tpu.memory_space<vmem>> -> memref<40xi32, #tpu.memory_space<vmem>>
          %dma_wait3A_395 = arith.constant 0 : i32
          %dma_wait3A_396 = tpu.memref_slice %arg3[%dma_wait3A_395] : memref<320000xi32, #tpu.memory_space<hbm>> -> memref<40xi32, #tpu.memory_space<hbm>>
          %dma_wait3A_397 = arith.constant 0 : i32
          %dma_wait3A_398 = tpu.memref_slice %arg10[%dma_wait3A_391, %dma_wait3A_397] : memref<6x40xi32, #tpu.memory_space<vmem>> -> memref<1x40xi32, #tpu.memory_space<vmem>>
          %dma_wait3A_399 = tpu.memref_squeeze %dma_wait3A_398 : memref<1x40xi32, #tpu.memory_space<vmem>> -> memref<40xi32, #tpu.memory_space<vmem>>
          %dma_wait3A_400 = arith.constant 0 : i32
          %dma_wait3A_401 = tpu.memref_slice %arg3[%dma_wait3A_400] : memref<320000xi32, #tpu.memory_space<hbm>> -> memref<40xi32, #tpu.memory_space<hbm>>
          tpu.wait_dma2 semaphore(%arg19 : memref<!tpu.dma_semaphore, #tpu.memory_space<semaphore_mem>>) src(%dma_wait3A_401 : memref<40xi32, #tpu.memory_space<hbm>>) dst(%dma_wait3A_399 : memref<40xi32, #tpu.memory_space<vmem>>)
          %dma_wait3A_402 = arith.constant 1 : i32
          %dma_wait3A_403 = arith.constant 0 : i32
          %dma_wait3A_404 = tpu.memref_slice %arg11[%dma_wait3A_402, %dma_wait3A_403] : memref<6x40xi32, #tpu.memory_space<vmem>> -> memref<1x40xi32, #tpu.memory_space<vmem>>
          %dma_wait3A_405 = tpu.memref_squeeze %dma_wait3A_404 : memref<1x40xi32, #tpu.memory_space<vmem>> -> memref<40xi32, #tpu.memory_space<vmem>>
          %dma_wait3A_406 = arith.constant 0 : i32
          %dma_wait3A_407 = tpu.memref_slice %arg4[%dma_wait3A_406] : memref<320000xi32, #tpu.memory_space<hbm>> -> memref<40xi32, #tpu.memory_space<hbm>>
          %dma_wait3A_408 = arith.constant 0 : i32
          %dma_wait3A_409 = tpu.memref_slice %arg11[%dma_wait3A_402, %dma_wait3A_408] : memref<6x40xi32, #tpu.memory_space<vmem>> -> memref<1x40xi32, #tpu.memory_space<vmem>>
          %dma_wait3A_410 = tpu.memref_squeeze %dma_wait3A_409 : memref<1x40xi32, #tpu.memory_space<vmem>> -> memref<40xi32, #tpu.memory_space<vmem>>
          %dma_wait3A_411 = arith.constant 0 : i32
          %dma_wait3A_412 = tpu.memref_slice %arg4[%dma_wait3A_411] : memref<320000xi32, #tpu.memory_space<hbm>> -> memref<40xi32, #tpu.memory_space<hbm>>
          tpu.wait_dma2 semaphore(%arg19 : memref<!tpu.dma_semaphore, #tpu.memory_space<semaphore_mem>>) src(%dma_wait3A_412 : memref<40xi32, #tpu.memory_space<hbm>>) dst(%dma_wait3A_410 : memref<40xi32, #tpu.memory_space<vmem>>)
          %add3A_413 = arith.constant 3 : i32
          %add3A_414 = arith.addi %add3A_313, %add3A_413 : i32
          %dma_start3A_415 = arith.constant 1 : i32
          %dma_start3A_416 = arith.constant 1 : i32
          %dma_start3A_417 = arith.constant 0 : i32
          %dma_start3A_418 = arith.constant 0 : i32
          %dma_start3A_419 = tpu.memref_slice %arg8[%dma_start3A_416, %dma_start3A_417, %dma_start3A_418] : memref<3x40x128xf32, #tpu.memory_space<vmem>> -> memref<1x40x128xf32, #tpu.memory_space<vmem>>
          %dma_start3A_420 = tpu.memref_squeeze %dma_start3A_419 : memref<1x40x128xf32, #tpu.memory_space<vmem>> -> memref<40x128xf32, #tpu.memory_space<vmem>>
          %dma_start3A_421 = arith.constant 0 : i32
          %dma_start3A_422 = tpu.memref_slice %arg10[%dma_start3A_415, %dma_start3A_421] : memref<6x40xi32, #tpu.memory_space<vmem>> -> memref<1x40xi32, #tpu.memory_space<vmem>>
          %dma_start3A_423 = tpu.memref_squeeze %dma_start3A_422 : memref<1x40xi32, #tpu.memory_space<vmem>> -> memref<40xi32, #tpu.memory_space<vmem>>
          %dma_start3A_424 = arith.constant 0 : i32
          %dma_start3A_425 = arith.constant 0 : i32
          %dma_start3A_426 = tpu.memref_slice %arg2[%dma_start3A_424, %dma_start3A_425] : memref<10000x128xf32, #tpu.memory_space<hbm>> -> memref<10000x128xf32, #tpu.memory_space<hbm>>
          tpu.enqueue_indirect_dma source(%dma_start3A_426 : memref<10000x128xf32, #tpu.memory_space<hbm>>) target(%dma_start3A_420 : memref<40x128xf32, #tpu.memory_space<vmem>>) offsets(%dma_start3A_423 : memref<40xi32, #tpu.memory_space<vmem>>) semaphore(%arg14 : memref<!tpu.dma_semaphore, #tpu.memory_space<semaphore_mem>>)
          %mul3A_427 = arith.constant 40 : i32
          %mul3A_428 = arith.muli %add3A_414, %mul3A_427 : i32
          %add3A_429 = arith.addi %mul3A_2, %mul3A_428 : i32
          %dma_start3A_430 = arith.constant 1 : i32
          %dma_start3A_431 = arith.constant 0 : i32
          %dma_start3A_432 = arith.constant 0 : i32
          %dma_start3A_433 = tpu.memref_slice %arg7[%dma_start3A_430, %dma_start3A_431, %dma_start3A_432] : memref<3x40x128xf32, #tpu.memory_space<vmem>> -> memref<1x40x128xf32, #tpu.memory_space<vmem>>
          %dma_start3A_434 = tpu.memref_squeeze %dma_start3A_433 : memref<1x40x128xf32, #tpu.memory_space<vmem>> -> memref<40x128xf32, #tpu.memory_space<vmem>>
          %dma_start3A_435 = arith.constant 0 : i32
          %dma_start3A_436 = tpu.memref_slice %arg5[%add3A_429, %dma_start3A_435] : memref<320000x128xf32, #tpu.memory_space<hbm>> -> memref<40x128xf32, #tpu.memory_space<hbm>>
          %dma_start3A_437 = arith.constant 0 : i32
          %dma_start3A_438 = arith.constant 0 : i32
          %dma_start3A_439 = tpu.memref_slice %arg7[%dma_start3A_430, %dma_start3A_437, %dma_start3A_438] : memref<3x40x128xf32, #tpu.memory_space<vmem>> -> memref<1x40x128xf32, #tpu.memory_space<vmem>>
          %dma_start3A_440 = tpu.memref_squeeze %dma_start3A_439 : memref<1x40x128xf32, #tpu.memory_space<vmem>> -> memref<40x128xf32, #tpu.memory_space<vmem>>
          %dma_start3A_441 = arith.constant 0 : i32
          %dma_start3A_442 = tpu.memref_slice %arg5[%add3A_429, %dma_start3A_441] : memref<320000x128xf32, #tpu.memory_space<hbm>> -> memref<40x128xf32, #tpu.memory_space<hbm>>
          tpu.enqueue_dma source(%dma_start3A_442 : memref<40x128xf32, #tpu.memory_space<hbm>>) target(%dma_start3A_440 : memref<40x128xf32, #tpu.memory_space<vmem>>) target_semaphore(%arg14 : memref<!tpu.dma_semaphore, #tpu.memory_space<semaphore_mem>>)
        } else {
        }
      } else {
      }
      %mul3A_319 = arith.constant 6 : i32
      %mul3A_320 = arith.muli %scan3A_273, %mul3A_319 : i32
      %add3A_321 = arith.constant 5 : i32
      %add3A_322 = arith.addi %mul3A_320, %add3A_321 : i32
      %lt3A_323 = arith.constant 250 : i32
      %lt3A_324 = arith.cmpi slt, %add3A_322, %lt3A_323 : i32
      %convert_element_type3A_325 = arith.extui %lt3A_324 : i1 to i32
      %cond3A_326 = arith.constant 0 : i32
      %cond3A_327 = arith.cmpi ne, %convert_element_type3A_325, %cond3A_326 : i32
      scf.if %cond3A_327 {
        %dma_wait3A_328 = arith.constant 2 : i32
        %dma_wait3A_329 = arith.constant 0 : i32
        %dma_wait3A_330 = arith.constant 0 : i32
        %dma_wait3A_331 = tpu.memref_slice %arg7[%dma_wait3A_328, %dma_wait3A_329, %dma_wait3A_330] : memref<3x40x128xf32, #tpu.memory_space<vmem>> -> memref<1x40x128xf32, #tpu.memory_space<vmem>>
        %dma_wait3A_332 = tpu.memref_squeeze %dma_wait3A_331 : memref<1x40x128xf32, #tpu.memory_space<vmem>> -> memref<40x128xf32, #tpu.memory_space<vmem>>
        %dma_wait3A_333 = arith.constant 0 : i32
        %dma_wait3A_334 = arith.constant 0 : i32
        %dma_wait3A_335 = tpu.memref_slice %arg5[%dma_wait3A_333, %dma_wait3A_334] : memref<320000x128xf32, #tpu.memory_space<hbm>> -> memref<40x128xf32, #tpu.memory_space<hbm>>
        %dma_wait3A_336 = arith.constant 0 : i32
        %dma_wait3A_337 = arith.constant 0 : i32
        %dma_wait3A_338 = tpu.memref_slice %arg7[%dma_wait3A_328, %dma_wait3A_336, %dma_wait3A_337] : memref<3x40x128xf32, #tpu.memory_space<vmem>> -> memref<1x40x128xf32, #tpu.memory_space<vmem>>
        %dma_wait3A_339 = tpu.memref_squeeze %dma_wait3A_338 : memref<1x40x128xf32, #tpu.memory_space<vmem>> -> memref<40x128xf32, #tpu.memory_space<vmem>>
        %dma_wait3A_340 = arith.constant 0 : i32
        %dma_wait3A_341 = arith.constant 0 : i32
        %dma_wait3A_342 = tpu.memref_slice %arg5[%dma_wait3A_340, %dma_wait3A_341] : memref<320000x128xf32, #tpu.memory_space<hbm>> -> memref<40x128xf32, #tpu.memory_space<hbm>>
        tpu.wait_dma2 semaphore(%arg15 : memref<!tpu.dma_semaphore, #tpu.memory_space<semaphore_mem>>) src(%dma_wait3A_342 : memref<40x128xf32, #tpu.memory_space<hbm>>) dst(%dma_wait3A_339 : memref<40x128xf32, #tpu.memory_space<vmem>>)
        %dma_wait3A_343 = arith.constant 0 : i32
        %dma_wait3A_344 = arith.constant 2 : i32
        %dma_wait3A_345 = arith.constant 0 : i32
        %dma_wait3A_346 = arith.constant 0 : i32
        %dma_wait3A_347 = tpu.memref_slice %arg8[%dma_wait3A_344, %dma_wait3A_345, %dma_wait3A_346] : memref<3x40x128xf32, #tpu.memory_space<vmem>> -> memref<1x40x128xf32, #tpu.memory_space<vmem>>
        %dma_wait3A_348 = tpu.memref_squeeze %dma_wait3A_347 : memref<1x40x128xf32, #tpu.memory_space<vmem>> -> memref<40x128xf32, #tpu.memory_space<vmem>>
        %dma_wait3A_349 = arith.constant 0 : i32
        %dma_wait3A_350 = tpu.memref_slice %arg10[%dma_wait3A_343, %dma_wait3A_349] : memref<6x40xi32, #tpu.memory_space<vmem>> -> memref<1x40xi32, #tpu.memory_space<vmem>>
        %dma_wait3A_351 = tpu.memref_squeeze %dma_wait3A_350 : memref<1x40xi32, #tpu.memory_space<vmem>> -> memref<40xi32, #tpu.memory_space<vmem>>
        %dma_wait3A_352 = arith.constant 0 : i32
        %dma_wait3A_353 = arith.constant 0 : i32
        %dma_wait3A_354 = tpu.memref_slice %arg2[%dma_wait3A_352, %dma_wait3A_353] : memref<10000x128xf32, #tpu.memory_space<hbm>> -> memref<10000x128xf32, #tpu.memory_space<hbm>>
        tpu.wait_indirect_dma semaphore(%arg15 : memref<!tpu.dma_semaphore, #tpu.memory_space<semaphore_mem>>) src(%dma_wait3A_354 : memref<10000x128xf32, #tpu.memory_space<hbm>>) dst(%dma_wait3A_348 : memref<40x128xf32, #tpu.memory_space<vmem>>)
        %ge3A = arith.constant 2 : i32
        %ge3A_355 = arith.cmpi sge, %add3A_322, %ge3A : i32
        %convert_element_type3A_356 = arith.extui %ge3A_355 : i1 to i32
        %cond3A_357 = arith.constant 0 : i32
        %cond3A_358 = arith.cmpi ne, %convert_element_type3A_356, %cond3A_357 : i32
        scf.if %cond3A_358 {
          %dma_wait3A_391 = arith.constant 1 : i32
          %dma_wait3A_392 = arith.constant 0 : i32
          %dma_wait3A_393 = arith.constant 0 : i32
          %dma_wait3A_394 = arith.constant 0 : i32
          %dma_wait3A_395 = tpu.memref_slice %arg9[%dma_wait3A_391, %dma_wait3A_393, %dma_wait3A_394] : memref<2x40x128xf32, #tpu.memory_space<vmem>> -> memref<1x40x128xf32, #tpu.memory_space<vmem>>
          %dma_wait3A_396 = tpu.memref_squeeze %dma_wait3A_395 : memref<1x40x128xf32, #tpu.memory_space<vmem>> -> memref<40x128xf32, #tpu.memory_space<vmem>>
          %dma_wait3A_397 = arith.constant 0 : i32
          %dma_wait3A_398 = tpu.memref_slice %arg11[%dma_wait3A_392, %dma_wait3A_397] : memref<6x40xi32, #tpu.memory_space<vmem>> -> memref<1x40xi32, #tpu.memory_space<vmem>>
          %dma_wait3A_399 = tpu.memref_squeeze %dma_wait3A_398 : memref<1x40xi32, #tpu.memory_space<vmem>> -> memref<40xi32, #tpu.memory_space<vmem>>
          %dma_wait3A_400 = arith.constant 0 : i32
          %dma_wait3A_401 = arith.constant 0 : i32
          %dma_wait3A_402 = tpu.memref_slice %arg12[%dma_wait3A_400, %dma_wait3A_401] : memref<10000x128xf32, #tpu.memory_space<vmem_shared>> -> memref<10000x128xf32, #tpu.memory_space<vmem_shared>>
          tpu.wait_indirect_dma semaphore(%arg17 : memref<!tpu.dma_semaphore, #tpu.memory_space<semaphore_mem>>) src(%dma_wait3A_396 : memref<40x128xf32, #tpu.memory_space<vmem>>) dst(%dma_wait3A_402 : memref<10000x128xf32, #tpu.memory_space<vmem_shared>>)
        } else {
        }
        %add3A_359 = arith.constant 4 : i32
        %add3A_360 = arith.addi %add3A_322, %add3A_359 : i32
        %lt3A_361 = arith.constant 250 : i32
        %lt3A_362 = arith.cmpi slt, %add3A_360, %lt3A_361 : i32
        %convert_element_type3A_363 = arith.extui %lt3A_362 : i1 to i32
        %cond3A_364 = arith.constant 0 : i32
        %cond3A_365 = arith.cmpi ne, %convert_element_type3A_363, %cond3A_364 : i32
        scf.if %cond3A_365 {
          %add3A_391 = arith.constant 4 : i32
          %add3A_392 = arith.addi %add3A_322, %add3A_391 : i32
          %mul3A_393 = arith.constant 40 : i32
          %mul3A_394 = arith.muli %add3A_392, %mul3A_393 : i32
          %add3A_395 = arith.addi %mul3A_2, %mul3A_394 : i32
          %dma_start3A_396 = arith.constant 3 : i32
          %dma_start3A_397 = arith.constant 0 : i32
          %dma_start3A_398 = tpu.memref_slice %arg10[%dma_start3A_396, %dma_start3A_397] : memref<6x40xi32, #tpu.memory_space<vmem>> -> memref<1x40xi32, #tpu.memory_space<vmem>>
          %dma_start3A_399 = tpu.memref_squeeze %dma_start3A_398 : memref<1x40xi32, #tpu.memory_space<vmem>> -> memref<40xi32, #tpu.memory_space<vmem>>
          %dma_start3A_400 = tpu.memref_slice %arg3[%add3A_395] : memref<320000xi32, #tpu.memory_space<hbm>> -> memref<40xi32, #tpu.memory_space<hbm>>
          %dma_start3A_401 = arith.constant 0 : i32
          %dma_start3A_402 = tpu.memref_slice %arg10[%dma_start3A_396, %dma_start3A_401] : memref<6x40xi32, #tpu.memory_space<vmem>> -> memref<1x40xi32, #tpu.memory_space<vmem>>
          %dma_start3A_403 = tpu.memref_squeeze %dma_start3A_402 : memref<1x40xi32, #tpu.memory_space<vmem>> -> memref<40xi32, #tpu.memory_space<vmem>>
          %dma_start3A_404 = tpu.memref_slice %arg3[%add3A_395] : memref<320000xi32, #tpu.memory_space<hbm>> -> memref<40xi32, #tpu.memory_space<hbm>>
          tpu.enqueue_dma source(%dma_start3A_404 : memref<40xi32, #tpu.memory_space<hbm>>) target(%dma_start3A_403 : memref<40xi32, #tpu.memory_space<vmem>>) target_semaphore(%arg21 : memref<!tpu.dma_semaphore, #tpu.memory_space<semaphore_mem>>)
          %mul3A_405 = arith.constant 40 : i32
          %mul3A_406 = arith.muli %add3A_392, %mul3A_405 : i32
          %add3A_407 = arith.addi %mul3A_2, %mul3A_406 : i32
          %dma_start3A_408 = arith.constant 3 : i32
          %dma_start3A_409 = arith.constant 0 : i32
          %dma_start3A_410 = tpu.memref_slice %arg11[%dma_start3A_408, %dma_start3A_409] : memref<6x40xi32, #tpu.memory_space<vmem>> -> memref<1x40xi32, #tpu.memory_space<vmem>>
          %dma_start3A_411 = tpu.memref_squeeze %dma_start3A_410 : memref<1x40xi32, #tpu.memory_space<vmem>> -> memref<40xi32, #tpu.memory_space<vmem>>
          %dma_start3A_412 = tpu.memref_slice %arg4[%add3A_407] : memref<320000xi32, #tpu.memory_space<hbm>> -> memref<40xi32, #tpu.memory_space<hbm>>
          %dma_start3A_413 = arith.constant 0 : i32
          %dma_start3A_414 = tpu.memref_slice %arg11[%dma_start3A_408, %dma_start3A_413] : memref<6x40xi32, #tpu.memory_space<vmem>> -> memref<1x40xi32, #tpu.memory_space<vmem>>
          %dma_start3A_415 = tpu.memref_squeeze %dma_start3A_414 : memref<1x40xi32, #tpu.memory_space<vmem>> -> memref<40xi32, #tpu.memory_space<vmem>>
          %dma_start3A_416 = tpu.memref_slice %arg4[%add3A_407] : memref<320000xi32, #tpu.memory_space<hbm>> -> memref<40xi32, #tpu.memory_space<hbm>>
          tpu.enqueue_dma source(%dma_start3A_416 : memref<40xi32, #tpu.memory_space<hbm>>) target(%dma_start3A_415 : memref<40xi32, #tpu.memory_space<vmem>>) target_semaphore(%arg21 : memref<!tpu.dma_semaphore, #tpu.memory_space<semaphore_mem>>)
        } else {
        }
        %scan3A_366 = arith.constant 0 : i32
        %scan3A_367 = arith.constant 0 : i32
        %scan3A_368 = arith.constant 40 : i32
        %scan3A_369 = arith.addi %scan3A_367, %scan3A_368 : i32
        %scan3A_370 = arith.constant 1 : i32
        scf.for %scan3A_391 = %scan3A_367 to %scan3A_369 step %scan3A_370  : i32 {
          %get3A = arith.constant 2 : i32
          %get3A_392 = arith.index_cast %get3A : i32 to index
          %get3A_393 = arith.index_cast %scan3A_391 : i32 to index
          %get3A_394 = arith.constant 0 : index
          %get3A_395 = tpu.vector_load %arg7[%get3A_392, %get3A_393, %get3A_394] {strides = array<i32>} : memref<3x40x128xf32, #tpu.memory_space<vmem>>, vector<1x1x16xf32>,
          %get3A_396 = vector.shape_cast %get3A_395 : vector<1x1x16xf32> to vector<16xf32>
          %get3A_397 = arith.constant 2 : i32
          %get3A_398 = arith.index_cast %get3A_397 : i32 to index
          %get3A_399 = arith.index_cast %scan3A_391 : i32 to index
          %get3A_400 = arith.constant 0 : index
          %get3A_401 = tpu.vector_load %arg8[%get3A_398, %get3A_399, %get3A_400] {strides = array<i32>} : memref<3x40x128xf32, #tpu.memory_space<vmem>>, vector<1x1x16xf32>,
          %get3A_402 = vector.shape_cast %get3A_401 : vector<1x1x16xf32> to vector<16xf32>
          %add3A_403 = arith.addf %get3A_396, %get3A_402 : vector<16xf32>
          %max3A = arith.constant 0.000000e+00 : f32
          %max3A_404 = vector.broadcast %max3A : f32 to vector<16xf32>
          %max3A_405 = arith.maximumf %add3A_403, %max3A_404 : vector<16xf32>
          %swap3A = arith.constant 1 : i32
          %swap3A_406 = arith.index_cast %swap3A : i32 to index
          %swap3A_407 = arith.index_cast %scan3A_391 : i32 to index
          %swap3A_408 = arith.constant 0 : index
          %swap3A_409 = tpu.vector_load %arg9[%swap3A_406, %swap3A_407, %swap3A_408] {strides = array<i32>} : memref<2x40x128xf32, #tpu.memory_space<vmem>>, vector<1x1x16xf32>,
          %swap3A_410 = vector.shape_cast %swap3A_409 : vector<1x1x16xf32> to vector<16xf32>
          %swap3A_411 = vector.shape_cast %max3A_405 : vector<16xf32> to vector<1x1x16xf32>
          tpu.vector_store %arg9[%swap3A_406, %swap3A_407, %swap3A_408], %swap3A_411 {strides = array<i32>} : memref<2x40x128xf32, #tpu.memory_space<vmem>>, vector<1x1x16xf32>,
          %get3A_412 = arith.constant 2 : i32
          %get3A_413 = arith.index_cast %get3A_412 : i32 to index
          %get3A_414 = arith.index_cast %scan3A_391 : i32 to index
          %get3A_415 = arith.constant 16 : index
          %get3A_416 = tpu.vector_load %arg7[%get3A_413, %get3A_414, %get3A_415] {strides = array<i32>} : memref<3x40x128xf32, #tpu.memory_space<vmem>>, vector<1x1x16xf32>,
          %get3A_417 = vector.shape_cast %get3A_416 : vector<1x1x16xf32> to vector<16xf32>
          %get3A_418 = arith.constant 2 : i32
          %get3A_419 = arith.index_cast %get3A_418 : i32 to index
          %get3A_420 = arith.index_cast %scan3A_391 : i32 to index
          %get3A_421 = arith.constant 16 : index
          %get3A_422 = tpu.vector_load %arg8[%get3A_419, %get3A_420, %get3A_421] {strides = array<i32>} : memref<3x40x128xf32, #tpu.memory_space<vmem>>, vector<1x1x16xf32>,
          %get3A_423 = vector.shape_cast %get3A_422 : vector<1x1x16xf32> to vector<16xf32>
          %add3A_424 = arith.addf %get3A_417, %get3A_423 : vector<16xf32>
          %max3A_425 = arith.constant 0.000000e+00 : f32
          %max3A_426 = vector.broadcast %max3A_425 : f32 to vector<16xf32>
          %max3A_427 = arith.maximumf %add3A_424, %max3A_426 : vector<16xf32>
          %swap3A_428 = arith.constant 1 : i32
          %swap3A_429 = arith.index_cast %swap3A_428 : i32 to index
          %swap3A_430 = arith.index_cast %scan3A_391 : i32 to index
          %swap3A_431 = arith.constant 16 : index
          %swap3A_432 = tpu.vector_load %arg9[%swap3A_429, %swap3A_430, %swap3A_431] {strides = array<i32>} : memref<2x40x128xf32, #tpu.memory_space<vmem>>, vector<1x1x16xf32>,
          %swap3A_433 = vector.shape_cast %swap3A_432 : vector<1x1x16xf32> to vector<16xf32>
          %swap3A_434 = vector.shape_cast %max3A_427 : vector<16xf32> to vector<1x1x16xf32>
          tpu.vector_store %arg9[%swap3A_429, %swap3A_430, %swap3A_431], %swap3A_434 {strides = array<i32>} : memref<2x40x128xf32, #tpu.memory_space<vmem>>, vector<1x1x16xf32>,
          %get3A_435 = arith.constant 2 : i32
          %get3A_436 = arith.index_cast %get3A_435 : i32 to index
          %get3A_437 = arith.index_cast %scan3A_391 : i32 to index
          %get3A_438 = arith.constant 32 : index
          %get3A_439 = tpu.vector_load %arg7[%get3A_436, %get3A_437, %get3A_438] {strides = array<i32>} : memref<3x40x128xf32, #tpu.memory_space<vmem>>, vector<1x1x16xf32>,
          %get3A_440 = vector.shape_cast %get3A_439 : vector<1x1x16xf32> to vector<16xf32>
          %get3A_441 = arith.constant 2 : i32
          %get3A_442 = arith.index_cast %get3A_441 : i32 to index
          %get3A_443 = arith.index_cast %scan3A_391 : i32 to index
          %get3A_444 = arith.constant 32 : index
          %get3A_445 = tpu.vector_load %arg8[%get3A_442, %get3A_443, %get3A_444] {strides = array<i32>} : memref<3x40x128xf32, #tpu.memory_space<vmem>>, vector<1x1x16xf32>,
          %get3A_446 = vector.shape_cast %get3A_445 : vector<1x1x16xf32> to vector<16xf32>
          %add3A_447 = arith.addf %get3A_440, %get3A_446 : vector<16xf32>
          %max3A_448 = arith.constant 0.000000e+00 : f32
          %max3A_449 = vector.broadcast %max3A_448 : f32 to vector<16xf32>
          %max3A_450 = arith.maximumf %add3A_447, %max3A_449 : vector<16xf32>
          %swap3A_451 = arith.constant 1 : i32
          %swap3A_452 = arith.index_cast %swap3A_451 : i32 to index
          %swap3A_453 = arith.index_cast %scan3A_391 : i32 to index
          %swap3A_454 = arith.constant 32 : index
          %swap3A_455 = tpu.vector_load %arg9[%swap3A_452, %swap3A_453, %swap3A_454] {strides = array<i32>} : memref<2x40x128xf32, #tpu.memory_space<vmem>>, vector<1x1x16xf32>,
          %swap3A_456 = vector.shape_cast %swap3A_455 : vector<1x1x16xf32> to vector<16xf32>
          %swap3A_457 = vector.shape_cast %max3A_450 : vector<16xf32> to vector<1x1x16xf32>
          tpu.vector_store %arg9[%swap3A_452, %swap3A_453, %swap3A_454], %swap3A_457 {strides = array<i32>} : memref<2x40x128xf32, #tpu.memory_space<vmem>>, vector<1x1x16xf32>,
          %get3A_458 = arith.constant 2 : i32
          %get3A_459 = arith.index_cast %get3A_458 : i32 to index
          %get3A_460 = arith.index_cast %scan3A_391 : i32 to index
          %get3A_461 = arith.constant 48 : index
          %get3A_462 = tpu.vector_load %arg7[%get3A_459, %get3A_460, %get3A_461] {strides = array<i32>} : memref<3x40x128xf32, #tpu.memory_space<vmem>>, vector<1x1x16xf32>,
          %get3A_463 = vector.shape_cast %get3A_462 : vector<1x1x16xf32> to vector<16xf32>
          %get3A_464 = arith.constant 2 : i32
          %get3A_465 = arith.index_cast %get3A_464 : i32 to index
          %get3A_466 = arith.index_cast %scan3A_391 : i32 to index
          %get3A_467 = arith.constant 48 : index
          %get3A_468 = tpu.vector_load %arg8[%get3A_465, %get3A_466, %get3A_467] {strides = array<i32>} : memref<3x40x128xf32, #tpu.memory_space<vmem>>, vector<1x1x16xf32>,
          %get3A_469 = vector.shape_cast %get3A_468 : vector<1x1x16xf32> to vector<16xf32>
          %add3A_470 = arith.addf %get3A_463, %get3A_469 : vector<16xf32>
          %max3A_471 = arith.constant 0.000000e+00 : f32
          %max3A_472 = vector.broadcast %max3A_471 : f32 to vector<16xf32>
          %max3A_473 = arith.maximumf %add3A_470, %max3A_472 : vector<16xf32>
          %swap3A_474 = arith.constant 1 : i32
          %swap3A_475 = arith.index_cast %swap3A_474 : i32 to index
          %swap3A_476 = arith.index_cast %scan3A_391 : i32 to index
          %swap3A_477 = arith.constant 48 : index
          %swap3A_478 = tpu.vector_load %arg9[%swap3A_475, %swap3A_476, %swap3A_477] {strides = array<i32>} : memref<2x40x128xf32, #tpu.memory_space<vmem>>, vector<1x1x16xf32>,
          %swap3A_479 = vector.shape_cast %swap3A_478 : vector<1x1x16xf32> to vector<16xf32>
          %swap3A_480 = vector.shape_cast %max3A_473 : vector<16xf32> to vector<1x1x16xf32>
          tpu.vector_store %arg9[%swap3A_475, %swap3A_476, %swap3A_477], %swap3A_480 {strides = array<i32>} : memref<2x40x128xf32, #tpu.memory_space<vmem>>, vector<1x1x16xf32>,
          %get3A_481 = arith.constant 2 : i32
          %get3A_482 = arith.index_cast %get3A_481 : i32 to index
          %get3A_483 = arith.index_cast %scan3A_391 : i32 to index
          %get3A_484 = arith.constant 64 : index
          %get3A_485 = tpu.vector_load %arg7[%get3A_482, %get3A_483, %get3A_484] {strides = array<i32>} : memref<3x40x128xf32, #tpu.memory_space<vmem>>, vector<1x1x16xf32>,
          %get3A_486 = vector.shape_cast %get3A_485 : vector<1x1x16xf32> to vector<16xf32>
          %get3A_487 = arith.constant 2 : i32
          %get3A_488 = arith.index_cast %get3A_487 : i32 to index
          %get3A_489 = arith.index_cast %scan3A_391 : i32 to index
          %get3A_490 = arith.constant 64 : index
          %get3A_491 = tpu.vector_load %arg8[%get3A_488, %get3A_489, %get3A_490] {strides = array<i32>} : memref<3x40x128xf32, #tpu.memory_space<vmem>>, vector<1x1x16xf32>,
          %get3A_492 = vector.shape_cast %get3A_491 : vector<1x1x16xf32> to vector<16xf32>
          %add3A_493 = arith.addf %get3A_486, %get3A_492 : vector<16xf32>
          %max3A_494 = arith.constant 0.000000e+00 : f32
          %max3A_495 = vector.broadcast %max3A_494 : f32 to vector<16xf32>
          %max3A_496 = arith.maximumf %add3A_493, %max3A_495 : vector<16xf32>
          %swap3A_497 = arith.constant 1 : i32
          %swap3A_498 = arith.index_cast %swap3A_497 : i32 to index
          %swap3A_499 = arith.index_cast %scan3A_391 : i32 to index
          %swap3A_500 = arith.constant 64 : index
          %swap3A_501 = tpu.vector_load %arg9[%swap3A_498, %swap3A_499, %swap3A_500] {strides = array<i32>} : memref<2x40x128xf32, #tpu.memory_space<vmem>>, vector<1x1x16xf32>,
          %swap3A_502 = vector.shape_cast %swap3A_501 : vector<1x1x16xf32> to vector<16xf32>
          %swap3A_503 = vector.shape_cast %max3A_496 : vector<16xf32> to vector<1x1x16xf32>
          tpu.vector_store %arg9[%swap3A_498, %swap3A_499, %swap3A_500], %swap3A_503 {strides = array<i32>} : memref<2x40x128xf32, #tpu.memory_space<vmem>>, vector<1x1x16xf32>,
          %get3A_504 = arith.constant 2 : i32
          %get3A_505 = arith.index_cast %get3A_504 : i32 to index
          %get3A_506 = arith.index_cast %scan3A_391 : i32 to index
          %get3A_507 = arith.constant 80 : index
          %get3A_508 = tpu.vector_load %arg7[%get3A_505, %get3A_506, %get3A_507] {strides = array<i32>} : memref<3x40x128xf32, #tpu.memory_space<vmem>>, vector<1x1x16xf32>,
          %get3A_509 = vector.shape_cast %get3A_508 : vector<1x1x16xf32> to vector<16xf32>
          %get3A_510 = arith.constant 2 : i32
          %get3A_511 = arith.index_cast %get3A_510 : i32 to index
          %get3A_512 = arith.index_cast %scan3A_391 : i32 to index
          %get3A_513 = arith.constant 80 : index
          %get3A_514 = tpu.vector_load %arg8[%get3A_511, %get3A_512, %get3A_513] {strides = array<i32>} : memref<3x40x128xf32, #tpu.memory_space<vmem>>, vector<1x1x16xf32>,
          %get3A_515 = vector.shape_cast %get3A_514 : vector<1x1x16xf32> to vector<16xf32>
          %add3A_516 = arith.addf %get3A_509, %get3A_515 : vector<16xf32>
          %max3A_517 = arith.constant 0.000000e+00 : f32
          %max3A_518 = vector.broadcast %max3A_517 : f32 to vector<16xf32>
          %max3A_519 = arith.maximumf %add3A_516, %max3A_518 : vector<16xf32>
          %swap3A_520 = arith.constant 1 : i32
          %swap3A_521 = arith.index_cast %swap3A_520 : i32 to index
          %swap3A_522 = arith.index_cast %scan3A_391 : i32 to index
          %swap3A_523 = arith.constant 80 : index
          %swap3A_524 = tpu.vector_load %arg9[%swap3A_521, %swap3A_522, %swap3A_523] {strides = array<i32>} : memref<2x40x128xf32, #tpu.memory_space<vmem>>, vector<1x1x16xf32>,
          %swap3A_525 = vector.shape_cast %swap3A_524 : vector<1x1x16xf32> to vector<16xf32>
          %swap3A_526 = vector.shape_cast %max3A_519 : vector<16xf32> to vector<1x1x16xf32>
          tpu.vector_store %arg9[%swap3A_521, %swap3A_522, %swap3A_523], %swap3A_526 {strides = array<i32>} : memref<2x40x128xf32, #tpu.memory_space<vmem>>, vector<1x1x16xf32>,
          %get3A_527 = arith.constant 2 : i32
          %get3A_528 = arith.index_cast %get3A_527 : i32 to index
          %get3A_529 = arith.index_cast %scan3A_391 : i32 to index
          %get3A_530 = arith.constant 96 : index
          %get3A_531 = tpu.vector_load %arg7[%get3A_528, %get3A_529, %get3A_530] {strides = array<i32>} : memref<3x40x128xf32, #tpu.memory_space<vmem>>, vector<1x1x16xf32>,
          %get3A_532 = vector.shape_cast %get3A_531 : vector<1x1x16xf32> to vector<16xf32>
          %get3A_533 = arith.constant 2 : i32
          %get3A_534 = arith.index_cast %get3A_533 : i32 to index
          %get3A_535 = arith.index_cast %scan3A_391 : i32 to index
          %get3A_536 = arith.constant 96 : index
          %get3A_537 = tpu.vector_load %arg8[%get3A_534, %get3A_535, %get3A_536] {strides = array<i32>} : memref<3x40x128xf32, #tpu.memory_space<vmem>>, vector<1x1x16xf32>,
          %get3A_538 = vector.shape_cast %get3A_537 : vector<1x1x16xf32> to vector<16xf32>
          %add3A_539 = arith.addf %get3A_532, %get3A_538 : vector<16xf32>
          %max3A_540 = arith.constant 0.000000e+00 : f32
          %max3A_541 = vector.broadcast %max3A_540 : f32 to vector<16xf32>
          %max3A_542 = arith.maximumf %add3A_539, %max3A_541 : vector<16xf32>
          %swap3A_543 = arith.constant 1 : i32
          %swap3A_544 = arith.index_cast %swap3A_543 : i32 to index
          %swap3A_545 = arith.index_cast %scan3A_391 : i32 to index
          %swap3A_546 = arith.constant 96 : index
          %swap3A_547 = tpu.vector_load %arg9[%swap3A_544, %swap3A_545, %swap3A_546] {strides = array<i32>} : memref<2x40x128xf32, #tpu.memory_space<vmem>>, vector<1x1x16xf32>,
          %swap3A_548 = vector.shape_cast %swap3A_547 : vector<1x1x16xf32> to vector<16xf32>
          %swap3A_549 = vector.shape_cast %max3A_542 : vector<16xf32> to vector<1x1x16xf32>
          tpu.vector_store %arg9[%swap3A_544, %swap3A_545, %swap3A_546], %swap3A_549 {strides = array<i32>} : memref<2x40x128xf32, #tpu.memory_space<vmem>>, vector<1x1x16xf32>,
          %get3A_550 = arith.constant 2 : i32
          %get3A_551 = arith.index_cast %get3A_550 : i32 to index
          %get3A_552 = arith.index_cast %scan3A_391 : i32 to index
          %get3A_553 = arith.constant 112 : index
          %get3A_554 = tpu.vector_load %arg7[%get3A_551, %get3A_552, %get3A_553] {strides = array<i32>} : memref<3x40x128xf32, #tpu.memory_space<vmem>>, vector<1x1x16xf32>,
          %get3A_555 = vector.shape_cast %get3A_554 : vector<1x1x16xf32> to vector<16xf32>
          %get3A_556 = arith.constant 2 : i32
          %get3A_557 = arith.index_cast %get3A_556 : i32 to index
          %get3A_558 = arith.index_cast %scan3A_391 : i32 to index
          %get3A_559 = arith.constant 112 : index
          %get3A_560 = tpu.vector_load %arg8[%get3A_557, %get3A_558, %get3A_559] {strides = array<i32>} : memref<3x40x128xf32, #tpu.memory_space<vmem>>, vector<1x1x16xf32>,
          %get3A_561 = vector.shape_cast %get3A_560 : vector<1x1x16xf32> to vector<16xf32>
          %add3A_562 = arith.addf %get3A_555, %get3A_561 : vector<16xf32>
          %max3A_563 = arith.constant 0.000000e+00 : f32
          %max3A_564 = vector.broadcast %max3A_563 : f32 to vector<16xf32>
          %max3A_565 = arith.maximumf %add3A_562, %max3A_564 : vector<16xf32>
          %swap3A_566 = arith.constant 1 : i32
          %swap3A_567 = arith.index_cast %swap3A_566 : i32 to index
          %swap3A_568 = arith.index_cast %scan3A_391 : i32 to index
          %swap3A_569 = arith.constant 112 : index
          %swap3A_570 = tpu.vector_load %arg9[%swap3A_567, %swap3A_568, %swap3A_569] {strides = array<i32>} : memref<2x40x128xf32, #tpu.memory_space<vmem>>, vector<1x1x16xf32>,
          %swap3A_571 = vector.shape_cast %swap3A_570 : vector<1x1x16xf32> to vector<16xf32>
          %swap3A_572 = vector.shape_cast %max3A_565 : vector<16xf32> to vector<1x1x16xf32>
          tpu.vector_store %arg9[%swap3A_567, %swap3A_568, %swap3A_569], %swap3A_572 {strides = array<i32>} : memref<2x40x128xf32, #tpu.memory_space<vmem>>, vector<1x1x16xf32>,
        }
        %scan3A_371 = arith.constant 40 : i32
        %dma_start3A_372 = arith.constant 1 : i32
        %dma_start3A_373 = arith.constant 5 : i32
        %dma_start3A_374 = arith.constant 0 : i32
        %dma_start3A_375 = arith.constant 0 : i32
        %dma_start3A_376 = tpu.memref_slice %arg9[%dma_start3A_372, %dma_start3A_374, %dma_start3A_375] : memref<2x40x128xf32, #tpu.memory_space<vmem>> -> memref<1x40x128xf32, #tpu.memory_space<vmem>>
        %dma_start3A_377 = tpu.memref_squeeze %dma_start3A_376 : memref<1x40x128xf32, #tpu.memory_space<vmem>> -> memref<40x128xf32, #tpu.memory_space<vmem>>
        %dma_start3A_378 = arith.constant 0 : i32
        %dma_start3A_379 = tpu.memref_slice %arg11[%dma_start3A_373, %dma_start3A_378] : memref<6x40xi32, #tpu.memory_space<vmem>> -> memref<1x40xi32, #tpu.memory_space<vmem>>
        %dma_start3A_380 = tpu.memref_squeeze %dma_start3A_379 : memref<1x40xi32, #tpu.memory_space<vmem>> -> memref<40xi32, #tpu.memory_space<vmem>>
        %dma_start3A_381 = arith.constant 0 : i32
        %dma_start3A_382 = arith.constant 0 : i32
        %dma_start3A_383 = tpu.memref_slice %arg12[%dma_start3A_381, %dma_start3A_382] : memref<10000x128xf32, #tpu.memory_space<vmem_shared>> -> memref<10000x128xf32, #tpu.memory_space<vmem_shared>>
        tpu.enqueue_indirect_dma source(%dma_start3A_377 : memref<40x128xf32, #tpu.memory_space<vmem>>) target(%dma_start3A_383 : memref<10000x128xf32, #tpu.memory_space<vmem_shared>>) offsets(%dma_start3A_380 : memref<40xi32, #tpu.memory_space<vmem>>) semaphore(%arg17 : memref<!tpu.dma_semaphore, #tpu.memory_space<semaphore_mem>>) {add = true}
        %add3A_384 = arith.constant 3 : i32
        %add3A_385 = arith.addi %add3A_322, %add3A_384 : i32
        %lt3A_386 = arith.constant 250 : i32
        %lt3A_387 = arith.cmpi slt, %add3A_385, %lt3A_386 : i32
        %convert_element_type3A_388 = arith.extui %lt3A_387 : i1 to i32
        %cond3A_389 = arith.constant 0 : i32
        %cond3A_390 = arith.cmpi ne, %convert_element_type3A_388, %cond3A_389 : i32
        scf.if %cond3A_390 {
          %dma_wait3A_391 = arith.constant 2 : i32
          %dma_wait3A_392 = arith.constant 0 : i32
          %dma_wait3A_393 = tpu.memref_slice %arg10[%dma_wait3A_391, %dma_wait3A_392] : memref<6x40xi32, #tpu.memory_space<vmem>> -> memref<1x40xi32, #tpu.memory_space<vmem>>
          %dma_wait3A_394 = tpu.memref_squeeze %dma_wait3A_393 : memref<1x40xi32, #tpu.memory_space<vmem>> -> memref<40xi32, #tpu.memory_space<vmem>>
          %dma_wait3A_395 = arith.constant 0 : i32
          %dma_wait3A_396 = tpu.memref_slice %arg3[%dma_wait3A_395] : memref<320000xi32, #tpu.memory_space<hbm>> -> memref<40xi32, #tpu.memory_space<hbm>>
          %dma_wait3A_397 = arith.constant 0 : i32
          %dma_wait3A_398 = tpu.memref_slice %arg10[%dma_wait3A_391, %dma_wait3A_397] : memref<6x40xi32, #tpu.memory_space<vmem>> -> memref<1x40xi32, #tpu.memory_space<vmem>>
          %dma_wait3A_399 = tpu.memref_squeeze %dma_wait3A_398 : memref<1x40xi32, #tpu.memory_space<vmem>> -> memref<40xi32, #tpu.memory_space<vmem>>
          %dma_wait3A_400 = arith.constant 0 : i32
          %dma_wait3A_401 = tpu.memref_slice %arg3[%dma_wait3A_400] : memref<320000xi32, #tpu.memory_space<hbm>> -> memref<40xi32, #tpu.memory_space<hbm>>
          tpu.wait_dma2 semaphore(%arg20 : memref<!tpu.dma_semaphore, #tpu.memory_space<semaphore_mem>>) src(%dma_wait3A_401 : memref<40xi32, #tpu.memory_space<hbm>>) dst(%dma_wait3A_399 : memref<40xi32, #tpu.memory_space<vmem>>)
          %dma_wait3A_402 = arith.constant 2 : i32
          %dma_wait3A_403 = arith.constant 0 : i32
          %dma_wait3A_404 = tpu.memref_slice %arg11[%dma_wait3A_402, %dma_wait3A_403] : memref<6x40xi32, #tpu.memory_space<vmem>> -> memref<1x40xi32, #tpu.memory_space<vmem>>
          %dma_wait3A_405 = tpu.memref_squeeze %dma_wait3A_404 : memref<1x40xi32, #tpu.memory_space<vmem>> -> memref<40xi32, #tpu.memory_space<vmem>>
          %dma_wait3A_406 = arith.constant 0 : i32
          %dma_wait3A_407 = tpu.memref_slice %arg4[%dma_wait3A_406] : memref<320000xi32, #tpu.memory_space<hbm>> -> memref<40xi32, #tpu.memory_space<hbm>>
          %dma_wait3A_408 = arith.constant 0 : i32
          %dma_wait3A_409 = tpu.memref_slice %arg11[%dma_wait3A_402, %dma_wait3A_408] : memref<6x40xi32, #tpu.memory_space<vmem>> -> memref<1x40xi32, #tpu.memory_space<vmem>>
          %dma_wait3A_410 = tpu.memref_squeeze %dma_wait3A_409 : memref<1x40xi32, #tpu.memory_space<vmem>> -> memref<40xi32, #tpu.memory_space<vmem>>
          %dma_wait3A_411 = arith.constant 0 : i32
          %dma_wait3A_412 = tpu.memref_slice %arg4[%dma_wait3A_411] : memref<320000xi32, #tpu.memory_space<hbm>> -> memref<40xi32, #tpu.memory_space<hbm>>
          tpu.wait_dma2 semaphore(%arg20 : memref<!tpu.dma_semaphore, #tpu.memory_space<semaphore_mem>>) src(%dma_wait3A_412 : memref<40xi32, #tpu.memory_space<hbm>>) dst(%dma_wait3A_410 : memref<40xi32, #tpu.memory_space<vmem>>)
          %add3A_413 = arith.constant 3 : i32
          %add3A_414 = arith.addi %add3A_322, %add3A_413 : i32
          %dma_start3A_415 = arith.constant 2 : i32
          %dma_start3A_416 = arith.constant 2 : i32
          %dma_start3A_417 = arith.constant 0 : i32
          %dma_start3A_418 = arith.constant 0 : i32
          %dma_start3A_419 = tpu.memref_slice %arg8[%dma_start3A_416, %dma_start3A_417, %dma_start3A_418] : memref<3x40x128xf32, #tpu.memory_space<vmem>> -> memref<1x40x128xf32, #tpu.memory_space<vmem>>
          %dma_start3A_420 = tpu.memref_squeeze %dma_start3A_419 : memref<1x40x128xf32, #tpu.memory_space<vmem>> -> memref<40x128xf32, #tpu.memory_space<vmem>>
          %dma_start3A_421 = arith.constant 0 : i32
          %dma_start3A_422 = tpu.memref_slice %arg10[%dma_start3A_415, %dma_start3A_421] : memref<6x40xi32, #tpu.memory_space<vmem>> -> memref<1x40xi32, #tpu.memory_space<vmem>>
          %dma_start3A_423 = tpu.memref_squeeze %dma_start3A_422 : memref<1x40xi32, #tpu.memory_space<vmem>> -> memref<40xi32, #tpu.memory_space<vmem>>
          %dma_start3A_424 = arith.constant 0 : i32
          %dma_start3A_425 = arith.constant 0 : i32
          %dma_start3A_426 = tpu.memref_slice %arg2[%dma_start3A_424, %dma_start3A_425] : memref<10000x128xf32, #tpu.memory_space<hbm>> -> memref<10000x128xf32, #tpu.memory_space<hbm>>
          tpu.enqueue_indirect_dma source(%dma_start3A_426 : memref<10000x128xf32, #tpu.memory_space<hbm>>) target(%dma_start3A_420 : memref<40x128xf32, #tpu.memory_space<vmem>>) offsets(%dma_start3A_423 : memref<40xi32, #tpu.memory_space<vmem>>) semaphore(%arg15 : memref<!tpu.dma_semaphore, #tpu.memory_space<semaphore_mem>>)
          %mul3A_427 = arith.constant 40 : i32
          %mul3A_428 = arith.muli %add3A_414, %mul3A_427 : i32
          %add3A_429 = arith.addi %mul3A_2, %mul3A_428 : i32
          %dma_start3A_430 = arith.constant 2 : i32
          %dma_start3A_431 = arith.constant 0 : i32
          %dma_start3A_432 = arith.constant 0 : i32
          %dma_start3A_433 = tpu.memref_slice %arg7[%dma_start3A_430, %dma_start3A_431, %dma_start3A_432] : memref<3x40x128xf32, #tpu.memory_space<vmem>> -> memref<1x40x128xf32, #tpu.memory_space<vmem>>
          %dma_start3A_434 = tpu.memref_squeeze %dma_start3A_433 : memref<1x40x128xf32, #tpu.memory_space<vmem>> -> memref<40x128xf32, #tpu.memory_space<vmem>>
          %dma_start3A_435 = arith.constant 0 : i32
          %dma_start3A_436 = tpu.memref_slice %arg5[%add3A_429, %dma_start3A_435] : memref<320000x128xf32, #tpu.memory_space<hbm>> -> memref<40x128xf32, #tpu.memory_space<hbm>>
          %dma_start3A_437 = arith.constant 0 : i32
          %dma_start3A_438 = arith.constant 0 : i32
          %dma_start3A_439 = tpu.memref_slice %arg7[%dma_start3A_430, %dma_start3A_437, %dma_start3A_438] : memref<3x40x128xf32, #tpu.memory_space<vmem>> -> memref<1x40x128xf32, #tpu.memory_space<vmem>>
          %dma_start3A_440 = tpu.memref_squeeze %dma_start3A_439 : memref<1x40x128xf32, #tpu.memory_space<vmem>> -> memref<40x128xf32, #tpu.memory_space<vmem>>
          %dma_start3A_441 = arith.constant 0 : i32
          %dma_start3A_442 = tpu.memref_slice %arg5[%add3A_429, %dma_start3A_441] : memref<320000x128xf32, #tpu.memory_space<hbm>> -> memref<40x128xf32, #tpu.memory_space<hbm>>
          tpu.enqueue_dma source(%dma_start3A_442 : memref<40x128xf32, #tpu.memory_space<hbm>>) target(%dma_start3A_440 : memref<40x128xf32, #tpu.memory_space<vmem>>) target_semaphore(%arg15 : memref<!tpu.dma_semaphore, #tpu.memory_space<semaphore_mem>>)
        } else {
        }
      } else {
      }
    }
    %scan3A_242 = arith.constant 42 : i32
    %dma_wait3A_243 = arith.constant 0 : i32
    %dma_wait3A_244 = arith.constant 0 : i32
    %dma_wait3A_245 = arith.constant 0 : i32
    %dma_wait3A_246 = arith.constant 0 : i32
    %dma_wait3A_247 = tpu.memref_slice %arg9[%dma_wait3A_243, %dma_wait3A_245, %dma_wait3A_246] : memref<2x40x128xf32, #tpu.memory_space<vmem>> -> memref<1x40x128xf32, #tpu.memory_space<vmem>>
    %dma_wait3A_248 = tpu.memref_squeeze %dma_wait3A_247 : memref<1x40x128xf32, #tpu.memory_space<vmem>> -> memref<40x128xf32, #tpu.memory_space<vmem>>
    %dma_wait3A_249 = arith.constant 0 : i32
    %dma_wait3A_250 = tpu.memref_slice %arg11[%dma_wait3A_244, %dma_wait3A_249] : memref<6x40xi32, #tpu.memory_space<vmem>> -> memref<1x40xi32, #tpu.memory_space<vmem>>
    %dma_wait3A_251 = tpu.memref_squeeze %dma_wait3A_250 : memref<1x40xi32, #tpu.memory_space<vmem>> -> memref<40xi32, #tpu.memory_space<vmem>>
    %dma_wait3A_252 = arith.constant 0 : i32
    %dma_wait3A_253 = arith.constant 0 : i32
    %dma_wait3A_254 = tpu.memref_slice %arg12[%dma_wait3A_252, %dma_wait3A_253] : memref<10000x128xf32, #tpu.memory_space<vmem_shared>> -> memref<10000x128xf32, #tpu.memory_space<vmem_shared>>
    tpu.wait_indirect_dma semaphore(%arg16 : memref<!tpu.dma_semaphore, #tpu.memory_space<semaphore_mem>>) src(%dma_wait3A_248 : memref<40x128xf32, #tpu.memory_space<vmem>>) dst(%dma_wait3A_254 : memref<10000x128xf32, #tpu.memory_space<vmem_shared>>)
    %dma_wait3A_255 = arith.constant 1 : i32
    %dma_wait3A_256 = arith.constant 0 : i32
    %dma_wait3A_257 = arith.constant 0 : i32
    %dma_wait3A_258 = arith.constant 0 : i32
    %dma_wait3A_259 = tpu.memref_slice %arg9[%dma_wait3A_255, %dma_wait3A_257, %dma_wait3A_258] : memref<2x40x128xf32, #tpu.memory_space<vmem>> -> memref<1x40x128xf32, #tpu.memory_space<vmem>>
    %dma_wait3A_260 = tpu.memref_squeeze %dma_wait3A_259 : memref<1x40x128xf32, #tpu.memory_space<vmem>> -> memref<40x128xf32, #tpu.memory_space<vmem>>
    %dma_wait3A_261 = arith.constant 0 : i32
    %dma_wait3A_262 = tpu.memref_slice %arg11[%dma_wait3A_256, %dma_wait3A_261] : memref<6x40xi32, #tpu.memory_space<vmem>> -> memref<1x40xi32, #tpu.memory_space<vmem>>
    %dma_wait3A_263 = tpu.memref_squeeze %dma_wait3A_262 : memref<1x40xi32, #tpu.memory_space<vmem>> -> memref<40xi32, #tpu.memory_space<vmem>>
    %dma_wait3A_264 = arith.constant 0 : i32
    %dma_wait3A_265 = arith.constant 0 : i32
    %dma_wait3A_266 = tpu.memref_slice %arg12[%dma_wait3A_264, %dma_wait3A_265] : memref<10000x128xf32, #tpu.memory_space<vmem_shared>> -> memref<10000x128xf32, #tpu.memory_space<vmem_shared>>
    tpu.wait_indirect_dma semaphore(%arg17 : memref<!tpu.dma_semaphore, #tpu.memory_space<semaphore_mem>>) src(%dma_wait3A_260 : memref<40x128xf32, #tpu.memory_space<vmem>>) dst(%dma_wait3A_266 : memref<10000x128xf32, #tpu.memory_space<vmem_shared>>)
    %barrier3A_267 = arith.constant 0 : index
    tpu.barrier barrier_id(%barrier3A_267)
    %lt3A_268 = arith.constant 10 : i32
    %lt3A_269 = arith.cmpi slt, %arg1, %lt3A_268 : i32
    %convert_element_type3A_270 = arith.extui %lt3A_269 : i1 to i32
    %cond3A_271 = arith.constant 0 : i32
    %cond3A_272 = arith.cmpi ne, %convert_element_type3A_270, %cond3A_271 : i32
    scf.if %cond3A_272 {
      %mul3A_273 = arith.constant 1000 : i32
      %mul3A_274 = arith.muli %arg1, %mul3A_273 : i32
      %mul3A_275 = arith.constant 1000 : i32
      %mul3A_276 = arith.muli %arg1, %mul3A_275 : i32
      "tpu.region"() ({
        %run_scoped3A = tpu.sem_alloc : memref<!tpu.dma_semaphore, #tpu.memory_space<semaphore_mem>>
        %dma_start3A_277 = arith.constant 0 : i32
        %dma_start3A_278 = tpu.memref_slice %arg6[%arg0, %mul3A_276, %dma_start3A_277] : memref<2x10000x128xf32, #tpu.memory_space<hbm>> -> memref<1x1000x128xf32, #tpu.memory_space<hbm>>
        %dma_start3A_279 = tpu.memref_squeeze %dma_start3A_278 : memref<1x1000x128xf32, #tpu.memory_space<hbm>> -> memref<1000x128xf32, #tpu.memory_space<hbm>>
        %dma_start3A_280 = arith.constant 0 : i32
        %dma_start3A_281 = tpu.memref_slice %arg12[%mul3A_274, %dma_start3A_280] : memref<10000x128xf32, #tpu.memory_space<vmem_shared>> -> memref<1000x128xf32, #tpu.memory_space<vmem_shared>>
        tpu.enqueue_dma source(%dma_start3A_281 : memref<1000x128xf32, #tpu.memory_space<vmem_shared>>) target(%dma_start3A_279 : memref<1000x128xf32, #tpu.memory_space<hbm>>) target_semaphore(%run_scoped3A : memref<!tpu.dma_semaphore, #tpu.memory_space<semaphore_mem>>)
        %dma_wait3A_282 = arith.constant 0 : i32
        %dma_wait3A_283 = tpu.memref_slice %arg6[%arg0, %mul3A_276, %dma_wait3A_282] : memref<2x10000x128xf32, #tpu.memory_space<hbm>> -> memref<1x1000x128xf32, #tpu.memory_space<hbm>>
        %dma_wait3A_284 = tpu.memref_squeeze %dma_wait3A_283 : memref<1x1000x128xf32, #tpu.memory_space<hbm>> -> memref<1000x128xf32, #tpu.memory_space<hbm>>
        %dma_wait3A_285 = arith.constant 0 : i32
        %dma_wait3A_286 = tpu.memref_slice %arg12[%mul3A_274, %dma_wait3A_285] : memref<10000x128xf32, #tpu.memory_space<vmem_shared>> -> memref<1000x128xf32, #tpu.memory_space<vmem_shared>>
        tpu.wait_dma2 semaphore(%run_scoped3A : memref<!tpu.dma_semaphore, #tpu.memory_space<semaphore_mem>>) src(%dma_wait3A_286 : memref<1000x128xf32, #tpu.memory_space<vmem_shared>>) dst(%dma_wait3A_284 : memref<1000x128xf32, #tpu.memory_space<hbm>>)
        tpu.yield
      }) : () -> ()
    } else {
    }
    return
  }
}

module attributes {stable_mosaic.version = 14 : i64} {
  func.func @_dense_body(%arg0: memref<10000x128xf32, #tpu.memory_space<vmem>>, %arg1: memref<2x10000x128xf32, #tpu.memory_space<vmem>>, %arg2: memref<128x128xf32, #tpu.memory_space<vmem>>, %arg3: memref<1x128xf32, #tpu.memory_space<vmem>>, %arg4: memref<128x128xf32, #tpu.memory_space<vmem>>, %arg5: memref<1x128xf32, #tpu.memory_space<vmem>>, %arg6: memref<1x128xf32, #tpu.memory_space<vmem>>, %arg7: memref<1x128xf32, #tpu.memory_space<vmem>>, %arg8: memref<10000x128xf32, #tpu.memory_space<vmem>>) attributes {dimension_semantics = [], scalar_prefetch = 0 : i64, scratch_operands = 0 : i64, tpu.core_type = #tpu.core_type<tc>} {
    %get3A = arith.constant 0 : index
    %get3A_0 = arith.constant 0 : index
    %get3A_1 = vector.load %arg0[%get3A, %get3A_0] : memref<10000x128xf32, #tpu.memory_space<vmem>>, vector<10000x128xf32>
    %get3A_2 = arith.constant 0 : index
    %get3A_3 = arith.constant 0 : index
    %get3A_4 = arith.constant 0 : index
    %get3A_5 = vector.load %arg1[%get3A_2, %get3A_3, %get3A_4] : memref<2x10000x128xf32, #tpu.memory_space<vmem>>, vector<1x10000x128xf32>
    %get3A_6 = vector.shape_cast %get3A_5 : vector<1x10000x128xf32> to vector<10000x128xf32>
    %get3A_7 = arith.constant 1 : index
    %get3A_8 = arith.constant 0 : index
    %get3A_9 = arith.constant 0 : index
    %get3A_10 = vector.load %arg1[%get3A_7, %get3A_8, %get3A_9] : memref<2x10000x128xf32, #tpu.memory_space<vmem>>, vector<1x10000x128xf32>
    %get3A_11 = vector.shape_cast %get3A_10 : vector<1x10000x128xf32> to vector<10000x128xf32>
    %add3A = arith.addf %get3A_6, %get3A_11 : vector<10000x128xf32>
    %sub3A = arith.subf %add3A, %get3A_1 : vector<10000x128xf32>
    %get3A_12 = arith.constant 0 : index
    %get3A_13 = arith.constant 0 : index
    %get3A_14 = vector.load %arg2[%get3A_12, %get3A_13] : memref<128x128xf32, #tpu.memory_space<vmem>>, vector<128x128xf32>
    %dot_general3A = arith.constant dense<0.000000e+00> : vector<10000x128xf32>
    %dot_general3A_15 = tpu.matmul %sub3A, %get3A_14, %dot_general3A {dimension_numbers = #tpu.dot_dimension_numbers<[1], [0], [0], [1], [0, 0, 1, 1], [], []>, transpose_lhs_hint = false} : vector<10000x128xf32>, vector<128x128xf32>, vector<10000x128xf32> -> vector<10000x128xf32>
    %get3A_16 = arith.constant 0 : index
    %get3A_17 = arith.constant 0 : index
    %get3A_18 = vector.load %arg3[%get3A_16, %get3A_17] : memref<1x128xf32, #tpu.memory_space<vmem>>, vector<1x128xf32>
    %add3A_19 = vector.broadcast %get3A_18 : vector<1x128xf32> to vector<10000x128xf32>
    %add3A_20 = arith.addf %dot_general3A_15, %add3A_19 : vector<10000x128xf32>
    %max3A = arith.constant 0.000000e+00 : f32
    %max3A_21 = vector.broadcast %max3A : f32 to vector<10000x128xf32>
    %max3A_22 = arith.maximumf %add3A_20, %max3A_21 : vector<10000x128xf32>
    %get3A_23 = arith.constant 0 : index
    %get3A_24 = arith.constant 0 : index
    %get3A_25 = vector.load %arg4[%get3A_23, %get3A_24] : memref<128x128xf32, #tpu.memory_space<vmem>>, vector<128x128xf32>
    %dot_general3A_26 = arith.constant dense<0.000000e+00> : vector<10000x128xf32>
    %dot_general3A_27 = tpu.matmul %max3A_22, %get3A_25, %dot_general3A_26 {dimension_numbers = #tpu.dot_dimension_numbers<[1], [0], [0], [1], [0, 0, 1, 1], [], []>, transpose_lhs_hint = false} : vector<10000x128xf32>, vector<128x128xf32>, vector<10000x128xf32> -> vector<10000x128xf32>
    %add3A_28 = arith.addf %get3A_1, %dot_general3A_27 : vector<10000x128xf32>
    %get3A_29 = arith.constant 0 : index
    %get3A_30 = arith.constant 0 : index
    %get3A_31 = vector.load %arg5[%get3A_29, %get3A_30] : memref<1x128xf32, #tpu.memory_space<vmem>>, vector<1x128xf32>
    %add3A_32 = vector.broadcast %get3A_31 : vector<1x128xf32> to vector<10000x128xf32>
    %add3A_33 = arith.addf %add3A_28, %add3A_32 : vector<10000x128xf32>
    %reduce_sum3A = arith.constant dense<0.000000e+00> : vector<128xf32>
    %reduce_sum3A_34 = vector.multi_reduction <add>, %add3A_33, %reduce_sum3A [0] : vector<10000x128xf32> to vector<128xf32>
    %broadcast_in_dim3A = vector.shape_cast %reduce_sum3A_34 : vector<128xf32> to vector<1x128xf32>
    %div3A = arith.constant 1.000000e+04 : f32
    %div3A_35 = vector.broadcast %div3A : f32 to vector<1x128xf32>
    %div3A_36 = arith.divf %broadcast_in_dim3A, %div3A_35 : vector<1x128xf32>
    %sub3A_37 = vector.broadcast %div3A_36 : vector<1x128xf32> to vector<10000x128xf32>
    %sub3A_38 = arith.subf %add3A_33, %sub3A_37 : vector<10000x128xf32>
    %mul3A = arith.mulf %sub3A_38, %sub3A_38 : vector<10000x128xf32>
    %reduce_sum3A_39 = arith.constant dense<0.000000e+00> : vector<128xf32>
    %reduce_sum3A_40 = vector.multi_reduction <add>, %mul3A, %reduce_sum3A_39 [0] : vector<10000x128xf32> to vector<128xf32>
    %broadcast_in_dim3A_41 = vector.shape_cast %reduce_sum3A_40 : vector<128xf32> to vector<1x128xf32>
    %div3A_42 = arith.constant 1.000000e+04 : f32
    %div3A_43 = vector.broadcast %div3A_42 : f32 to vector<1x128xf32>
    %div3A_44 = arith.divf %broadcast_in_dim3A_41, %div3A_43 : vector<1x128xf32>
    %get3A_45 = arith.constant 0 : index
    %get3A_46 = arith.constant 0 : index
    %get3A_47 = vector.load %arg6[%get3A_45, %get3A_46] : memref<1x128xf32, #tpu.memory_space<vmem>>, vector<1x128xf32>
    %mul3A_48 = vector.broadcast %get3A_47 : vector<1x128xf32> to vector<10000x128xf32>
    %mul3A_49 = arith.mulf %mul3A_48, %sub3A_38 : vector<10000x128xf32>
    %add3A_50 = arith.constant 9.99999974E-6 : f32
    %add3A_51 = vector.broadcast %add3A_50 : f32 to vector<1x128xf32>
    %add3A_52 = arith.addf %div3A_44, %add3A_51 : vector<1x128xf32>
    %rsqrt3A = math.rsqrt %add3A_52 : vector<1x128xf32>
    %mul3A_53 = vector.broadcast %rsqrt3A : vector<1x128xf32> to vector<10000x128xf32>
    %mul3A_54 = arith.mulf %mul3A_49, %mul3A_53 : vector<10000x128xf32>
    %get3A_55 = arith.constant 0 : index
    %get3A_56 = arith.constant 0 : index
    %get3A_57 = vector.load %arg7[%get3A_55, %get3A_56] : memref<1x128xf32, #tpu.memory_space<vmem>>, vector<1x128xf32>
    %add3A_58 = vector.broadcast %get3A_57 : vector<1x128xf32> to vector<10000x128xf32>
    %add3A_59 = arith.addf %mul3A_54, %add3A_58 : vector<10000x128xf32>
    %swap3A = arith.constant 0 : index
    %swap3A_60 = arith.constant 0 : index
    %swap3A_61 = vector.load %arg8[%swap3A, %swap3A_60] : memref<10000x128xf32, #tpu.memory_space<vmem>>, vector<10000x128xf32>
    tpu.vector_store %arg8[%swap3A, %swap3A_60], %add3A_59 {strides = array<i32>} : memref<10000x128xf32, #tpu.memory_space<vmem>>, vector<10000x128xf32>,
    return
  }
}

</mosaic_0001>

<sc_bundles>
// kernel: kernel.4.cloned.1.call-start
scs
__scs_entry_jumppad:
0x0: {  	(pc) =	sbr.rel $0x88, $3  }
0x1: {  	(tag) =	ssettag $0x0;
	lr =	simm.s32 $0x1  }
0x2: {  	[smem:$0x3F98] =	sst lr;
	_ =	strace $0xD0000000  }
0x3: {  	_ = 	snop  }
0x4: {  	_ = 	snop  }
0x5: {  	_ = 	snop  }
0x6: {  	_ = 	snop  }
0x7: {  	_ = 	snop  }
__scs_overlays_trampoline_lowered:
0x8: {  	[smem:$0x3FA7] =	sst s0  }
0x9: {  	[smem:$0x3FA8] =	sst s1  }
0xa: {  	[smem:$0x3FA9] =	sst s2  }
0xb: {  	[smem:$0x3FAA] =	sst s3  }
0xc: {  	[smem:$0x3FAB] =	sst s4  }
0xd: {  	[smem:$0x3FAC] =	sst s5  }
0xe: {  	[smem:$0x3FAD] =	sst s6  }
0xf: {  	[smem:$0x3FAE] =	sst s7  }
0x10: {  	[smem:$0x3FAF] =	sst s8  }
0x11: {  	[smem:$0x3FB0] =	sst s9;
	s0 =	simm.s32 @!p0 $0x0  }
0x12: {  	s1 =	sld [smem:$0x3F96];
	s0 =	simm.s32 @p0 $0x1  }
0x13: {  	[smem:$0x3FB1] =	sst s0;
	s0 =	simm.s32 @!p1 $0x0  }
0x14: {  	s2 =	sld [smem:$0x3F95];
	s0 =	simm.s32 @p1 $0x1  }
0x15: {  	[smem:$0x3FB2] =	sst s0;
	s0 =	simm.s32 @!p2 $0x0  }
0x16: {  	s3 =	sld [smem:$0x3FDB];
	s0 =	simm.s32 @p2 $0x1  }
0x17: {  	s4 =	simm.s32 $0x1BF5;
	[smem:$0x3FB4] =	sst s0  }
0x18: {  	s0 =	sld [smem:$0x3F97];
	_ =	swait.ge [sflag:s4], $0x0  }
0x19: {  	s7 =	sld [smem:$0x3F98]  }
0x1a: {  	s8 =	sadd.s32 $0xFFFFE003, lr  }
0x1b: {  	s9 =	sadd.s32 $0xFFFFFEF7, lr;
	s5 =	simm.s32 $0xFFFFFFFF;
	p2 =	slt.u32 s8, $0xFFFFF086  }
0x1c: {  	p1 =	slt.u32 s9, $0xF7A;
	s5 =	simm.s32 @!p2 $0x0  }
0x1d: {  	s5 =	simm.s32 @p1 $0x1;
	p0 =	seq.s32 s7, s2  }
0x1e: {  	s7 =	smul.u32 @!p0 $0xF7A, s2;
	p2 =	seq.s32 @!p0 s5, $0x0  }
0x1f: {  	s9 =	smul.u32 $0xF7A, s1;
	s8 =	simm.s32 @!p0 $0x1BF5;
	p2 =	por !p2, p0  }
0x20: {  	[sflag:s8] =	ssyncset.s32 @!p0 $0xFFFFF086;
	s6 =	sadd.s32 @!p0 s3, s7;
	s7 =	simm.s32 @!p0 $0x108  }
0x21: {  	s3 =	sadd.s32 s3, s9;
	s6 =	sadd.s32 @!p0 $0x88, s6;
	s7 =	simm.s32 @p2 $0x1082  }
0x22: {  	[simem:s7], [sflag:s8] =	dma.local @!p0 [hbm:s6], $0xF7A  }
0x23: {  	s9 =	sor.u32 $0xD0000000, s2;
	s6 =	simm.s32 $0x108;
	_ =	swait.ge @!p0 [sflag:s8], $0x0  }
0x24: {  	s3 =	sadd.s32 $0x88, s3;
	s6 =	simm.s32 @!p1 $0x1082;
	[sflag:s4] =	ssyncset.s32 $0xFFFFF086  }
0x25: {  	[simem:s6], [sflag:s4] =	dma.local [hbm:s3], $0xF7A  }
0x26: {  	[smem:$0x3F98] =	sst s1;
	(tag) =	ssettag s2;
	_ =	strace s9  }
0x27: {  	s1 =	sld [smem:$0x3FA8]  }
0x28: {  	s2 =	sld [smem:$0x3FA9]  }
0x29: {  	s4 =	sld [smem:$0x3FAB]  }
0x2a: {  	p0 =	seq.s32 s5, $0x0;
	s5 =	sld [smem:$0x3FAC]  }
0x2b: {  	s6 =	sld [smem:$0x3FAD]  }
0x2c: {  	s7 =	sld [smem:$0x3FAE]  }
0x2d: {  	s3 =	simm.s32 $0x108;
	s8 =	sld [smem:$0x3FAF]  }
0x2e: {  	s3 =	simm.s32 @!p0 $0x1082;
	s9 =	sld [smem:$0x3FB0]  }
0x2f: {  	lr =	sadd.s32 s0, s3;
	s0 =	sld [smem:$0x3FA7]  }
0x30: {  	s3 =	sld [smem:$0x3FAA]  }
0x31: {  	[smem:$0x3FB3] =	sst s10  }
0x32: {  	s10 =	sld [smem:$0x3FB1];
	_ =	sdelay $0x3  }
0x33: {  	p0 =	seq.s32 s10, $0x1;
	s10 =	sld [smem:$0x3FB3];
	_ =	sdelay $0x3  }
0x34: {  	[smem:$0x3FB3] =	sst s10  }
0x35: {  	s10 =	sld [smem:$0x3FB2];
	_ =	sdelay $0x3  }
0x36: {  	p1 =	seq.s32 s10, $0x1;
	s10 =	sld [smem:$0x3FB3];
	_ =	sdelay $0x3  }
0x37: {  	[smem:$0x3FB3] =	sst s10  }
0x38: {  	s10 =	sld [smem:$0x3FB4]  }
0x39: {  	_ = 	snop;
	(pc) =	sbr.ind lr, $3  }
0x3a: {  	_ = 	snop  }
0x3b: {  	_ = 	snop  }
0x3c: {  	p2 =	seq.s32 s10, $0x1;
	s10 =	sld [smem:$0x3FB3]  }
0x3d: {  	_ =	shalt  }
0x3e: {  	_ =	shalt  }
0x3f: {  	_ =	shalt  }
0x40: {  	_ =	shalt  }
0x41: {  	_ =	shalt  }
0x42: {  	_ =	shalt  }
0x43: {  	_ =	shalt  }
0x44: {  	_ =	shalt  }
0x45: {  	_ =	shalt  }
0x46: {  	_ =	shalt  }
0x47: {  	_ =	shalt  }
0x48: {  	_ =	shalt  }
0x49: {  	_ =	shalt  }
0x4a: {  	_ =	shalt  }
0x4b: {  	_ =	shalt  }
0x4c: {  	_ =	shalt  }
0x4d: {  	_ =	shalt  }
0x4e: {  	_ =	shalt  }
0x4f: {  	_ =	shalt  }
0x50: {  	_ =	shalt  }
0x51: {  	_ =	shalt  }
0x52: {  	_ =	shalt  }
0x53: {  	_ =	shalt  }
0x54: {  	_ =	shalt  }
0x55: {  	_ =	shalt  }
0x56: {  	_ =	shalt  }
0x57: {  	_ =	shalt  }
0x58: {  	_ =	shalt  }
0x59: {  	_ =	shalt  }
0x5a: {  	_ =	shalt  }
0x5b: {  	_ =	shalt  }
0x5c: {  	_ =	shalt  }
0x5d: {  	_ =	shalt  }
0x5e: {  	_ =	shalt  }
0x5f: {  	_ =	shalt  }
0x60: {  	_ =	shalt  }
0x61: {  	_ =	shalt  }
0x62: {  	_ =	shalt  }
0x63: {  	_ =	shalt  }
0x64: {  	_ =	shalt  }
0x65: {  	_ =	shalt  }
0x66: {  	_ =	shalt  }
0x67: {  	_ =	shalt  }
0x68: {  	_ =	shalt  }
0x69: {  	_ =	shalt  }
0x6a: {  	_ =	shalt  }
0x6b: {  	_ =	shalt  }
0x6c: {  	_ =	shalt  }
0x6d: {  	_ =	shalt  }
0x6e: {  	_ =	shalt  }
0x6f: {  	_ =	shalt  }
0x70: {  	_ =	shalt  }
0x71: {  	_ =	shalt  }
0x72: {  	_ =	shalt  }
0x73: {  	_ =	shalt  }
0x74: {  	_ =	shalt  }
0x75: {  	_ =	shalt  }
0x76: {  	_ =	shalt  }
0x77: {  	_ =	shalt  }
0x78: {  	_ =	shalt  }
0x79: {  	_ =	shalt  }
0x7a: {  	_ =	shalt  }
0x7b: {  	_ =	shalt  }
0x7c: {  	_ =	shalt  }
0x7d: {  	_ =	shalt  }
0x7e: {  	_ =	shalt  }
0x7f: {  	_ =	shalt  }
0x80: {  	_ =	shalt  }
0x81: {  	_ =	shalt  }
0x82: {  	_ =	shalt  }
0x83: {  	_ =	shalt  }
0x84: {  	_ =	shalt  }
0x85: {  	_ =	shalt  }
0x86: {  	_ =	shalt  }
0x87: {  	_ =	shalt  }
.Lfunc_end0:
.L_simem_size_0:
called_computation_lowered:
.L_overlay_start_0:
0x88: {  	s2 =	sld [smem:$0x3FD9]  }
0x89: {  	s3 =	sld [smem:$0x3FFE];
	_ =	sdelay $0x1  }
0x8a: {  	s1 =	srdreg.scid  }
0x8b: {  	s0 =	sand.u32 $0x1, s1  }
0x8c: {  	s17 =	sshll.u32 s0, $0xA;
	s2 =	sadd.s32 s3, s2  }
0x8d: {  	s2 =	sadd.s32 s2, s17  }
0x8e: {  	[smem:$0x3FBF] =	sst s2  }
0x8f: {  	_ = 	snop  }
0x90: {  	s2 =	sld [smem:$0x3FC9]  }
0x91: {  	s18 =	sld [smem:$0x3FC7]  }
0x92: {  	s4 =	sld [smem:$0x3FD0];
	(tm) =	ssettm $0x1  }
0x93: {  	s5 =	sld [smem:$0x3FFB];
	_ =	sdelay $0x3  }
0x94: {  	_ =	strace s5  }
0x95: {  	s5 =	sld [smem:$0x3FFC];
	_ =	sdelay $0x3  }
0x96: {  	_ =	strace s5  }
0x97: {  	s5 =	sld [smem:$0x3FFD];
	_ =	sdelay $0x3  }
0x98: {  	_ =	strace s5  }
0x99: {  	_ =	strace $0x8FFFFFFF  }
0x9a: {  	s19 =	sld [smem:$0x3FDB];
	_ =	sdelay $0x1  }
0x9b: {  	s6 =	simm.s32 $_scs_section_size  }
0x9c: {  	s7 =	simm.s32 $_size__tile_overlayer_lowered;
	s8 =	simm.s32 $_tile_overlayer_lowered  }
0x9d: {  	s22 =	simm.s32 $0x1BFF;
	s21 =	sshll.u32 s8, $0x1;
	s5 =	sadd.s32 s6, s19  }
0x9e: {  	s9 =	simm.s32 $0x0;
	s20 =	sshll.u32 s7, $0x1;
	s7 =	sadd.s32 s21, s5  }
0x9f: {  	[timem:s9], [sflag:s22] =	dma.local [hbm:s7], s20  }
0xa0: {  	_ =	swait.ge [sflag:s22], s20  }
0xa1: {  	s6 =	ssub.s32 $0x0, s20;
	[sflag:s22] =	ssyncset.done $0x0  }
0xa2: {  	[sflag:s22] =	ssyncadd.s32 s6;
	_ =	sdelay $0x1  }
0xa3: {  	s23 =	simm.s32 $0x1B8B  }
0xa4: {  	_ =	swait.ge [sflag:s23], $0x1  }
0xa5: {  	[sflag:s23] =	ssyncset.done $0x0  }
0xa6: {  	s25 =	simm.s32 $0x1B8E;
	s24 =	sld [smem:$0x3FFE];
	[sflag:s23] =	ssyncadd.s32 $0xFFFFFFFF  }
0xa7: {  	s26 =	simm.s32 $execute0_lowered;
	[smem:$0x3FD2] =	sst s25  }
0xa8: {  	s7 =	sshll.u32 s26, $0x1;
	_ =	strace $0x80000046;
	[dreg:$0x1] =	wrdreg $0xFFFFFFFF  }
0xa9: {  	s28 =	simm.s32 $_size_execute0_lowered;
	s5 =	sadd.s32 s5, s7;
	[dreg:$0x0] =	wrdreg $0x0  }
0xaa: {  	s7 =	sshll.u32 s28, $0x1;
	[dreg:$0x2] =	wrdreg s5  }
0xab: {  	[dreg:$0x3] =	wrdreg s7  }
0xac: {  	[dreg:$0x4] =	wrdreg $0xC0  }
0xad: {  	_ =	task [dreg:s9], $0x5FFFF  }
0xae: {  	[dreg:$0x1] =	wrdreg $0xFFFFFFFF  }
0xaf: {  	[dreg:$0x0] =	wrdreg $0x60  }
0xb0: {  	[dreg:$0x2] =	wrdreg s2  }
0xb1: {  	[dreg:$0x3] =	wrdreg s24  }
0xb2: {  	[dreg:$0x4] =	wrdreg s4  }
0xb3: {  	[dreg:$0x5] =	wrdreg s18  }
0xb4: {  	[dreg:$0x6] =	wrdreg $0xA8000  }
0xb5: {  	[dreg:$0x7] =	wrdreg $0x9  }
0xb6: {  	_ =	task.clear_ibuf [dreg:s9], $0x8FFFF;
	_ =	strace $0x90000046  }
0xb7: {  	s29 =	simm.s32 $0x9;
	_ =	strace $0x80000048  }
0xb8: {  	_ =	swait.ge [sflag:s29], $0x1  }
0xb9: {  	[sflag:s29] =	ssyncadd.s32 $0xFFFFFFFF  }
0xba: {  	_ =	strace $0x90000048  }
0xbb: {  	_ =	sfence  }
0xbc: {  	s30 =	sld [smem:$0x0];
	_ =	sdelay $0x2  }
0xbd: {  	s31 =	sshll.u32 s1, $0xD;
	s1 =	sshrl.u32 s1, $0x2  }
0xbe: {  	s3 =	sand.u32 $0x4000, s31;
	s1 =	sadd.s32 s1, s30  }
0xbf: {  	s0 =	sor.u32 s3, s0;
	s1 =	sshll.u32 s1, $0x11  }
0xc0: {  	s0 =	sor.u32 s1, s0  }
0xc1: {  	s0 =	sadd.s32 $0x8F2B, s0  }
0xc2: {  	[sflag:s0] =	ssyncadd.remote.s32 $0x1  }
0xc3: {  	_ =	sfence.sel $0xFFFF  }
0xc4: {  	[dreg:$0x0] =	wrdreg $0xFFFFFFFF;
	(pc) =	sbr.abs _section_cstart, $3  }
0xc5: {  	[dreg:$0x1] =	wrdreg $0xFFFFFFFF  }
0xc6: {  	_ =	task.clear_ibuf [dreg:s9], $0x2FFFF;
	_ =	strace $0x9FFFFFFF  }
0xc7: {  	(tm) =	ssettm $0x7FFFFFFF  }
tec
execute0_lowered:
.L_overlay_start_1:
0x0: {  	(tag) =	ssettag $0x1  }
0x1: {  	s0 =	rddreg [dreg:$0x0]  }
0x2: {  	s2 =	rddreg [dreg:$0x1]  }
0x3: {  	s1 =	rddreg [dreg:$0x2]  }
0x4: {  	s4 =	rddreg [dreg:$0x3];
	s3 =	srdreg.scid  }
0x5: {  	s5 =	rddreg [dreg:$0x4];
	s14 =	stileid.u32;
	s6 =	simm.s32 $0x0  }
0x6: {  	s30 =	simm.s32 $0x1;
	s29 =	simm.s32 $0x8C00;
	s8 =	smul.u32 $0x1F400, s14  }
0x7: {  	s31 =	simm.s32 $0x4;
	s3 =	sand.u32 $0x1, s3;
	s15 =	smul.u32 $0x7D000, s14  }
0x8: {  	[smem:$0x7FF] =	sst s6;
	s9 =	sshll.u32 s14, $0x1;
	s17 =	smul.u32 $0x3E80, s14  }
0x9: {  	p0 =	sgt.u32 s14, $0x9;
	s14 =	simm.s32 $0x6;
	s7 =	smul.u32 $0x138800, s3  }
0xa: {  	_ =	strace $0x80000047;
	s18 =	sor.u32 s3, s9;
	s3 =	ssub.s32 $0x2, s3  }
0xb: {  	s10 =	smul.u32 $0x2710, s18;
	s20 =	sshrl.u32 s3, $0x1;
	s7 =	sadd.s32 s8, s7  }
0xc: {  	s3 =	ssub.s32 s3, s20;
	s8 =	smul.u32 $0x27100, s18;
	s20 =	sadd.s32 s0, s17  }
0xd: {  	s17 =	simm.s32 $0x7;
	s19 =	sshrl.u32 s7, $0x3;
	s7 =	sadd.s32 $0xC00, s2  }
0xe: {  	s21 =	sshrl.u32 s10, $0x3;
	s11 =	sadd.s32 $0x28, s10;
	s13 =	sadd.s32 $0x50, s10  }
0xf: {  	s26 =	sadd.s32 $0x78, s10;
	[dreg:$0x13] =	wrdreg s20;
	s20 =	simm.s32 $0x8  }
0x10: {  	s2 =	sadd.s32 s19, s2;
	s12 =	sadd.s32 s7, s21;
	[dreg:$0xb] =	wrdreg s26  }
0x11: {  	s22 =	sshrl.u32 s11, $0x3;
	s9 =	sadd.s32 s1, s21;
	[dreg:$0x6] =	wrdreg s12  }
0x12: {  	s24 =	sshrl.u32 s13, $0x3;
	s8 =	sadd.s32 s4, s8;
	[dreg:$0x7] =	wrdreg s9  }
0x13: {  	s28 =	sshrl.u32 s26, $0x3;
	s21 =	sadd.s32 $0x140, s10;
	[dreg:$0xf] =	wrdreg s8  }
0x14: {  	s16 =	sshll.u32 s11, $0x4;
	s26 =	sadd.s32 $0x168, s10;
	[dreg:$0x14] =	wrdreg s21  }
0x15: {  	s18 =	sshll.u32 s13, $0x4;
	s23 =	sadd.s32 s7, s22;
	[dreg:$0x15] =	wrdreg s26  }
0x16: {  	s12 =	sadd.s32 s1, s22;
	s25 =	sadd.s32 s7, s24;
	[dreg:$0x8] =	wrdreg s23  }
0x17: {  	s9 =	sadd.s32 s1, s24;
	s8 =	sadd.s32 s4, s16;
	[dreg:$0x9] =	wrdreg s12  }
0x18: {  	s22 =	sadd.s32 $0xA0, s10;
	s24 =	sadd.s32 $0xF0, s10;
	[dreg:$0xa] =	wrdreg s25  }
0x19: {  	s2 =	sadd.s32 $0xAA00, s2;
	s16 =	simm.s32 $0x3C00;
	[dreg:$0xc] =	wrdreg s9  }
0x1a: {  	s21 =	simm.s32 $0x2;
	s12 =	sadd.s32 s7, s28;
	[dreg:$0x10] =	wrdreg s8  }
0x1b: {  	s9 =	sadd.s32 s1, s28;
	s8 =	sadd.s32 s4, s18;
	[dreg:$0x16] =	wrdreg s2  }
0x1c: {  	s23 =	sadd.s32 $0xC8, s10;
	s25 =	sadd.s32 $0x118, s10;
	[dreg:$0xd] =	wrdreg s12  }
.Ltmp0:
0x1d: {  	s28 =	smax.u32 s3, $0x1;
	[dreg:$0xe] =	wrdreg s9;
	(pc) =	sbr.rel .LBB2_1-.Ltmp0, $4  }
0x1e: {  	s18 =	simm.s32 $0x7800;
	s2 =	simm.s32 $0x5;
	[dreg:$0x11] =	wrdreg s8  }
0x1f: {  	s10 =	simm.s32 $0x0;
	s9 =	sshrl.u32 s15, $0x2;
	[dreg:$0x17] =	wrdreg s28  }
0x20: {  	s12 =	simm.s32 $0xA580;
	s15 =	simm.s32 $0x28;
	s19 =	sadd.s32 s9, s5  }
0x21: {  	s8 =	simm.s32 $0x3;
	[dreg:$0x12] =	wrdreg s19;
	s19 =	simm.s32 $0x9  }
.LBB2_16:
0x22: {  	_ =	swait.ge [sflag:s31], $0x1400  }
0x23: {  	[sflag:s31] =	ssyncset.done $0x0  }
0x24: {  	[sflag:s31] =	ssyncadd.s32 $0xFFFFEC00  }
0x25: {  	_ =	swait.ge [sflag:s2], $0x1400  }
0x26: {  	[sflag:s2] =	ssyncset.done $0x0  }
0x27: {  	[sflag:s2] =	ssyncadd.s32 $0xFFFFEC00  }
0x28: {  	[bflag:$0x0] =	sbarrier.arrive $0xFFFF  }
0x29: {  	s3 =	rddreg [dreg:$0x16]  }
0x2a: {  	s9 =	rddreg [dreg:$0x19]  }
0x2b: {  	s10 =	rddreg [dreg:$0x1a]  }
0x2c: {  	[hbm:s3], [sflag:s9] =	dma.local @!p0 [spmem:s10], $0x3E80  }
0x2d: {  	s3 =	simm.s32 @!p0 $0xC  }
0x2e: {  	_ =	swait.ge @!p0 [sflag:s3], $0x3E80  }
0x2f: {  	s26 =	rddreg [dreg:$0x18]  }
0x30: {  	s28 =	rddreg [dreg:$0x17];
	s10 =	sadd.s32 $0x1, s26  }
0x31: {  	p1 =	sne.s32 s10, s28  }
.Ltmp1:
0x32: {  	_ = 	snop;
	(pc) =	sbr.rel @!p1 .LBB2_17-.Ltmp1, $3  }
0x33: {  	_ =	sdelay $0x1  }
0x34: {  	[sflag:s3] =	ssyncset.done @!p0 $0x0  }
0x35: {  	[sflag:s3] =	ssyncadd.s32 @!p0 $0xFFFFC180  }
.LBB2_1:
0x36: {  	[dreg:$0x18] =	wrdreg s10  }
0x37: {  	s3 =	rddreg [dreg:$0x6];
	s9 =	simm.s32 $0xA000  }
0x38: {  	[tilespmem:s9], [sflag:$0x6] =	stream.linear.gather [hbm4b:s3+s6], $0x28, $0x38;
	[tilespmem:$0x1E080] =	vst v63  }
0x39: {  	s13 =	rddreg [dreg:$0x7];
	s26 =	simm.s32 $0xA400  }
0x3a: {  	[tilespmem:s26], [sflag:$0x6] =	stream.linear.gather [hbm4b:s13+s6], $0x28, $0x38;
	[tilespmem:$0x1E080] =	vst v63  }
0x3b: {  	s28 =	rddreg [dreg:$0x8];
	s10 =	simm.s32 $0xA080  }
0x3c: {  	[tilespmem:s10], [sflag:$0x7] =	stream.linear.gather [hbm4b:s28+s6], $0x28, $0x38;
	[tilespmem:$0x1E080] =	vst v63  }
0x3d: {  	s11 =	rddreg [dreg:$0x9];
	s13 =	simm.s32 $0xA480  }
0x3e: {  	[tilespmem:s13], [sflag:$0x7] =	stream.linear.gather [hbm4b:s11+s6], $0x28, $0x38;
	[tilespmem:$0x1E080] =	vst v63  }
0x3f: {  	s26 =	rddreg [dreg:$0xa];
	s13 =	simm.s32 $0xA100  }
0x40: {  	[tilespmem:s13], [sflag:$0x8] =	stream.linear.gather [hbm4b:s26+s6], $0x28, $0x38;
	[tilespmem:$0x1E080] =	vst v63  }
0x41: {  	s28 =	rddreg [dreg:$0xc];
	s11 =	simm.s32 $0xA500  }
0x42: {  	[tilespmem:s11], [sflag:$0x8] =	stream.linear.gather [hbm4b:s28+s6], $0x28, $0x38;
	[tilespmem:$0x1E080] =	vst v63  }
0x43: {  	s26 =	simm.s32 $0xA180;
	s11 =	rddreg [dreg:$0xd]  }
0x44: {  	[tilespmem:s26], [sflag:$0x9] =	stream.linear.gather [hbm4b:s11+s6], $0x28, $0x38;
	[tilespmem:$0x1E080] =	vst v63  }
0x45: {  	s28 =	rddreg [dreg:$0xe]  }
0x46: {  	[tilespmem:s12], [sflag:$0x9] =	stream.linear.gather [hbm4b:s28+s6], $0x28, $0x38;
	[tilespmem:$0x1E080] =	vst v63  }
0x47: {  	_ =	swait.ge [sflag:s14], $0x28  }
0x48: {  	[sflag:s14] =	ssyncset.done $0x0  }
0x49: {  	[sflag:s14] =	ssyncadd.s32 $0xFFFFFFD8  }
0x4a: {  	_ =	swait.ge [sflag:s14], $0x28  }
0x4b: {  	[sflag:s14] =	ssyncset.done $0x0  }
0x4c: {  	[sflag:s14] =	ssyncadd.s32 $0xFFFFFFD8  }
0x4d: {  	[tilespmem:s16], [sflag:$0x1] =	stream.indirect.gather [hbm4b:s0+s15], $0x80, s9, s15, $0xb8;
	[tilespmem:$0x1E080] =	vst v63  }
0x4e: {  	s9 =	rddreg [dreg:$0xf]  }
0x4f: {  	[tilespmem:s6], [sflag:$0x1] =	stream.linear.gather [hbm4b:s9+s6], $0x1400, $0x38;
	[tilespmem:$0x1E080] =	vst v63  }
0x50: {  	_ =	swait.ge [sflag:s17], $0x28  }
0x51: {  	[sflag:s17] =	ssyncset.done $0x0  }
0x52: {  	[sflag:s17] =	ssyncadd.s32 $0xFFFFFFD8  }
0x53: {  	_ =	swait.ge [sflag:s17], $0x28  }
0x54: {  	[sflag:s17] =	ssyncset.done $0x0  }
0x55: {  	s11 =	simm.s32 $0x5000;
	[sflag:s17] =	ssyncadd.s32 $0xFFFFFFD8  }
0x56: {  	[tilespmem:s11], [sflag:$0x2] =	stream.indirect.gather [hbm4b:s0+s15], $0x80, s10, s15, $0xb8;
	[tilespmem:$0x1E080] =	vst v63  }
0x57: {  	s28 =	simm.s32 $0x1400;
	s26 =	rddreg [dreg:$0x10]  }
0x58: {  	[tilespmem:s28], [sflag:$0x2] =	stream.linear.gather [hbm4b:s26+s6], $0x1400, $0x38;
	[tilespmem:$0x1E080] =	vst v63  }
0x59: {  	s3 =	stileid.u32;
	_ =	swait.ge [sflag:s20], $0x28  }
0x5a: {  	s3 =	sshll.u32 @!p0 s3, $0x6;
	[sflag:s20] =	ssyncset.done $0x0  }
0x5b: {  	s9 =	sor.u32 @!p0 $0x1C0C, s3;
	[sflag:s20] =	ssyncadd.s32 $0xFFFFFFD8  }
0x5c: {  	_ =	swait.ge [sflag:s20], $0x28;
	[dreg:$0x19] =	wrdreg s9  }
0x5d: {  	[sflag:s20] =	ssyncset.done $0x0;
	s26 =	rddreg [dreg:$0x11]  }
0x5e: {  	s10 =	simm.s32 $0x6400;
	s3 =	rddreg [dreg:$0x12];
	[sflag:s20] =	ssyncadd.s32 $0xFFFFFFD8  }
0x5f: {  	[tilespmem:s10], [sflag:$0x3] =	stream.indirect.gather [hbm4b:s0+s15], $0x80, s13, s15, $0xb8;
	[tilespmem:$0x1E080] =	vst v63  }
0x60: {  	s10 =	sshrl.u32 @!p0 s3, $0x3;
	s3 =	rddreg [dreg:$0x13]  }
0x61: {  	s28 =	simm.s32 $0x2800;
	[dreg:$0x1a] =	wrdreg s10  }
0x62: {  	[tilespmem:s28], [sflag:$0x3] =	stream.linear.gather [hbm4b:s26+s6], $0x1400, $0x38;
	[tilespmem:$0x1E080] =	vst v63  }
0x63: {  	[spmem:s10], [sflag:s9] =	dma.local @!p0 [hbm:s3], $0x3E80  }
0x64: {  	s3 =	simm.s32 @!p0 $0xC  }
0x65: {  	_ =	swait.ge @!p0 [sflag:s3], $0x3E80  }
0x66: {  	[sflag:s3] =	ssyncset.done @!p0 $0x0  }
0x67: {  	[sflag:s3] =	ssyncadd.s32 @!p0 $0xFFFFC180  }
0x68: {  	s11 =	simm.s32 $0xA100;
	s3 =	simm.s32 $0x0;
	[bflag:$0x0] =	sbarrier.arrive $0xFFFF  }
.LBB2_2:
0x69: {  	_ =	swait.ge [sflag:s30], $0x1400  }
0x6a: {  	[sflag:s30] =	ssyncset.done $0x0  }
0x6b: {  	[sflag:s30] =	ssyncadd.s32 $0xFFFFEC00  }
0x6c: {  	_ =	swait.ge [sflag:s30], $0x1400  }
0x6d: {  	p1 =	seq.s32 s3, $0x0;
	[sflag:s30] =	ssyncset.done $0x0  }
0x6e: {  	s9 =	simm.s32 @!p1 $0x4;
	[sflag:s30] =	ssyncadd.s32 $0xFFFFEC00  }
0x6f: {  	p2 =	seq.s32 @!p1 s3, $0x29;
	_ =	swait.ge @!p1 [sflag:s9], $0x1400  }
0x70: {  	p2 =	por p1, !p2;
	[sflag:s9] =	ssyncset.done @!p1 $0x0  }
0x71: {  	[sflag:s9] =	ssyncadd.s32 @!p1 $0xFFFFEC00;
	s9 =	smul.u32 @p2 $0xF0, s3;
	_ =	sdelay $0x1  }
0x72: {  	s9 =	sadd.s32 @p2 s9, s22  }
0x73: {  	s9 =	sshrl.u32 @p2 s9, $0x3  }
0x74: {  	s13 =	simm.s32 @p2 $0xA200;
	s10 =	sadd.s32 @p2 s7, s9  }
0x75: {  	[tilespmem:s13], [sflag:$0xA] =	stream.linear.gather @p2 [hbm4b:s10+s6], $0x28, $0x38;
	[tilespmem:$0x1E080] =	vst v63  }
0x76: {  	s26 =	simm.s32 $0x0;
	s9 =	sadd.s32 @p2 s1, s9;
	s10 =	simm.s32 @p2 $0xA600  }
0x77: {  	[tilespmem:s10], [sflag:$0xA] =	stream.linear.gather @p2 [hbm4b:s9+s6], $0x28, $0x38;
	[tilespmem:$0x1E080] =	vst v63  }
0x78: {  	v0 =	vld [tilespmem:s26+$0x70]  }
0x79: {  	v1 =	vld [tilespmem:s26+$0x3C70]  }
0x7a: {  	v2 =	vld [tilespmem:s26+$0x0]  }
0x7b: {  	v3 =	vld [tilespmem:s26+$0x3C00]  }
0x7c: {  	v4 =	vld [tilespmem:s26+$0x10]  }
0x7d: {  	v5 =	vld [tilespmem:s26+$0x3C10]  }
0x7e: {  	v6 =	vld [tilespmem:s26+$0x20]  }
0x7f: {  	v0 =	vadd.f32 v1, v0;
	v1 =	vld [tilespmem:s26+$0x3C20]  }
0x80: {  	v7 =	vld [tilespmem:s26+$0x30]  }
0x81: {  	v8 =	vld [tilespmem:s26+$0x3C30];
	v2 =	vadd.f32 v3, v2  }
0x82: {  	v9 =	vld [tilespmem:s26+$0x40];
	v0 =	vmax.f32 v0, $0.0e+00  }
0x83: {  	[tilespmem:s26+$0x7870] =	vst v0;
	v0 =	vmax.f32 v2, $0.0e+00;
	v2 =	vadd.f32 v5, v4;
	v5 =	vld [tilespmem:s26+$0x3C40]  }
0x84: {  	v3 =	vld [tilespmem:s26+$0x3C50];
	v1 =	vadd.f32 v1, v6  }
0x85: {  	[tilespmem:s26+$0x7800] =	vst v0;
	v0 =	vld [tilespmem:s26+$0x50];
	v2 =	vmax.f32 v2, $0.0e+00  }
0x86: {  	v4 =	vld [tilespmem:s26+$0x3C60];
	v6 =	vadd.f32 v8, v7;
	[tilespmem:s26+$0x7810] =	vst v2;
	v2 =	vmax.f32 v1, $0.0e+00  }
0x87: {  	s13 =	simm.s32 $0x80;
	v1 =	vld [tilespmem:s26+$0x60];
	[tilespmem:s26+$0x7820] =	vst v2  }
0x88: {  	s9 =	simm.s32 $0x400;
	v6 =	vmax.f32 v6, $0.0e+00;
	v5 =	vadd.f32 v5, v9;
	v2 =	vld [tilespmem:s13+$0x70]  }
.LBB2_3:
0x89: {  	p3 =	sne.s32 s9, $0x4E00;
	v7 =	vld [tilespmem:s13+$0x3C70];
	[tilespmem:s26+$0x7830] =	vst v6  }
0x8a: {  	v6 =	vld [tilespmem:s13+$0x0];
	v5 =	vmax.f32 v5, $0.0e+00;
	v0 =	vadd.f32 v3, v0  }
0x8b: {  	v3 =	vld [tilespmem:s13+$0x3C00];
	[tilespmem:s26+$0x7840] =	vst v5  }
0x8c: {  	v5 =	vld [tilespmem:s13+$0x10];
	v0 =	vmax.f32 v0, $0.0e+00;
	v1 =	vadd.f32 v4, v1  }
0x8d: {  	v4 =	vld [tilespmem:s13+$0x3C10];
	[tilespmem:s26+$0x7850] =	vst v0  }
0x8e: {  	v0 =	vld [tilespmem:s13+$0x20];
	v2 =	vadd.f32 v7, v2;
	v1 =	vmax.f32 v1, $0.0e+00  }
0x8f: {  	v7 =	vld [tilespmem:s13+$0x3C20];
	[tilespmem:s26+$0x7860] =	vst v1;
	s26 =	smov.u32 s13  }
0x90: {  	v1 =	vadd.f32 v3, v6;
	v6 =	vld [tilespmem:s26+$0x30];
	v2 =	vmax.f32 v2, $0.0e+00  }
0x91: {  	v8 =	vld [tilespmem:s26+$0x3C30];
	[tilespmem:s26+$0x7870] =	vst v2  }
0x92: {  	v1 =	vmax.f32 v1, $0.0e+00;
	v2 =	vadd.f32 v4, v5;
	v5 =	vld [tilespmem:s26+$0x40]  }
0x93: {  	[tilespmem:s26+$0x7800] =	vst v1;
	v9 =	vld [tilespmem:s26+$0x3C40]  }
.Ltmp2:
0x94: {  	v1 =	vmax.f32 v2, $0.0e+00;
	v2 =	vadd.f32 v7, v0;
	v0 =	vld [tilespmem:s26+$0x50];
	(pc) =	sbr.rel @p3 .LBB2_3-.Ltmp2, $4  }
0x95: {  	[tilespmem:s26+$0x7810] =	vst v1;
	v3 =	vld [tilespmem:s26+$0x3C50]  }
0x96: {  	v2 =	vmax.f32 v2, $0.0e+00;
	v6 =	vadd.f32 v8, v6;
	v1 =	vld [tilespmem:s26+$0x60]  }
0x97: {  	s13 =	sshra.s32 s9, $0x2;
	[tilespmem:s26+$0x7820] =	vst v2;
	v4 =	vld [tilespmem:s26+$0x3C60]  }
0x98: {  	s9 =	sadd.s32 $0x200, s9;
	v2 =	vld [tilespmem:s13+$0x70];
	v6 =	vmax.f32 v6, $0.0e+00;
	v5 =	vadd.f32 v9, v5  }
0x99: {  	v7 =	vld [tilespmem:s13+$0x3C70];
	[tilespmem:s26+$0x7830] =	vst v6  }
0x9a: {  	v6 =	vld [tilespmem:s13+$0x0];
	v5 =	vmax.f32 v5, $0.0e+00;
	v0 =	vadd.f32 v3, v0  }
0x9b: {  	v8 =	vld [tilespmem:s13+$0x3C00];
	[tilespmem:s26+$0x7840] =	vst v5  }
0x9c: {  	v3 =	vld [tilespmem:s13+$0x10];
	v0 =	vmax.f32 v0, $0.0e+00;
	v1 =	vadd.f32 v4, v1  }
0x9d: {  	v5 =	vld [tilespmem:s13+$0x3C10];
	[tilespmem:s26+$0x7850] =	vst v0  }
0x9e: {  	v0 =	vld [tilespmem:s13+$0x20];
	v1 =	vmax.f32 v1, $0.0e+00  }
0x9f: {  	v4 =	vld [tilespmem:s13+$0x3C20];
	v2 =	vadd.f32 v7, v2;
	[tilespmem:s26+$0x7860] =	vst v1  }
0xa0: {  	v6 =	vadd.f32 v8, v6;
	v1 =	vld [tilespmem:s13+$0x30]  }
0xa1: {  	v2 =	vmax.f32 v2, $0.0e+00;
	v7 =	vld [tilespmem:s13+$0x3C30]  }
0xa2: {  	[tilespmem:s13+$0x7870] =	vst v2;
	v2 =	vmax.f32 v6, $0.0e+00;
	v6 =	vld [tilespmem:s13+$0x40]  }
0xa3: {  	v3 =	vadd.f32 v5, v3;
	v5 =	vld [tilespmem:s13+$0x50]  }
0xa4: {  	[tilespmem:s13+$0x7800] =	vst v2;
	v2 =	vld [tilespmem:s13+$0x3C40];
	v0 =	vadd.f32 v4, v0  }
0xa5: {  	v3 =	vmax.f32 v3, $0.0e+00;
	v4 =	vld [tilespmem:s13+$0x60]  }
0xa6: {  	[tilespmem:s13+$0x7810] =	vst v3;
	v3 =	vld [tilespmem:s13+$0x3C50];
	v0 =	vmax.f32 v0, $0.0e+00  }
0xa7: {  	[tilespmem:s13+$0x7820] =	vst v0;
	v0 =	vld [tilespmem:s13+$0x3C60];
	_ =	sdelay $0x1  }
0xa8: {  	v1 =	vadd.f32 v7, v1  }
0xa9: {  	v2 =	vadd.f32 v2, v6  }
0xaa: {  	v1 =	vmax.f32 v1, $0.0e+00;
	v3 =	vadd.f32 v3, v5  }
0xab: {  	[tilespmem:s13+$0x7830] =	vst v1;
	v1 =	vmax.f32 v2, $0.0e+00;
	v0 =	vadd.f32 v0, v4  }
0xac: {  	[tilespmem:s13+$0x7840] =	vst v1;
	v1 =	vmax.f32 v3, $0.0e+00  }
0xad: {  	[tilespmem:s13+$0x7850] =	vst v1;
	v0 =	vmax.f32 v0, $0.0e+00  }
0xae: {  	s9 =	simm.s32 $0xA400;
	[tilespmem:s13+$0x7860] =	vst v0  }
0xaf: {  	[spmem:s5] =	stream.indirect.scatter.add.f32 [tilespmem:s18], [sflag:$0x4], $0x80, s9, s15, $0xb8;
	[tilespmem:$0x1E080] =	vst v63  }
0xb0: {  	_ =	swait.ge [sflag:s19], $0x28  }
0xb1: {  	[sflag:s19] =	ssyncset.done $0x0  }
0xb2: {  	[sflag:s19] =	ssyncadd.s32 $0xFFFFFFD8  }
0xb3: {  	s26 =	smul.u32 $0xF0, s3;
	_ =	swait.ge [sflag:s19], $0x28  }
0xb4: {  	[sflag:s19] =	ssyncset.done $0x0;
	s13 =	rddreg [dreg:$0xb]  }
0xb5: {  	s10 =	simm.s32 $0xA180;
	[sflag:s19] =	ssyncadd.s32 $0xFFFFFFD8;
	s9 =	sadd.s32 s26, s13  }
0xb6: {  	[tilespmem:s16], [sflag:$0x1] =	stream.indirect.gather [hbm4b:s0+s15], $0x80, s10, s15, $0xb8;
	[tilespmem:$0x1E080] =	vst v63  }
0xb7: {  	s9 =	sshll.u32 s9, $0x4  }
0xb8: {  	s9 =	sadd.s32 s4, s9  }
0xb9: {  	[tilespmem:s6], [sflag:$0x1] =	stream.linear.gather [hbm4b:s9+s6], $0x1400, $0x38;
	[tilespmem:$0x1E080] =	vst v63  }
0xba: {  	_ =	swait.ge [sflag:s21], $0x1400  }
0xbb: {  	[sflag:s21] =	ssyncset.done $0x0  }
0xbc: {  	[sflag:s21] =	ssyncadd.s32 $0xFFFFEC00  }
0xbd: {  	_ =	swait.ge [sflag:s21], $0x1400  }
0xbe: {  	[sflag:s21] =	ssyncset.done $0x0  }
0xbf: {  	s9 =	simm.s32 @!p1 $0x5;
	[sflag:s21] =	ssyncadd.s32 $0xFFFFEC00  }
0xc0: {  	_ =	swait.ge @!p1 [sflag:s9], $0x1400  }
0xc1: {  	[sflag:s9] =	ssyncset.done @!p1 $0x0  }
0xc2: {  	[sflag:s9] =	ssyncadd.s32 @!p1 $0xFFFFEC00;
	s9 =	sadd.s32 @p2 s26, s23  }
0xc3: {  	s9 =	sshrl.u32 @p2 s9, $0x3  }
0xc4: {  	s13 =	simm.s32 @p2 $0xA280;
	s10 =	sadd.s32 @p2 s7, s9  }
0xc5: {  	[tilespmem:s13], [sflag:$0xB] =	stream.linear.gather @p2 [hbm4b:s10+s6], $0x28, $0x38;
	[tilespmem:$0x1E080] =	vst v63  }
0xc6: {  	s28 =	simm.s32 $0x0;
	s9 =	sadd.s32 @p2 s1, s9;
	s10 =	simm.s32 @p2 $0xA680  }
0xc7: {  	[tilespmem:s10], [sflag:$0xB] =	stream.linear.gather @p2 [hbm4b:s9+s6], $0x28, $0x38;
	[tilespmem:$0x1E080] =	vst v63  }
0xc8: {  	v0 =	vld [tilespmem:s28+$0x1470]  }
0xc9: {  	v1 =	vld [tilespmem:s28+$0x5070]  }
0xca: {  	v2 =	vld [tilespmem:s28+$0x1400]  }
0xcb: {  	v3 =	vld [tilespmem:s28+$0x5000]  }
0xcc: {  	v4 =	vld [tilespmem:s28+$0x1410]  }
0xcd: {  	v5 =	vld [tilespmem:s28+$0x5010]  }
0xce: {  	v6 =	vld [tilespmem:s28+$0x1420]  }
0xcf: {  	v0 =	vadd.f32 v1, v0;
	v1 =	vld [tilespmem:s28+$0x5020]  }
0xd0: {  	v7 =	vld [tilespmem:s28+$0x1430]  }
0xd1: {  	v8 =	vld [tilespmem:s28+$0x5030];
	v2 =	vadd.f32 v3, v2  }
0xd2: {  	v9 =	vld [tilespmem:s28+$0x1440];
	v0 =	vmax.f32 v0, $0.0e+00  }
0xd3: {  	[tilespmem:s28+$0x8C70] =	vst v0;
	v0 =	vmax.f32 v2, $0.0e+00;
	v2 =	vadd.f32 v5, v4;
	v5 =	vld [tilespmem:s28+$0x5040]  }
0xd4: {  	v3 =	vld [tilespmem:s28+$0x5050];
	v1 =	vadd.f32 v1, v6  }
0xd5: {  	[tilespmem:s28+$0x8C00] =	vst v0;
	v0 =	vld [tilespmem:s28+$0x1450];
	v2 =	vmax.f32 v2, $0.0e+00  }
0xd6: {  	v4 =	vld [tilespmem:s28+$0x5060];
	v6 =	vadd.f32 v8, v7;
	[tilespmem:s28+$0x8C10] =	vst v2;
	v2 =	vmax.f32 v1, $0.0e+00  }
0xd7: {  	s13 =	simm.s32 $0x80;
	v1 =	vld [tilespmem:s28+$0x1460];
	[tilespmem:s28+$0x8C20] =	vst v2  }
0xd8: {  	s9 =	simm.s32 $0x400;
	v6 =	vmax.f32 v6, $0.0e+00;
	v5 =	vadd.f32 v5, v9;
	v2 =	vld [tilespmem:s13+$0x1470]  }
.LBB2_5:
0xd9: {  	p1 =	sne.s32 s9, $0x4E00;
	v7 =	vld [tilespmem:s13+$0x5070];
	[tilespmem:s28+$0x8C30] =	vst v6  }
0xda: {  	v6 =	vld [tilespmem:s13+$0x1400];
	v5 =	vmax.f32 v5, $0.0e+00;
	v0 =	vadd.f32 v3, v0  }
0xdb: {  	v3 =	vld [tilespmem:s13+$0x5000];
	[tilespmem:s28+$0x8C40] =	vst v5  }
0xdc: {  	v5 =	vld [tilespmem:s13+$0x1410];
	v0 =	vmax.f32 v0, $0.0e+00;
	v1 =	vadd.f32 v4, v1  }
0xdd: {  	v4 =	vld [tilespmem:s13+$0x5010];
	[tilespmem:s28+$0x8C50] =	vst v0  }
0xde: {  	v0 =	vld [tilespmem:s13+$0x1420];
	v2 =	vadd.f32 v7, v2;
	v1 =	vmax.f32 v1, $0.0e+00  }
0xdf: {  	v7 =	vld [tilespmem:s13+$0x5020];
	[tilespmem:s28+$0x8C60] =	vst v1;
	s28 =	smov.u32 s13  }
0xe0: {  	v1 =	vadd.f32 v3, v6;
	v6 =	vld [tilespmem:s28+$0x1430];
	v2 =	vmax.f32 v2, $0.0e+00  }
0xe1: {  	v8 =	vld [tilespmem:s28+$0x5030];
	[tilespmem:s28+$0x8C70] =	vst v2  }
0xe2: {  	v1 =	vmax.f32 v1, $0.0e+00;
	v2 =	vadd.f32 v4, v5;
	v5 =	vld [tilespmem:s28+$0x1440]  }
0xe3: {  	[tilespmem:s28+$0x8C00] =	vst v1;
	v9 =	vld [tilespmem:s28+$0x5040]  }
.Ltmp3:
0xe4: {  	v1 =	vmax.f32 v2, $0.0e+00;
	v2 =	vadd.f32 v7, v0;
	v0 =	vld [tilespmem:s28+$0x1450];
	(pc) =	sbr.rel @p1 .LBB2_5-.Ltmp3, $4  }
0xe5: {  	[tilespmem:s28+$0x8C10] =	vst v1;
	v3 =	vld [tilespmem:s28+$0x5050]  }
0xe6: {  	v2 =	vmax.f32 v2, $0.0e+00;
	v6 =	vadd.f32 v8, v6;
	v1 =	vld [tilespmem:s28+$0x1460]  }
0xe7: {  	s13 =	sshra.s32 s9, $0x2;
	[tilespmem:s28+$0x8C20] =	vst v2;
	v4 =	vld [tilespmem:s28+$0x5060]  }
0xe8: {  	s9 =	sadd.s32 $0x200, s9;
	v2 =	vld [tilespmem:s13+$0x1470];
	v6 =	vmax.f32 v6, $0.0e+00;
	v5 =	vadd.f32 v9, v5  }
0xe9: {  	v7 =	vld [tilespmem:s13+$0x5070];
	[tilespmem:s28+$0x8C30] =	vst v6  }
0xea: {  	v6 =	vld [tilespmem:s13+$0x1400];
	v5 =	vmax.f32 v5, $0.0e+00;
	v0 =	vadd.f32 v3, v0  }
0xeb: {  	v8 =	vld [tilespmem:s13+$0x5000];
	[tilespmem:s28+$0x8C40] =	vst v5  }
0xec: {  	v3 =	vld [tilespmem:s13+$0x1410];
	v0 =	vmax.f32 v0, $0.0e+00;
	v1 =	vadd.f32 v4, v1  }
0xed: {  	v5 =	vld [tilespmem:s13+$0x5010];
	[tilespmem:s28+$0x8C50] =	vst v0  }
0xee: {  	v0 =	vld [tilespmem:s13+$0x1420];
	v1 =	vmax.f32 v1, $0.0e+00  }
0xef: {  	v4 =	vld [tilespmem:s13+$0x5020];
	v2 =	vadd.f32 v7, v2;
	[tilespmem:s28+$0x8C60] =	vst v1  }
0xf0: {  	v6 =	vadd.f32 v8, v6;
	v1 =	vld [tilespmem:s13+$0x1430]  }
0xf1: {  	v2 =	vmax.f32 v2, $0.0e+00;
	v7 =	vld [tilespmem:s13+$0x5030]  }
0xf2: {  	[tilespmem:s13+$0x8C70] =	vst v2;
	v2 =	vmax.f32 v6, $0.0e+00;
	v6 =	vld [tilespmem:s13+$0x1440]  }
0xf3: {  	v3 =	vadd.f32 v5, v3;
	v5 =	vld [tilespmem:s13+$0x1450]  }
0xf4: {  	[tilespmem:s13+$0x8C00] =	vst v2;
	v2 =	vld [tilespmem:s13+$0x5040];
	v0 =	vadd.f32 v4, v0  }
0xf5: {  	v3 =	vmax.f32 v3, $0.0e+00;
	v4 =	vld [tilespmem:s13+$0x1460]  }
0xf6: {  	[tilespmem:s13+$0x8C10] =	vst v3;
	v3 =	vld [tilespmem:s13+$0x5050];
	v0 =	vmax.f32 v0, $0.0e+00  }
0xf7: {  	[tilespmem:s13+$0x8C20] =	vst v0;
	v0 =	vld [tilespmem:s13+$0x5060];
	_ =	sdelay $0x1  }
0xf8: {  	v1 =	vadd.f32 v7, v1  }
0xf9: {  	v2 =	vadd.f32 v2, v6  }
0xfa: {  	v1 =	vmax.f32 v1, $0.0e+00;
	v3 =	vadd.f32 v3, v5  }
0xfb: {  	[tilespmem:s13+$0x8C30] =	vst v1;
	v1 =	vmax.f32 v2, $0.0e+00;
	v0 =	vadd.f32 v0, v4  }
0xfc: {  	[tilespmem:s13+$0x8C40] =	vst v1;
	v1 =	vmax.f32 v3, $0.0e+00  }
0xfd: {  	[tilespmem:s13+$0x8C50] =	vst v1;
	v0 =	vmax.f32 v0, $0.0e+00  }
0xfe: {  	s9 =	simm.s32 $0xA480;
	p1 =	seq.s32 s3, $0x29;
	[tilespmem:s13+$0x8C60] =	vst v0  }
0xff: {  	[spmem:s5] =	stream.indirect.scatter.add.f32 [tilespmem:s29], [sflag:$0x5], $0x80, s9, s15, $0xb8;
	[tilespmem:$0x1E080] =	vst v63  }
0x100: {  	s9 =	simm.s32 @p1 $0x3  }
0x101: {  	_ =	swait.ge @p1 [sflag:s9], $0x1400  }
0x102: {  	[sflag:s9] =	ssyncset.done @p1 $0x0  }
0x103: {  	[sflag:s9] =	ssyncadd.s32 @p1 $0xFFFFEC00  }
0x104: {  	_ =	swait.ge @p1 [sflag:s9], $0x1400  }
0x105: {  	[sflag:s9] =	ssyncset.done @p1 $0x0  }
0x106: {  	[sflag:s9] =	ssyncadd.s32 @p1 $0xFFFFEC00;
	s9 =	simm.s32 @p1 $0x4  }
0x107: {  	_ =	swait.ge @p1 [sflag:s9], $0x1400  }
0x108: {  	[sflag:s9] =	ssyncset.done @p1 $0x0  }
0x109: {  	[sflag:s9] =	ssyncadd.s32 @p1 $0xFFFFEC00;
	s9 =	simm.s32 @!p1 $0xA  }
0x10a: {  	_ =	swait.ge @!p1 [sflag:s9], $0x28  }
0x10b: {  	[sflag:s9] =	ssyncset.done @!p1 $0x0  }
0x10c: {  	[sflag:s9] =	ssyncadd.s32 @!p1 $0xFFFFFFD8  }
0x10d: {  	_ =	swait.ge @!p1 [sflag:s9], $0x28  }
0x10e: {  	s10 =	simm.s32 @!p1 $0xA200;
	[sflag:s9] =	ssyncset.done @!p1 $0x0  }
0x10f: {  	s13 =	simm.s32 @!p1 $0x5000;
	[sflag:s9] =	ssyncadd.s32 @!p1 $0xFFFFFFD8;
	s9 =	simm.s32 @!p1 $0x28  }
0x110: {  	[tilespmem:s13], [sflag:$0x2] =	stream.indirect.gather @!p1 [hbm4b:s0+s9], $0x80, s10, s9, $0xb8;
	[tilespmem:$0x1E080] =	vst v63  }
0x111: {  	s9 =	sadd.s32 @!p1 s26, s22  }
0x112: {  	s9 =	sshll.u32 @!p1 s9, $0x4  }
0x113: {  	s10 =	simm.s32 @!p1 $0x0;
	s13 =	simm.s32 @!p1 $0x1400;
	s9 =	sadd.s32 @!p1 s4, s9  }
0x114: {  	[tilespmem:s13], [sflag:$0x2] =	stream.linear.gather @!p1 [hbm4b:s9+s10], $0x1400, $0x38;
	[tilespmem:$0x1E080] =	vst v63  }
0x115: {  	s9 =	simm.s32 @!p1 $0x3  }
0x116: {  	_ =	swait.ge @!p1 [sflag:s9], $0x1400  }
0x117: {  	[sflag:s9] =	ssyncset.done @!p1 $0x0  }
0x118: {  	[sflag:s9] =	ssyncadd.s32 @!p1 $0xFFFFEC00  }
0x119: {  	_ =	swait.ge @!p1 [sflag:s9], $0x1400  }
0x11a: {  	[sflag:s9] =	ssyncset.done @!p1 $0x0  }
0x11b: {  	[sflag:s9] =	ssyncadd.s32 @!p1 $0xFFFFEC00;
	s9 =	simm.s32 @!p1 $0x4  }
0x11c: {  	s13 =	sadd.s32 @!p1 s26, s24;
	_ =	swait.ge @!p1 [sflag:s9], $0x1400  }
0x11d: {  	s13 =	sshrl.u32 @!p1 s13, $0x3;
	[sflag:s9] =	ssyncset.done @!p1 $0x0  }
0x11e: {  	s28 =	simm.s32 @!p1 $0xA000;
	[sflag:s9] =	ssyncadd.s32 @!p1 $0xFFFFEC00;
	s9 =	sadd.s32 @!p1 s7, s13  }
0x11f: {  	[tilespmem:s28], [sflag:$0x6] =	stream.linear.gather @!p1 [hbm4b:s9+s10], $0x28, $0x38;
	[tilespmem:$0x1E080] =	vst v63  }
0x120: {  	s9 =	sadd.s32 @!p1 s1, s13;
	s13 =	simm.s32 @!p1 $0xA400;
	s28 =	simm.s32 $0x0  }
0x121: {  	[tilespmem:s13], [sflag:$0x6] =	stream.linear.gather @!p1 [hbm4b:s9+s10], $0x28, $0x38;
	[tilespmem:$0x1E080] =	vst v63  }
0x122: {  	v0 =	vld [tilespmem:s28+$0x2870]  }
0x123: {  	v1 =	vld [tilespmem:s28+$0x6470]  }
0x124: {  	v2 =	vld [tilespmem:s28+$0x2800]  }
0x125: {  	v3 =	vld [tilespmem:s28+$0x6400]  }
0x126: {  	v4 =	vld [tilespmem:s28+$0x2810]  }
0x127: {  	v5 =	vld [tilespmem:s28+$0x6410]  }
0x128: {  	v6 =	vld [tilespmem:s28+$0x2820]  }
0x129: {  	v0 =	vadd.f32 v1, v0;
	v1 =	vld [tilespmem:s28+$0x6420]  }
0x12a: {  	v7 =	vld [tilespmem:s28+$0x2830]  }
0x12b: {  	v8 =	vld [tilespmem:s28+$0x6430];
	v2 =	vadd.f32 v3, v2  }
0x12c: {  	v9 =	vld [tilespmem:s28+$0x2840];
	v0 =	vmax.f32 v0, $0.0e+00  }
0x12d: {  	[tilespmem:s28+$0x7870] =	vst v0;
	v0 =	vmax.f32 v2, $0.0e+00;
	v2 =	vadd.f32 v5, v4;
	v5 =	vld [tilespmem:s28+$0x6440]  }
0x12e: {  	v3 =	vld [tilespmem:s28+$0x6450];
	v1 =	vadd.f32 v1, v6  }
0x12f: {  	[tilespmem:s28+$0x7800] =	vst v0;
	v0 =	vld [tilespmem:s28+$0x2850];
	v2 =	vmax.f32 v2, $0.0e+00  }
0x130: {  	v4 =	vld [tilespmem:s28+$0x6460];
	v6 =	vadd.f32 v8, v7;
	[tilespmem:s28+$0x7810] =	vst v2;
	v2 =	vmax.f32 v1, $0.0e+00  }
0x131: {  	s13 =	simm.s32 $0x80;
	v1 =	vld [tilespmem:s28+$0x2860];
	[tilespmem:s28+$0x7820] =	vst v2  }
0x132: {  	s9 =	simm.s32 $0x400;
	v6 =	vmax.f32 v6, $0.0e+00;
	v5 =	vadd.f32 v5, v9;
	v2 =	vld [tilespmem:s13+$0x2870]  }
.LBB2_7:
0x133: {  	p2 =	sne.s32 s9, $0x4E00;
	v7 =	vld [tilespmem:s13+$0x6470];
	[tilespmem:s28+$0x7830] =	vst v6  }
0x134: {  	v6 =	vld [tilespmem:s13+$0x2800];
	v5 =	vmax.f32 v5, $0.0e+00;
	v0 =	vadd.f32 v3, v0  }
0x135: {  	v3 =	vld [tilespmem:s13+$0x6400];
	[tilespmem:s28+$0x7840] =	vst v5  }
0x136: {  	v5 =	vld [tilespmem:s13+$0x2810];
	v0 =	vmax.f32 v0, $0.0e+00;
	v1 =	vadd.f32 v4, v1  }
0x137: {  	v4 =	vld [tilespmem:s13+$0x6410];
	[tilespmem:s28+$0x7850] =	vst v0  }
0x138: {  	v0 =	vld [tilespmem:s13+$0x2820];
	v2 =	vadd.f32 v7, v2;
	v1 =	vmax.f32 v1, $0.0e+00  }
0x139: {  	v7 =	vld [tilespmem:s13+$0x6420];
	[tilespmem:s28+$0x7860] =	vst v1;
	s28 =	smov.u32 s13  }
0x13a: {  	v1 =	vadd.f32 v3, v6;
	v6 =	vld [tilespmem:s28+$0x2830];
	v2 =	vmax.f32 v2, $0.0e+00  }
0x13b: {  	v8 =	vld [tilespmem:s28+$0x6430];
	[tilespmem:s28+$0x7870] =	vst v2  }
0x13c: {  	v1 =	vmax.f32 v1, $0.0e+00;
	v2 =	vadd.f32 v4, v5;
	v5 =	vld [tilespmem:s28+$0x2840]  }
0x13d: {  	[tilespmem:s28+$0x7800] =	vst v1;
	v9 =	vld [tilespmem:s28+$0x6440]  }
.Ltmp4:
0x13e: {  	v1 =	vmax.f32 v2, $0.0e+00;
	v2 =	vadd.f32 v7, v0;
	v0 =	vld [tilespmem:s28+$0x2850];
	(pc) =	sbr.rel @p2 .LBB2_7-.Ltmp4, $4  }
0x13f: {  	[tilespmem:s28+$0x7810] =	vst v1;
	v3 =	vld [tilespmem:s28+$0x6450]  }
0x140: {  	v2 =	vmax.f32 v2, $0.0e+00;
	v6 =	vadd.f32 v8, v6;
	v1 =	vld [tilespmem:s28+$0x2860]  }
0x141: {  	s13 =	sshra.s32 s9, $0x2;
	[tilespmem:s28+$0x7820] =	vst v2;
	v4 =	vld [tilespmem:s28+$0x6460]  }
0x142: {  	s9 =	sadd.s32 $0x200, s9;
	v2 =	vld [tilespmem:s13+$0x2870];
	v6 =	vmax.f32 v6, $0.0e+00;
	v5 =	vadd.f32 v9, v5  }
0x143: {  	v7 =	vld [tilespmem:s13+$0x6470];
	[tilespmem:s28+$0x7830] =	vst v6  }
0x144: {  	v6 =	vld [tilespmem:s13+$0x2800];
	v5 =	vmax.f32 v5, $0.0e+00;
	v0 =	vadd.f32 v3, v0  }
0x145: {  	v8 =	vld [tilespmem:s13+$0x6400];
	[tilespmem:s28+$0x7840] =	vst v5  }
0x146: {  	v3 =	vld [tilespmem:s13+$0x2810];
	v0 =	vmax.f32 v0, $0.0e+00;
	v1 =	vadd.f32 v4, v1  }
0x147: {  	v5 =	vld [tilespmem:s13+$0x6410];
	[tilespmem:s28+$0x7850] =	vst v0  }
0x148: {  	v0 =	vld [tilespmem:s13+$0x2820];
	v1 =	vmax.f32 v1, $0.0e+00  }
0x149: {  	v4 =	vld [tilespmem:s13+$0x6420];
	v2 =	vadd.f32 v7, v2;
	[tilespmem:s28+$0x7860] =	vst v1  }
0x14a: {  	v6 =	vadd.f32 v8, v6;
	v1 =	vld [tilespmem:s13+$0x2830]  }
0x14b: {  	v2 =	vmax.f32 v2, $0.0e+00;
	v7 =	vld [tilespmem:s13+$0x6430]  }
0x14c: {  	[tilespmem:s13+$0x7870] =	vst v2;
	v2 =	vmax.f32 v6, $0.0e+00;
	v6 =	vld [tilespmem:s13+$0x2840]  }
0x14d: {  	v3 =	vadd.f32 v5, v3;
	v5 =	vld [tilespmem:s13+$0x2850]  }
0x14e: {  	[tilespmem:s13+$0x7800] =	vst v2;
	v2 =	vld [tilespmem:s13+$0x6440];
	v0 =	vadd.f32 v4, v0  }
0x14f: {  	v3 =	vmax.f32 v3, $0.0e+00;
	v4 =	vld [tilespmem:s13+$0x2860]  }
0x150: {  	[tilespmem:s13+$0x7810] =	vst v3;
	v3 =	vld [tilespmem:s13+$0x6450];
	v0 =	vmax.f32 v0, $0.0e+00  }
0x151: {  	[tilespmem:s13+$0x7820] =	vst v0;
	v0 =	vld [tilespmem:s13+$0x6460];
	_ =	sdelay $0x1  }
0x152: {  	v1 =	vadd.f32 v7, v1  }
0x153: {  	v2 =	vadd.f32 v2, v6  }
0x154: {  	v1 =	vmax.f32 v1, $0.0e+00;
	v3 =	vadd.f32 v3, v5  }
0x155: {  	[tilespmem:s13+$0x7830] =	vst v1;
	v1 =	vmax.f32 v2, $0.0e+00;
	v0 =	vadd.f32 v0, v4  }
0x156: {  	[tilespmem:s13+$0x7840] =	vst v1;
	v1 =	vmax.f32 v3, $0.0e+00  }
0x157: {  	[tilespmem:s13+$0x7850] =	vst v1;
	v0 =	vmax.f32 v0, $0.0e+00  }
0x158: {  	s9 =	simm.s32 $0xA500;
	[tilespmem:s13+$0x7860] =	vst v0  }
0x159: {  	[spmem:s5] =	stream.indirect.scatter.add.f32 [tilespmem:s18], [sflag:$0x4], $0x80, s9, s15, $0xb8;
	[tilespmem:$0x1E080] =	vst v63  }
0x15a: {  	s9 =	simm.s32 @p1 $0x1  }
0x15b: {  	_ =	swait.ge @p1 [sflag:s9], $0x1400  }
0x15c: {  	[sflag:s9] =	ssyncset.done @p1 $0x0  }
0x15d: {  	[sflag:s9] =	ssyncadd.s32 @p1 $0xFFFFEC00  }
0x15e: {  	_ =	swait.ge @p1 [sflag:s9], $0x1400  }
0x15f: {  	[sflag:s9] =	ssyncset.done @p1 $0x0  }
0x160: {  	[sflag:s9] =	ssyncadd.s32 @p1 $0xFFFFEC00;
	s9 =	simm.s32 @p1 $0x5  }
0x161: {  	_ =	swait.ge @p1 [sflag:s9], $0x1400  }
0x162: {  	[sflag:s9] =	ssyncset.done @p1 $0x0  }
0x163: {  	[sflag:s9] =	ssyncadd.s32 @p1 $0xFFFFEC00;
	s9 =	simm.s32 @!p1 $0xB  }
0x164: {  	_ =	swait.ge @!p1 [sflag:s9], $0x28  }
0x165: {  	[sflag:s9] =	ssyncset.done @!p1 $0x0  }
0x166: {  	[sflag:s9] =	ssyncadd.s32 @!p1 $0xFFFFFFD8  }
0x167: {  	_ =	swait.ge @!p1 [sflag:s9], $0x28  }
0x168: {  	s10 =	simm.s32 @!p1 $0xA280;
	[sflag:s9] =	ssyncset.done @!p1 $0x0  }
0x169: {  	s13 =	simm.s32 @!p1 $0x6400;
	[sflag:s9] =	ssyncadd.s32 @!p1 $0xFFFFFFD8;
	s9 =	simm.s32 @!p1 $0x28  }
0x16a: {  	[tilespmem:s13], [sflag:$0x3] =	stream.indirect.gather @!p1 [hbm4b:s0+s9], $0x80, s10, s9, $0xb8;
	[tilespmem:$0x1E080] =	vst v63  }
0x16b: {  	s9 =	sadd.s32 @!p1 s26, s23  }
0x16c: {  	s9 =	sshll.u32 @!p1 s9, $0x4  }
0x16d: {  	s10 =	simm.s32 @!p1 $0x0;
	s13 =	simm.s32 @!p1 $0x2800;
	s9 =	sadd.s32 @!p1 s4, s9  }
0x16e: {  	[tilespmem:s13], [sflag:$0x3] =	stream.linear.gather @!p1 [hbm4b:s9+s10], $0x1400, $0x38;
	[tilespmem:$0x1E080] =	vst v63  }
0x16f: {  	s9 =	simm.s32 @!p1 $0x1  }
0x170: {  	_ =	swait.ge @!p1 [sflag:s9], $0x1400  }
0x171: {  	[sflag:s9] =	ssyncset.done @!p1 $0x0  }
0x172: {  	[sflag:s9] =	ssyncadd.s32 @!p1 $0xFFFFEC00  }
0x173: {  	_ =	swait.ge @!p1 [sflag:s9], $0x1400  }
0x174: {  	[sflag:s9] =	ssyncset.done @!p1 $0x0  }
0x175: {  	[sflag:s9] =	ssyncadd.s32 @!p1 $0xFFFFEC00;
	s9 =	simm.s32 @!p1 $0x5  }
0x176: {  	s13 =	sadd.s32 @!p1 s26, s25;
	_ =	swait.ge @!p1 [sflag:s9], $0x1400  }
0x177: {  	s13 =	sshrl.u32 @!p1 s13, $0x3;
	[sflag:s9] =	ssyncset.done @!p1 $0x0  }
0x178: {  	s28 =	simm.s32 @!p1 $0xA080;
	[sflag:s9] =	ssyncadd.s32 @!p1 $0xFFFFEC00;
	s9 =	sadd.s32 @!p1 s7, s13  }
0x179: {  	[tilespmem:s28], [sflag:$0x7] =	stream.linear.gather @!p1 [hbm4b:s9+s10], $0x28, $0x38;
	[tilespmem:$0x1E080] =	vst v63  }
0x17a: {  	s9 =	sadd.s32 @!p1 s1, s13;
	s13 =	simm.s32 @!p1 $0xA480;
	s28 =	simm.s32 $0x0  }
0x17b: {  	[tilespmem:s13], [sflag:$0x7] =	stream.linear.gather @!p1 [hbm4b:s9+s10], $0x28, $0x38;
	[tilespmem:$0x1E080] =	vst v63  }
0x17c: {  	v0 =	vld [tilespmem:s28+$0x70]  }
0x17d: {  	v1 =	vld [tilespmem:s28+$0x3C70]  }
0x17e: {  	v2 =	vld [tilespmem:s28+$0x0]  }
0x17f: {  	v3 =	vld [tilespmem:s28+$0x3C00]  }
0x180: {  	v4 =	vld [tilespmem:s28+$0x10]  }
0x181: {  	v5 =	vld [tilespmem:s28+$0x3C10]  }
0x182: {  	v6 =	vld [tilespmem:s28+$0x20]  }
0x183: {  	v0 =	vadd.f32 v1, v0;
	v1 =	vld [tilespmem:s28+$0x3C20]  }
0x184: {  	v7 =	vld [tilespmem:s28+$0x30]  }
0x185: {  	v8 =	vld [tilespmem:s28+$0x3C30];
	v2 =	vadd.f32 v3, v2  }
0x186: {  	v9 =	vld [tilespmem:s28+$0x40];
	v0 =	vmax.f32 v0, $0.0e+00  }
0x187: {  	[tilespmem:s28+$0x8C70] =	vst v0;
	v0 =	vmax.f32 v2, $0.0e+00;
	v2 =	vadd.f32 v5, v4;
	v5 =	vld [tilespmem:s28+$0x3C40]  }
0x188: {  	v3 =	vld [tilespmem:s28+$0x3C50];
	v1 =	vadd.f32 v1, v6  }
0x189: {  	[tilespmem:s28+$0x8C00] =	vst v0;
	v0 =	vld [tilespmem:s28+$0x50];
	v2 =	vmax.f32 v2, $0.0e+00  }
0x18a: {  	v4 =	vld [tilespmem:s28+$0x3C60];
	v6 =	vadd.f32 v8, v7;
	[tilespmem:s28+$0x8C10] =	vst v2;
	v2 =	vmax.f32 v1, $0.0e+00  }
0x18b: {  	s13 =	simm.s32 $0x80;
	v1 =	vld [tilespmem:s28+$0x60];
	[tilespmem:s28+$0x8C20] =	vst v2  }
0x18c: {  	s9 =	simm.s32 $0x400;
	v6 =	vmax.f32 v6, $0.0e+00;
	v5 =	vadd.f32 v5, v9;
	v2 =	vld [tilespmem:s13+$0x70]  }
.LBB2_9:
0x18d: {  	p2 =	sne.s32 s9, $0x4E00;
	v7 =	vld [tilespmem:s13+$0x3C70];
	[tilespmem:s28+$0x8C30] =	vst v6  }
0x18e: {  	v6 =	vld [tilespmem:s13+$0x0];
	v5 =	vmax.f32 v5, $0.0e+00;
	v0 =	vadd.f32 v3, v0  }
0x18f: {  	v3 =	vld [tilespmem:s13+$0x3C00];
	[tilespmem:s28+$0x8C40] =	vst v5  }
0x190: {  	v5 =	vld [tilespmem:s13+$0x10];
	v0 =	vmax.f32 v0, $0.0e+00;
	v1 =	vadd.f32 v4, v1  }
0x191: {  	v4 =	vld [tilespmem:s13+$0x3C10];
	[tilespmem:s28+$0x8C50] =	vst v0  }
0x192: {  	v0 =	vld [tilespmem:s13+$0x20];
	v2 =	vadd.f32 v7, v2;
	v1 =	vmax.f32 v1, $0.0e+00  }
0x193: {  	v7 =	vld [tilespmem:s13+$0x3C20];
	[tilespmem:s28+$0x8C60] =	vst v1;
	s28 =	smov.u32 s13  }
0x194: {  	v1 =	vadd.f32 v3, v6;
	v6 =	vld [tilespmem:s28+$0x30];
	v2 =	vmax.f32 v2, $0.0e+00  }
0x195: {  	v8 =	vld [tilespmem:s28+$0x3C30];
	[tilespmem:s28+$0x8C70] =	vst v2  }
0x196: {  	v1 =	vmax.f32 v1, $0.0e+00;
	v2 =	vadd.f32 v4, v5;
	v5 =	vld [tilespmem:s28+$0x40]  }
0x197: {  	[tilespmem:s28+$0x8C00] =	vst v1;
	v9 =	vld [tilespmem:s28+$0x3C40]  }
.Ltmp5:
0x198: {  	v1 =	vmax.f32 v2, $0.0e+00;
	v2 =	vadd.f32 v7, v0;
	v0 =	vld [tilespmem:s28+$0x50];
	(pc) =	sbr.rel @p2 .LBB2_9-.Ltmp5, $4  }
0x199: {  	[tilespmem:s28+$0x8C10] =	vst v1;
	v3 =	vld [tilespmem:s28+$0x3C50]  }
0x19a: {  	v2 =	vmax.f32 v2, $0.0e+00;
	v6 =	vadd.f32 v8, v6;
	v1 =	vld [tilespmem:s28+$0x60]  }
0x19b: {  	s13 =	sshra.s32 s9, $0x2;
	[tilespmem:s28+$0x8C20] =	vst v2;
	v4 =	vld [tilespmem:s28+$0x3C60]  }
0x19c: {  	s9 =	sadd.s32 $0x200, s9;
	v2 =	vld [tilespmem:s13+$0x70];
	v6 =	vmax.f32 v6, $0.0e+00;
	v5 =	vadd.f32 v9, v5  }
0x19d: {  	v7 =	vld [tilespmem:s13+$0x3C70];
	[tilespmem:s28+$0x8C30] =	vst v6  }
0x19e: {  	v6 =	vld [tilespmem:s13+$0x0];
	v5 =	vmax.f32 v5, $0.0e+00;
	v0 =	vadd.f32 v3, v0  }
0x19f: {  	v8 =	vld [tilespmem:s13+$0x3C00];
	[tilespmem:s28+$0x8C40] =	vst v5  }
0x1a0: {  	v52 =	vld [tilespmem:s13+$0x10];
	v0 =	vmax.f32 v0, $0.0e+00;
	v1 =	vadd.f32 v4, v1  }
0x1a1: {  	v5 =	vld [tilespmem:s13+$0x3C10];
	[tilespmem:s28+$0x8C50] =	vst v0  }
0x1a2: {  	v0 =	vld [tilespmem:s13+$0x20];
	v1 =	vmax.f32 v1, $0.0e+00  }
0x1a3: {  	v53 =	vld [tilespmem:s13+$0x3C20];
	[tilespmem:s28+$0x8C60] =	vst v1  }
0x1a4: {  	v1 =	vld [tilespmem:s13+$0x30]  }
0x1a5: {  	v54 =	vld [tilespmem:s13+$0x3C30]  }
0x1a6: {  	v56 =	vld [tilespmem:s13+$0x40]  }
0x1a7: {  	v57 =	vld [tilespmem:s13+$0x3C40]  }
0x1a8: {  	v58 =	vld [tilespmem:s13+$0x50]  }
0x1a9: {  	v2 =	vadd.f32 v7, v2;
	v59 =	vld [tilespmem:s13+$0x3C50]  }
0x1aa: {  	v6 =	vadd.f32 v8, v6;
	v60 =	vld [tilespmem:s13+$0x60]  }
0x1ab: {  	v2 =	vmax.f32 v2, $0.0e+00;
	v61 =	vld [tilespmem:s13+$0x3C60];
	v3 =	vadd.f32 v5, v52  }
0x1ac: {  	[tilespmem:s13+$0x8C70] =	vst v2;
	v55 =	vmax.f32 v6, $0.0e+00;
	v0 =	vadd.f32 v53, v0  }
0x1ad: {  	[tilespmem:s13+$0x8C00] =	vst v55;
	v3 =	vmax.f32 v3, $0.0e+00;
	v1 =	vadd.f32 v54, v1  }
0x1ae: {  	[tilespmem:s13+$0x8C10] =	vst v3;
	v0 =	vmax.f32 v0, $0.0e+00;
	v2 =	vadd.f32 v57, v56  }
0x1af: {  	v3 =	vadd.f32 v59, v58;
	[tilespmem:s13+$0x8C20] =	vst v0;
	v1 =	vmax.f32 v1, $0.0e+00  }
.Ltmp6:
0x1b0: {  	v0 =	vadd.f32 v61, v60;
	v62 =	vmax.f32 v2, $0.0e+00;
	[tilespmem:s13+$0x8C30] =	vst v1;
	(pc) =	sbr.rel @p1 .LBB2_16-.Ltmp6, $4  }
0x1b1: {  	v63 =	vmax.f32 v3, $0.0e+00;
	[tilespmem:s13+$0x8C40] =	vst v62  }
0x1b2: {  	[tilespmem:s13+$0x8C50] =	vst v63;
	v0 =	vmax.f32 v0, $0.0e+00  }
0x1b3: {  	[tilespmem:s13+$0x8C60] =	vst v0  }
0x1b4: {  	[spmem:s5] =	stream.indirect.scatter.add.f32 [tilespmem:s29], [sflag:$0x5], $0x80, s12, s15, $0xb8;
	[tilespmem:$0x1E080] =	vst v63  }
0x1b5: {  	_ =	swait.ge [sflag:s14], $0x28  }
0x1b6: {  	[sflag:s14] =	ssyncset.done $0x0  }
0x1b7: {  	[sflag:s14] =	ssyncadd.s32 $0xFFFFFFD8  }
0x1b8: {  	_ =	swait.ge [sflag:s14], $0x28  }
0x1b9: {  	[sflag:s14] =	ssyncset.done $0x0  }
0x1ba: {  	s9 =	simm.s32 $0xA000;
	s10 =	sadd.s32 s26, s24;
	[sflag:s14] =	ssyncadd.s32 $0xFFFFFFD8  }
0x1bb: {  	[tilespmem:s16], [sflag:$0x1] =	stream.indirect.gather [hbm4b:s0+s15], $0x80, s9, s15, $0xb8;
	[tilespmem:$0x1E080] =	vst v63  }
0x1bc: {  	s9 =	sshll.u32 s10, $0x4  }
0x1bd: {  	s10 =	simm.s32 $0x0;
	s9 =	sadd.s32 s4, s9  }
0x1be: {  	[tilespmem:s10], [sflag:$0x1] =	stream.linear.gather [hbm4b:s9+s10], $0x1400, $0x38;
	[tilespmem:$0x1E080] =	vst v63  }
0x1bf: {  	_ =	swait.ge [sflag:s21], $0x1400  }
0x1c0: {  	[sflag:s21] =	ssyncset.done $0x0  }
0x1c1: {  	[sflag:s21] =	ssyncadd.s32 $0xFFFFEC00  }
0x1c2: {  	_ =	swait.ge [sflag:s21], $0x1400  }
0x1c3: {  	[sflag:s21] =	ssyncset.done $0x0  }
0x1c4: {  	[sflag:s21] =	ssyncadd.s32 $0xFFFFEC00  }
0x1c5: {  	_ =	swait.ge [sflag:s31], $0x1400  }
0x1c6: {  	s13 =	rddreg [dreg:$0x14]  }
0x1c7: {  	s28 =	sadd.s32 s26, s13  }
0x1c8: {  	[sflag:s31] =	ssyncset.done $0x0;
	s9 =	sshrl.u32 s28, $0x3  }
0x1c9: {  	[sflag:s31] =	ssyncadd.s32 $0xFFFFEC00;
	s13 =	sadd.s32 s7, s9  }
0x1ca: {  	[tilespmem:s11], [sflag:$0x8] =	stream.linear.gather [hbm4b:s13+s10], $0x28, $0x38;
	[tilespmem:$0x1E080] =	vst v63  }
0x1cb: {  	s9 =	sadd.s32 s1, s9;
	s13 =	simm.s32 $0xA500  }
0x1cc: {  	[tilespmem:s13], [sflag:$0x8] =	stream.linear.gather [hbm4b:s9+s10], $0x28, $0x38;
	[tilespmem:$0x1E080] =	vst v63  }
0x1cd: {  	s13 =	simm.s32 $0x0  }
0x1ce: {  	v0 =	vld [tilespmem:s13+$0x1470]  }
0x1cf: {  	v1 =	vld [tilespmem:s13+$0x5070]  }
0x1d0: {  	v2 =	vld [tilespmem:s13+$0x1400]  }
0x1d1: {  	v3 =	vld [tilespmem:s13+$0x5000]  }
0x1d2: {  	v4 =	vld [tilespmem:s13+$0x1410]  }
0x1d3: {  	v5 =	vld [tilespmem:s13+$0x5010]  }
0x1d4: {  	v6 =	vld [tilespmem:s13+$0x1420]  }
0x1d5: {  	v0 =	vadd.f32 v1, v0;
	v1 =	vld [tilespmem:s13+$0x5020]  }
0x1d6: {  	v7 =	vld [tilespmem:s13+$0x1430]  }
0x1d7: {  	v8 =	vld [tilespmem:s13+$0x5030];
	v2 =	vadd.f32 v3, v2  }
0x1d8: {  	v9 =	vld [tilespmem:s13+$0x1440];
	v0 =	vmax.f32 v0, $0.0e+00  }
0x1d9: {  	[tilespmem:s13+$0x7870] =	vst v0;
	v0 =	vmax.f32 v2, $0.0e+00;
	v2 =	vadd.f32 v5, v4;
	v5 =	vld [tilespmem:s13+$0x5040]  }
0x1da: {  	v3 =	vld [tilespmem:s13+$0x5050];
	v1 =	vadd.f32 v1, v6  }
0x1db: {  	[tilespmem:s13+$0x7800] =	vst v0;
	v0 =	vld [tilespmem:s13+$0x1450];
	v2 =	vmax.f32 v2, $0.0e+00  }
0x1dc: {  	v4 =	vld [tilespmem:s13+$0x5060];
	v6 =	vadd.f32 v8, v7;
	[tilespmem:s13+$0x7810] =	vst v2;
	v2 =	vmax.f32 v1, $0.0e+00  }
0x1dd: {  	s9 =	simm.s32 $0x80;
	v1 =	vld [tilespmem:s13+$0x1460];
	[tilespmem:s13+$0x7820] =	vst v2  }
0x1de: {  	s10 =	simm.s32 $0x400;
	v6 =	vmax.f32 v6, $0.0e+00;
	v5 =	vadd.f32 v5, v9;
	v2 =	vld [tilespmem:s9+$0x1470]  }
.LBB2_12:
0x1df: {  	p1 =	sne.s32 s10, $0x4E00;
	v7 =	vld [tilespmem:s9+$0x5070];
	[tilespmem:s13+$0x7830] =	vst v6  }
0x1e0: {  	v6 =	vld [tilespmem:s9+$0x1400];
	v5 =	vmax.f32 v5, $0.0e+00;
	v0 =	vadd.f32 v3, v0  }
0x1e1: {  	v3 =	vld [tilespmem:s9+$0x5000];
	[tilespmem:s13+$0x7840] =	vst v5  }
0x1e2: {  	v5 =	vld [tilespmem:s9+$0x1410];
	v0 =	vmax.f32 v0, $0.0e+00;
	v1 =	vadd.f32 v4, v1  }
0x1e3: {  	v4 =	vld [tilespmem:s9+$0x5010];
	[tilespmem:s13+$0x7850] =	vst v0  }
0x1e4: {  	v0 =	vld [tilespmem:s9+$0x1420];
	v2 =	vadd.f32 v7, v2;
	v1 =	vmax.f32 v1, $0.0e+00  }
0x1e5: {  	v7 =	vld [tilespmem:s9+$0x5020];
	[tilespmem:s13+$0x7860] =	vst v1;
	s13 =	smov.u32 s9  }
0x1e6: {  	v1 =	vadd.f32 v3, v6;
	v6 =	vld [tilespmem:s13+$0x1430];
	v2 =	vmax.f32 v2, $0.0e+00  }
0x1e7: {  	v8 =	vld [tilespmem:s13+$0x5030];
	[tilespmem:s13+$0x7870] =	vst v2  }
0x1e8: {  	v1 =	vmax.f32 v1, $0.0e+00;
	v2 =	vadd.f32 v4, v5;
	v5 =	vld [tilespmem:s13+$0x1440]  }
0x1e9: {  	[tilespmem:s13+$0x7800] =	vst v1;
	v9 =	vld [tilespmem:s13+$0x5040]  }
.Ltmp7:
0x1ea: {  	v1 =	vmax.f32 v2, $0.0e+00;
	v2 =	vadd.f32 v7, v0;
	v0 =	vld [tilespmem:s13+$0x1450];
	(pc) =	sbr.rel @p1 .LBB2_12-.Ltmp7, $4  }
0x1eb: {  	[tilespmem:s13+$0x7810] =	vst v1;
	v3 =	vld [tilespmem:s13+$0x5050]  }
0x1ec: {  	v2 =	vmax.f32 v2, $0.0e+00;
	v6 =	vadd.f32 v8, v6;
	v1 =	vld [tilespmem:s13+$0x1460]  }
0x1ed: {  	s9 =	sshra.s32 s10, $0x2;
	[tilespmem:s13+$0x7820] =	vst v2;
	v4 =	vld [tilespmem:s13+$0x5060]  }
0x1ee: {  	s10 =	sadd.s32 $0x200, s10;
	v2 =	vld [tilespmem:s9+$0x1470];
	v6 =	vmax.f32 v6, $0.0e+00;
	v5 =	vadd.f32 v9, v5  }
0x1ef: {  	v7 =	vld [tilespmem:s9+$0x5070];
	[tilespmem:s13+$0x7830] =	vst v6  }
0x1f0: {  	v6 =	vld [tilespmem:s9+$0x1400];
	v5 =	vmax.f32 v5, $0.0e+00;
	v0 =	vadd.f32 v3, v0  }
0x1f1: {  	v8 =	vld [tilespmem:s9+$0x5000];
	[tilespmem:s13+$0x7840] =	vst v5  }
0x1f2: {  	v3 =	vld [tilespmem:s9+$0x1410];
	v0 =	vmax.f32 v0, $0.0e+00;
	v1 =	vadd.f32 v4, v1  }
0x1f3: {  	v5 =	vld [tilespmem:s9+$0x5010];
	[tilespmem:s13+$0x7850] =	vst v0  }
0x1f4: {  	v0 =	vld [tilespmem:s9+$0x1420];
	v1 =	vmax.f32 v1, $0.0e+00  }
0x1f5: {  	v4 =	vld [tilespmem:s9+$0x5020];
	v2 =	vadd.f32 v7, v2;
	[tilespmem:s13+$0x7860] =	vst v1  }
0x1f6: {  	v6 =	vadd.f32 v8, v6;
	v1 =	vld [tilespmem:s9+$0x1430]  }
0x1f7: {  	v2 =	vmax.f32 v2, $0.0e+00;
	v7 =	vld [tilespmem:s9+$0x5030]  }
0x1f8: {  	[tilespmem:s9+$0x7870] =	vst v2;
	v2 =	vmax.f32 v6, $0.0e+00;
	v6 =	vld [tilespmem:s9+$0x1440]  }
0x1f9: {  	v3 =	vadd.f32 v5, v3;
	v5 =	vld [tilespmem:s9+$0x1450]  }
0x1fa: {  	[tilespmem:s9+$0x7800] =	vst v2;
	v2 =	vld [tilespmem:s9+$0x5040];
	v0 =	vadd.f32 v4, v0  }
0x1fb: {  	v3 =	vmax.f32 v3, $0.0e+00;
	v4 =	vld [tilespmem:s9+$0x1460]  }
0x1fc: {  	[tilespmem:s9+$0x7810] =	vst v3;
	v3 =	vld [tilespmem:s9+$0x5050];
	v0 =	vmax.f32 v0, $0.0e+00  }
0x1fd: {  	[tilespmem:s9+$0x7820] =	vst v0;
	v0 =	vld [tilespmem:s9+$0x5060];
	_ =	sdelay $0x1  }
0x1fe: {  	v1 =	vadd.f32 v7, v1  }
0x1ff: {  	v2 =	vadd.f32 v2, v6  }
0x200: {  	v1 =	vmax.f32 v1, $0.0e+00;
	v3 =	vadd.f32 v3, v5  }
0x201: {  	[tilespmem:s9+$0x7830] =	vst v1;
	v1 =	vmax.f32 v2, $0.0e+00;
	v0 =	vadd.f32 v0, v4  }
0x202: {  	[tilespmem:s9+$0x7840] =	vst v1;
	v1 =	vmax.f32 v3, $0.0e+00  }
0x203: {  	[tilespmem:s9+$0x7850] =	vst v1;
	v0 =	vmax.f32 v0, $0.0e+00  }
0x204: {  	s10 =	simm.s32 $0xA600;
	[tilespmem:s9+$0x7860] =	vst v0  }
0x205: {  	[spmem:s5] =	stream.indirect.scatter.add.f32 [tilespmem:s18], [sflag:$0x4], $0x80, s10, s15, $0xb8;
	[tilespmem:$0x1E080] =	vst v63  }
0x206: {  	_ =	swait.ge [sflag:s17], $0x28  }
0x207: {  	[sflag:s17] =	ssyncset.done $0x0  }
0x208: {  	[sflag:s17] =	ssyncadd.s32 $0xFFFFFFD8  }
0x209: {  	_ =	swait.ge [sflag:s17], $0x28  }
0x20a: {  	[sflag:s17] =	ssyncset.done $0x0  }
0x20b: {  	s13 =	simm.s32 $0xA080;
	s10 =	simm.s32 $0x5000;
	[sflag:s17] =	ssyncadd.s32 $0xFFFFFFD8  }
0x20c: {  	[tilespmem:s10], [sflag:$0x2] =	stream.indirect.gather [hbm4b:s0+s15], $0x80, s13, s15, $0xb8;
	[tilespmem:$0x1E080] =	vst v63  }
0x20d: {  	s10 =	sadd.s32 s26, s25  }
0x20e: {  	s9 =	sshll.u32 s10, $0x4  }
0x20f: {  	s13 =	simm.s32 $0x1400;
	s10 =	simm.s32 $0x0;
	s9 =	sadd.s32 s4, s9  }
0x210: {  	[tilespmem:s13], [sflag:$0x2] =	stream.linear.gather [hbm4b:s9+s10], $0x1400, $0x38;
	[tilespmem:$0x1E080] =	vst v63  }
0x211: {  	_ =	swait.ge [sflag:s8], $0x1400  }
0x212: {  	[sflag:s8] =	ssyncset.done $0x0  }
0x213: {  	[sflag:s8] =	ssyncadd.s32 $0xFFFFEC00  }
0x214: {  	_ =	swait.ge [sflag:s8], $0x1400  }
0x215: {  	[sflag:s8] =	ssyncset.done $0x0  }
0x216: {  	[sflag:s8] =	ssyncadd.s32 $0xFFFFEC00  }
0x217: {  	_ =	swait.ge [sflag:s2], $0x1400  }
0x218: {  	s13 =	rddreg [dreg:$0x15]  }
0x219: {  	s9 =	sadd.s32 s26, s13  }
0x21a: {  	[sflag:s2] =	ssyncset.done $0x0;
	s9 =	sshrl.u32 s9, $0x3  }
0x21b: {  	[sflag:s2] =	ssyncadd.s32 $0xFFFFEC00;
	s26 =	simm.s32 $0xA180;
	s13 =	sadd.s32 s7, s9  }
0x21c: {  	[tilespmem:s26], [sflag:$0x9] =	stream.linear.gather [hbm4b:s13+s10], $0x28, $0x38;
	[tilespmem:$0x1E080] =	vst v63  }
0x21d: {  	s9 =	sadd.s32 s1, s9;
	s13 =	simm.s32 $0x0  }
0x21e: {  	[tilespmem:s12], [sflag:$0x9] =	stream.linear.gather [hbm4b:s9+s10], $0x28, $0x38;
	[tilespmem:$0x1E080] =	vst v63  }
0x21f: {  	v0 =	vld [tilespmem:s13+$0x2870]  }
0x220: {  	v1 =	vld [tilespmem:s13+$0x6470]  }
0x221: {  	v2 =	vld [tilespmem:s13+$0x2800]  }
0x222: {  	v3 =	vld [tilespmem:s13+$0x6400]  }
0x223: {  	v4 =	vld [tilespmem:s13+$0x2810]  }
0x224: {  	v5 =	vld [tilespmem:s13+$0x6410]  }
0x225: {  	v6 =	vld [tilespmem:s13+$0x2820]  }
0x226: {  	v0 =	vadd.f32 v1, v0;
	v1 =	vld [tilespmem:s13+$0x6420]  }
0x227: {  	v7 =	vld [tilespmem:s13+$0x2830]  }
0x228: {  	v8 =	vld [tilespmem:s13+$0x6430];
	v2 =	vadd.f32 v3, v2  }
0x229: {  	v9 =	vld [tilespmem:s13+$0x2840];
	v0 =	vmax.f32 v0, $0.0e+00  }
0x22a: {  	[tilespmem:s13+$0x8C70] =	vst v0;
	v0 =	vmax.f32 v2, $0.0e+00;
	v2 =	vadd.f32 v5, v4;
	v5 =	vld [tilespmem:s13+$0x6440]  }
0x22b: {  	v3 =	vld [tilespmem:s13+$0x6450];
	v1 =	vadd.f32 v1, v6  }
0x22c: {  	[tilespmem:s13+$0x8C00] =	vst v0;
	v0 =	vld [tilespmem:s13+$0x2850];
	v2 =	vmax.f32 v2, $0.0e+00  }
0x22d: {  	v4 =	vld [tilespmem:s13+$0x6460];
	v6 =	vadd.f32 v8, v7;
	[tilespmem:s13+$0x8C10] =	vst v2;
	v2 =	vmax.f32 v1, $0.0e+00  }
0x22e: {  	s9 =	simm.s32 $0x80;
	v1 =	vld [tilespmem:s13+$0x2860];
	[tilespmem:s13+$0x8C20] =	vst v2  }
0x22f: {  	s10 =	simm.s32 $0x400;
	v6 =	vmax.f32 v6, $0.0e+00;
	v5 =	vadd.f32 v5, v9;
	v2 =	vld [tilespmem:s9+$0x2870]  }
.LBB2_14:
0x230: {  	p1 =	sne.s32 s10, $0x4E00;
	v7 =	vld [tilespmem:s9+$0x6470];
	[tilespmem:s13+$0x8C30] =	vst v6  }
0x231: {  	v6 =	vld [tilespmem:s9+$0x2800];
	v5 =	vmax.f32 v5, $0.0e+00;
	v0 =	vadd.f32 v3, v0  }
0x232: {  	v3 =	vld [tilespmem:s9+$0x6400];
	[tilespmem:s13+$0x8C40] =	vst v5  }
0x233: {  	v5 =	vld [tilespmem:s9+$0x2810];
	v0 =	vmax.f32 v0, $0.0e+00;
	v1 =	vadd.f32 v4, v1  }
0x234: {  	v4 =	vld [tilespmem:s9+$0x6410];
	[tilespmem:s13+$0x8C50] =	vst v0  }
0x235: {  	v0 =	vld [tilespmem:s9+$0x2820];
	v2 =	vadd.f32 v7, v2;
	v1 =	vmax.f32 v1, $0.0e+00  }
0x236: {  	v7 =	vld [tilespmem:s9+$0x6420];
	[tilespmem:s13+$0x8C60] =	vst v1;
	s13 =	smov.u32 s9  }
0x237: {  	v1 =	vadd.f32 v3, v6;
	v6 =	vld [tilespmem:s13+$0x2830];
	v2 =	vmax.f32 v2, $0.0e+00  }
0x238: {  	v8 =	vld [tilespmem:s13+$0x6430];
	[tilespmem:s13+$0x8C70] =	vst v2  }
0x239: {  	v1 =	vmax.f32 v1, $0.0e+00;
	v2 =	vadd.f32 v4, v5;
	v5 =	vld [tilespmem:s13+$0x2840]  }
0x23a: {  	[tilespmem:s13+$0x8C00] =	vst v1;
	v9 =	vld [tilespmem:s13+$0x6440]  }
.Ltmp8:
0x23b: {  	v1 =	vmax.f32 v2, $0.0e+00;
	v2 =	vadd.f32 v7, v0;
	v0 =	vld [tilespmem:s13+$0x2850];
	(pc) =	sbr.rel @p1 .LBB2_14-.Ltmp8, $4  }
0x23c: {  	[tilespmem:s13+$0x8C10] =	vst v1;
	v3 =	vld [tilespmem:s13+$0x6450]  }
0x23d: {  	v2 =	vmax.f32 v2, $0.0e+00;
	v6 =	vadd.f32 v8, v6;
	v1 =	vld [tilespmem:s13+$0x2860]  }
0x23e: {  	s9 =	sshra.s32 s10, $0x2;
	[tilespmem:s13+$0x8C20] =	vst v2;
	v4 =	vld [tilespmem:s13+$0x6460]  }
0x23f: {  	s10 =	sadd.s32 $0x200, s10;
	v2 =	vld [tilespmem:s9+$0x2870];
	v6 =	vmax.f32 v6, $0.0e+00;
	v5 =	vadd.f32 v9, v5  }
0x240: {  	v7 =	vld [tilespmem:s9+$0x6470];
	[tilespmem:s13+$0x8C30] =	vst v6  }
0x241: {  	v6 =	vld [tilespmem:s9+$0x2800];
	v5 =	vmax.f32 v5, $0.0e+00;
	v0 =	vadd.f32 v3, v0  }
0x242: {  	v8 =	vld [tilespmem:s9+$0x6400];
	[tilespmem:s13+$0x8C40] =	vst v5  }
0x243: {  	v52 =	vld [tilespmem:s9+$0x2810];
	v0 =	vmax.f32 v0, $0.0e+00;
	v1 =	vadd.f32 v4, v1  }
0x244: {  	v5 =	vld [tilespmem:s9+$0x6410];
	[tilespmem:s13+$0x8C50] =	vst v0  }
0x245: {  	v0 =	vld [tilespmem:s9+$0x2820];
	v1 =	vmax.f32 v1, $0.0e+00  }
0x246: {  	v53 =	vld [tilespmem:s9+$0x6420];
	[tilespmem:s13+$0x8C60] =	vst v1  }
0x247: {  	v1 =	vld [tilespmem:s9+$0x2830]  }
0x248: {  	v54 =	vld [tilespmem:s9+$0x6430]  }
0x249: {  	v56 =	vld [tilespmem:s9+$0x2840]  }
0x24a: {  	v57 =	vld [tilespmem:s9+$0x6440]  }
0x24b: {  	v58 =	vld [tilespmem:s9+$0x2850]  }
0x24c: {  	v2 =	vadd.f32 v7, v2;
	v59 =	vld [tilespmem:s9+$0x6450]  }
0x24d: {  	v6 =	vadd.f32 v8, v6;
	v60 =	vld [tilespmem:s9+$0x2860]  }
0x24e: {  	v2 =	vmax.f32 v2, $0.0e+00;
	v61 =	vld [tilespmem:s9+$0x6460];
	v3 =	vadd.f32 v5, v52  }
0x24f: {  	[tilespmem:s9+$0x8C70] =	vst v2;
	v55 =	vmax.f32 v6, $0.0e+00;
	v0 =	vadd.f32 v53, v0  }
0x250: {  	[tilespmem:s9+$0x8C00] =	vst v55;
	v3 =	vmax.f32 v3, $0.0e+00;
	v1 =	vadd.f32 v54, v1  }
0x251: {  	[tilespmem:s9+$0x8C10] =	vst v3;
	v0 =	vmax.f32 v0, $0.0e+00;
	v2 =	vadd.f32 v57, v56  }
0x252: {  	v3 =	vadd.f32 v59, v58;
	[tilespmem:s9+$0x8C20] =	vst v0;
	v1 =	vmax.f32 v1, $0.0e+00  }
0x253: {  	v0 =	vadd.f32 v61, v60;
	v62 =	vmax.f32 v2, $0.0e+00;
	[tilespmem:s9+$0x8C30] =	vst v1  }
0x254: {  	v63 =	vmax.f32 v3, $0.0e+00;
	[tilespmem:s9+$0x8C40] =	vst v62  }
0x255: {  	[tilespmem:s9+$0x8C50] =	vst v63;
	v0 =	vmax.f32 v0, $0.0e+00  }
0x256: {  	s13 =	simm.s32 $0xA680;
	[tilespmem:s9+$0x8C60] =	vst v0  }
0x257: {  	[spmem:s5] =	stream.indirect.scatter.add.f32 [tilespmem:s29], [sflag:$0x5], $0x80, s13, s15, $0xb8;
	[tilespmem:$0x1E080] =	vst v63  }
0x258: {  	_ =	swait.ge [sflag:s20], $0x28  }
0x259: {  	[sflag:s20] =	ssyncset.done $0x0  }
0x25a: {  	[sflag:s20] =	ssyncadd.s32 $0xFFFFFFD8  }
0x25b: {  	_ =	swait.ge [sflag:s20], $0x28  }
.Ltmp9:
0x25c: {  	[sflag:s20] =	ssyncset.done $0x0;
	(pc) =	sbr.rel .LBB2_2-.Ltmp9, $4  }
0x25d: {  	s26 =	simm.s32 $0x6400;
	s28 =	sshll.u32 s28, $0x4;
	[sflag:s20] =	ssyncadd.s32 $0xFFFFFFD8  }
0x25e: {  	[tilespmem:s26], [sflag:$0x3] =	stream.indirect.gather [hbm4b:s0+s15], $0x80, s11, s15, $0xb8;
	[tilespmem:$0x1E080] =	vst v63  }
0x25f: {  	s10 =	simm.s32 $0x2800;
	s3 =	sadd.s32 $0x1, s3;
	s9 =	sadd.s32 s4, s28  }
0x260: {  	[tilespmem:s10], [sflag:$0x3] =	stream.linear.gather [hbm4b:s9+s6], $0x1400, $0x38;
	[tilespmem:$0x1E080] =	vst v63  }
.LBB2_17:
0x261: {  	_ =	sfence.sel $0x180000  }
0x262: {  	[bflag:$0x0] =	sbarrier.arrive $0xFFFF  }
0x263: {  	_ =	strace $0x90000047  }
0x264: {  	s0 =	stileid.u32;
	[bflag:$0x2] =	sbarrier.arrive $0xFFFF  }
0x265: {  	p0 =	sne.s32 s0, $0x0;
	s0 =	rddreg [dreg:$0x5]  }
0x266: {  	s0 =	sadd.s32 @!p0 $0x100000, s0  }
0x267: {  	[sflag:s0] =	ssyncadd.tile.s32 @!p0 $0x1;
	_ =	shalt  }
.Lfunc_end2:
_tile_overlayer_lowered:
.L_overlay_start_2:
0x268: {  	(tag) =	ssettag $0x2  }
0x269: {  	s0 =	rddreg [dreg:$0x0];
	s2 =	stileid.u32  }
0x26a: {  	s1 =	rddreg [dreg:$0x1];
	p0 =	sne.s32 s2, $0x0  }
0x26b: {  	s3 =	rddreg [dreg:$0x2];
	[bflag:$0x3] =	sbarrier.arrive $0xFFFF;
	s2 =	simm.s32 @!p0 $0x1C0C  }
0x26c: {  	[timem:s3], [sflag:s2] =	dma.local @!p0 [hbm:s0], s1  }
0x26d: {  	s0 =	simm.s32 @!p0 $0xC  }
0x26e: {  	_ =	swait.ge @!p0 [sflag:s0], s1  }
0x26f: {  	s1 =	ssub.s32 @!p0 $0x0, s1;
	[sflag:s0] =	ssyncset.done @!p0 $0x0  }
0x270: {  	[sflag:s0] =	ssyncadd.s32 @!p0 s1  }
0x271: {  	[bflag:$0x3] =	sbarrier.arrive $0xFFFF  }
0x272: {  	_ =	shalt  }

</sc_bundles>
